<compile_context>
chip_gen: v7x
topology: tpu7x:2x2x1
jax: 0.10.2.dev20260603
libtpu: 0.0.44.dev20260713+nightly
codegen_flags: <defaults>
</compile_context>

<pallas_src>
import functools

import jax
import jax.numpy as jnp
import numpy as np
from jax import lax
from jax.experimental import pallas as pl
from jax.experimental.pallas import tpu as pltpu
from jax.experimental.pallas import tpu_sc as plsc

B = 8
N = 50000
D = 128
K = 2048

SH = 12504
SH_LAST = N - 3 * SH
NV = (SH + 15) // 16
NQP = NV * 16
NCH = (NQP + 127) // 128
KBUF = NCH * 128
CAND = 1024
M = 4 * CAND
BINS = 2048
INT_MIN = np.int32(-2147483648)
KEY_PAD = np.int32(-1)
IDX_PAD = np.int32(0x7FFFFFFF)

_mesh = plsc.VectorSubcoreMesh(core_axis_name="c", subcore_axis_name="s")
_params = pltpu.CompilerParams(needs_layout_passes=False)


def _iota():
    return lax.iota(jnp.int32, 16)


def _vtake(x, i):
    return lax.gather(
        x, i[:, None],
        dimension_numbers=lax.GatherDimensionNumbers(
            offset_dims=(), collapsed_slice_dims=(0,), start_index_map=(0,)),
        slice_sizes=(1,),
        mode=lax.GatherScatterMode.PROMISE_IN_BOUNDS)


def _splat(s):
    return jnp.full((16,), s, jnp.int32)


def _runs(d_s):
    iota = _iota()
    nxt = _vtake(d_s, jnp.minimum(iota + 1, 15))
    prv = _vtake(d_s, jnp.maximum(iota - 1, 0))
    is_end = (iota == 15) | (d_s != nxt)
    is_start = (iota == 0) | (d_s != prv)
    start = plsc.cummax(jnp.where(is_start, iota, 0))
    run_rank = iota - start
    return is_end, run_rank, run_rank + 1


def _sorted_digits(d):
    iota = _iota()
    sk, _ = plsc.sort_key_val(d * 16 + iota, d)
    return lax.shift_right_logical(sk, 4), sk & 15


def _radix_pass(src_k, src_i, dst_k, dst_i, bins, shift, mask):
    nv = M // 16

    def zero_body(v, _):
        bins[pl.ds(v * 16, 16)] = jnp.zeros((16,), jnp.int32)
        return 0

    lax.fori_loop(0, BINS // 16, zero_body, 0)

    ones = _splat(1)

    def hist_body(v, _):
        for u in range(2):
            ku = src_k[pl.ds((v * 2 + u) * 16, 16)]
            d = lax.shift_right_logical(ku, shift) & mask
            plsc.addupdate_scatter(bins, [d], ones)
        return 0

    lax.fori_loop(0, nv // 2, hist_body, 0)

    def scan_body(v, carry):
        h = bins[pl.ds(v * 16, 16)]
        inc = plsc.cumsum(h)
        bins[pl.ds(v * 16, 16)] = inc - h + _splat(carry)
        return carry + jnp.max(inc)

    lax.fori_loop(0, BINS // 16, scan_body, jnp.int32(0))

    def perm_body(v, _):
        ku = src_k[pl.ds(v * 16, 16)]
        ix = src_i[pl.ds(v * 16, 16)]
        d = lax.shift_right_logical(ku, shift) & mask
        d_s, ol = _sorted_digits(d)
        is_end, run_rank, cnt = _runs(d_s)
        base = plsc.load_gather(bins, [d_s])
        pos = base + run_rank
        plsc.store_scatter(dst_k, [pos], _vtake(ku, ol))
        plsc.store_scatter(dst_i, [pos], _vtake(ix, ol))
        plsc.addupdate_scatter(bins, [d_s], cnt, mask=is_end)
        return 0

    lax.fori_loop(0, nv, perm_body, 0)


@functools.partial(
    pl.kernel,
    out_type=jax.ShapeDtypeStruct((B * K,), jnp.int32),
    mesh=_mesh,
    scratch_types=[
        pltpu.VMEM((KBUF,), jnp.float32),
        pltpu.VMEM((KBUF,), jnp.int32),
        pltpu.VMEM((NQP,), jnp.int32),
        pltpu.VMEM((256,), jnp.int32),
        pltpu.VMEM((4, 256), jnp.int32),
        pltpu.VMEM((CAND,), jnp.int32),
        pltpu.VMEM((CAND,), jnp.int32),
        pltpu.VMEM((M,), jnp.int32),
        pltpu.VMEM((M,), jnp.int32),
        pltpu.VMEM((M,), jnp.int32),
        pltpu.VMEM((M,), jnp.int32),
        pltpu.VMEM((BINS,), jnp.int32),
        pltpu.VMEM_SHARED((4, 4, 256), jnp.int32),
        pltpu.VMEM_SHARED((4, M), jnp.int32),
        pltpu.VMEM_SHARED((4, M), jnp.int32),
        pltpu.SemaphoreType.DMA,
    ],
    compiler_params=_params,
)
def _select_kernel(z_flat, sel_hbm, keysf, gidx, keyu, hist, hists4,
                   cand_k, cand_i, sk0, si0, sk1, si1, bins,
                   sp_hists, sp_merge_k, sp_merge_i, sem):
    c = lax.axis_index("c")
    s = lax.axis_index("s")
    wid = c * 16 + s
    b = wid // 4
    bb = s // 4
    q = s % 4
    iota = _iota()

    row0 = b * N + q * SH
    nq = jnp.where(q == 3, SH_LAST, SH)
    nclamp = _splat(nq - 1)

    def idx_body(v, _):
        i = _splat(v * 16) + iota
        r = _splat(row0) + jnp.minimum(i, nclamp)
        gidx[pl.ds(v * 16, 16)] = r * D + (D - 1)
        return 0

    lax.fori_loop(0, KBUF // 16, idx_body, 0)

    def fire_body(ch, _):
        pltpu.async_copy(z_flat.at[gidx.at[pl.ds(ch * 128, 128)]],
                         keysf.at[pl.ds(ch * 128, 128)], sem)
        return 0

    lax.fori_loop(0, NCH, fire_body, 0)
    pltpu.make_async_copy(z_flat.at[pl.ds(0, KBUF)], keysf, sem).wait()

    def hzero(v, _):
        hist[pl.ds(v * 16, 16)] = jnp.zeros((16,), jnp.int32)
        return 0

    lax.fori_loop(0, 16, hzero, 0)

    ones = _splat(1)

    def key_body(v, _):
        for u in range(2):
            vv = v * 2 + u
            kb = lax.bitcast_convert_type(keysf[pl.ds(vv * 16, 16)],
                                          jnp.int32)
            m = lax.shift_right_arithmetic(kb, 31)
            ku = kb ^ (m | INT_MIN)
            valid = (_splat(vv * 16) + iota) < _splat(nq)
            ku = jnp.where(valid, ku, KEY_PAD)
            keyu[pl.ds(vv * 16, 16)] = ku
            d = lax.shift_right_logical(ku, 24)
            plsc.addupdate_scatter(hist, [d], ones)
        return 0

    lax.fori_loop(0, NV // 2, key_body, 0)

    pltpu.sync_copy(hist, sp_hists.at[bb, q])
    plsc.subcore_barrier()
    for j in range(4):
        pltpu.sync_copy(sp_hists.at[bb, j], hists4.at[j])

    def bstar_body(v, carry):
        bstar, run = carry
        h = (hists4[0, pl.ds(v * 16, 16)] + hists4[1, pl.ds(v * 16, 16)]
             + hists4[2, pl.ds(v * 16, 16)] + hists4[3, pl.ds(v * 16, 16)])
        inc = plsc.cumsum(h) + _splat(run)
        bstar = bstar + jnp.sum((inc < K).astype(jnp.int32))
        return bstar, jnp.max(inc)

    bstar, _ = lax.fori_loop(0, 16, bstar_body,
                             (jnp.int32(0), jnp.int32(0)))
    bstar_v = _splat(bstar)

    def c1_body(v, acc):
        h = (hists4[0, pl.ds(v * 16, 16)] + hists4[1, pl.ds(v * 16, 16)]
             + hists4[2, pl.ds(v * 16, 16)] + hists4[3, pl.ds(v * 16, 16)])
        binid = _splat(v * 16) + iota
        return acc + jnp.sum(jnp.where(binid < bstar_v, h, 0))

    c1 = lax.fori_loop(0, 16, c1_body, jnp.int32(0))

    def h2zero(v, _):
        hist[pl.ds(v * 16, 16)] = jnp.zeros((16,), jnp.int32)
        return 0

    lax.fori_loop(0, 16, h2zero, 0)

    def lvl2_body(v, _):
        for u in range(2):
            ku = keyu[pl.ds((v * 2 + u) * 16, 16)]
            d1 = lax.shift_right_logical(ku, 24)
            d2 = lax.shift_right_logical(ku, 16) & 0xFF
            plsc.addupdate_scatter(hist, [d2], ones, mask=d1 == bstar_v)
        return 0

    lax.fori_loop(0, NV // 2, lvl2_body, 0)

    plsc.subcore_barrier()
    pltpu.sync_copy(hist, sp_hists.at[bb, q])
    plsc.subcore_barrier()
    for j in range(4):
        pltpu.sync_copy(sp_hists.at[bb, j], hists4.at[j])

    k2 = K - c1

    def b2_body(v, carry):
        b2, run = carry
        h = (hists4[0, pl.ds(v * 16, 16)] + hists4[1, pl.ds(v * 16, 16)]
             + hists4[2, pl.ds(v * 16, 16)] + hists4[3, pl.ds(v * 16, 16)])
        inc = plsc.cumsum(h) + _splat(run)
        b2 = b2 + jnp.sum((inc < _splat(k2)).astype(jnp.int32))
        return b2, jnp.max(inc)

    b2star, _ = lax.fori_loop(0, 16, b2_body,
                              (jnp.int32(0), jnp.int32(0)))
    b2star_v = _splat(b2star)

    def czero(v, _):
        cand_k[pl.ds(v * 16, 16)] = jnp.full((16,), KEY_PAD, jnp.int32)
        cand_i[pl.ds(v * 16, 16)] = jnp.full((16,), IDX_PAD, jnp.int32)
        return 0

    lax.fori_loop(0, CAND // 16, czero, 0)

    def compact_body(v, off):
        ku = keyu[pl.ds(v * 16, 16)]
        d = lax.shift_right_logical(ku, 24)
        d2 = lax.shift_right_logical(ku, 16) & 0xFF
        keep = (d < bstar_v) | ((d == bstar_v) & (d2 <= b2star_v))
        node = _splat(q * SH + v * 16) + iota

        @pl.when(off <= CAND - 16)
        def _():
            plsc.store_compressed(cand_k.at[pl.ds(off, 16)], ku, mask=keep)
            plsc.store_compressed(cand_i.at[pl.ds(off, 16)], node, mask=keep)

        npop = jnp.max(plsc.all_reduce_population_count(keep))
        return off + npop

    lax.fori_loop(0, NV, compact_body, jnp.int32(0))

    pltpu.sync_copy(cand_k, sp_merge_k.at[bb, pl.ds(q * CAND, CAND)])
    pltpu.sync_copy(cand_i, sp_merge_i.at[bb, pl.ds(q * CAND, CAND)])
    plsc.subcore_barrier()

    @pl.when(q == 0)
    def _():
        pltpu.sync_copy(sp_merge_k.at[bb], sk0)
        pltpu.sync_copy(sp_merge_i.at[bb], si0)
        _radix_pass(sk0, si0, sk1, si1, bins, 0, jnp.int32(0x7FF))
        _radix_pass(sk1, si1, sk0, si0, bins, 11, jnp.int32(0x7FF))
        _radix_pass(sk0, si0, sk1, si1, bins, 22, jnp.int32(0x3FF))
        pltpu.sync_copy(si1.at[pl.ds(0, K)], sel_hbm.at[pl.ds(b * K, K)])


@functools.partial(
    pl.kernel,
    out_type=jax.ShapeDtypeStruct((B * K, D), jnp.float32),
    mesh=_mesh,
    scratch_types=[
        pltpu.VMEM((K // 4,), jnp.int32),
        pltpu.VMEM((4, 128), jnp.int32),
        pltpu.VMEM((512, D), jnp.float32),
        pltpu.SemaphoreType.DMA,
    ],
    compiler_params=_params,
)
def _gather_kernel(z_hbm, sel_hbm, out_hbm, myidx, rowidx, rows, sem):
    c = lax.axis_index("c")
    s = lax.axis_index("s")
    wid = c * 16 + s
    b = wid // 4
    kq = K // 4

    pltpu.sync_copy(sel_hbm.at[pl.ds(wid * kq, kq)], myidx)
    base_row = b * N
    for v in range(kq // 16):
        nd = myidx[pl.ds(v * 16, 16)] + _splat(base_row)
        rowidx[v // 8, pl.ds((v % 8) * 16, 16)] = nd

    for ch in range(4):
        pltpu.async_copy(z_hbm.at[rowidx.at[ch]],
                         rows.at[pl.ds(ch * 128, 128)], sem)
    pltpu.make_async_copy(z_hbm.at[pl.ds(0, 512)], rows, sem).wait()
    pltpu.sync_copy(rows, out_hbm.at[pl.ds(wid * kq, kq)])


def kernel(Z):
    sel = _select_kernel(Z.reshape(-1))
    out = _gather_kernel(Z.reshape(B * N, D), sel)
    return out.reshape(B, K, D)

# --- scband reference (transcript-rebuilt; emitter-appended) ---
"""Pipeline reference for scband-sort-pooling-75007308857483 (READ-ONLY COPY).

The authoritative reference and input builder live on the scoring server;
editing this copy changes nothing except your own understanding.
"""

import jax, jax.numpy as jnp
import numpy as np

K = 2048

def setup_inputs(seed: int = 0) -> dict:
    key = jax.random.key(seed)
    Z = jax.random.normal(key, (8, 50000, 128), dtype=jnp.float32)
    return {"Z": Z}

def reference(Z):
    # SortPooling: sort nodes (axis=-2) ascending by last feature channel,
    # gather full feature rows in that order, then keep first k nodes
    # (pad with zeros if n < k; here n >= k so we truncate).
    perm = jnp.argsort(Z[..., -1], axis=-1)  # (batch, N), ascending like tf.argsort
    Z_sorted = jnp.take_along_axis(Z, perm[..., None], axis=-2).astype(jnp.float32)
    n = Z.shape[-2]
    if K <= n:
        Z_out = Z_sorted[..., :K, :]
    else:
        pad_width = [(0, 0)] * (Z.ndim - 2)
        pad_width[-1:] = []  # keep structure explicit below
        pad_width = [(0, 0)] * (Z.ndim - 2) + [(0, K - n), (0, 0)]
        Z_out = jnp.pad(Z_sorted, pad_width)
    return Z_out

if __name__ == "__main__":
    import jax
    _d = setup_inputs()
    print(jax.jit(kernel)(*tuple(_d.values())))

</pallas_src>

<mosaic_0001>
#map = affine_map<(d0, d1) -> (0)>
module attributes {stable_mosaic.version = 14 : i64} {
  func.func @_select_kernel(%arg0: i32, %arg1: i32, %arg2: memref<51200000xf32, #tpu.memory_space<hbm>>, %arg3: memref<16384xi32, #tpu.memory_space<hbm>>, %arg4: memref<12544xf32, #tpu.memory_space<vmem>>, %arg5: memref<12544xi32, #tpu.memory_space<vmem>>, %arg6: memref<12512xi32, #tpu.memory_space<vmem>>, %arg7: memref<256xi32, #tpu.memory_space<vmem>>, %arg8: memref<4x256xi32, #tpu.memory_space<vmem>>, %arg9: memref<1024xi32, #tpu.memory_space<vmem>>, %arg10: memref<1024xi32, #tpu.memory_space<vmem>>, %arg11: memref<4096xi32, #tpu.memory_space<vmem>>, %arg12: memref<4096xi32, #tpu.memory_space<vmem>>, %arg13: memref<4096xi32, #tpu.memory_space<vmem>>, %arg14: memref<4096xi32, #tpu.memory_space<vmem>>, %arg15: memref<2048xi32, #tpu.memory_space<vmem>>, %arg16: memref<4x4x256xi32, #tpu.memory_space<vmem_shared>>, %arg17: memref<4x4096xi32, #tpu.memory_space<vmem_shared>>, %arg18: memref<4x4096xi32, #tpu.memory_space<vmem_shared>>, %arg19: memref<!tpu.dma_semaphore, #tpu.memory_space<semaphore_mem>>) attributes {dimension_semantics = [#tpu.dimension_semantics<core_parallel>, #tpu.dimension_semantics<subcore_parallel>], iteration_bounds = array<i64: 2, 16>, scalar_prefetch = 0 : i64, scratch_operands = 16 : i64, tpu.core_type = #tpu.core_type<sc_vector_subcore>, window_params = [{transform_indices = #map}, {transform_indices = #map}]} {
    %mul3A = arith.constant 16 : i32
    %mul3A_0 = arith.muli %arg0, %mul3A : i32
    %add3A = arith.addi %mul3A_0, %arg1 : i32
    %jit3A = arith.constant 4 : i32
    %div3A = arith.divsi %add3A, %jit3A : i32
    %sign3A = arith.constant 0 : i32
    %sign3A_1 = arith.cmpi sgt, %add3A, %sign3A : i32
    %sign3A_2 = arith.extui %sign3A_1 : i1 to i32
    %sign3A_3 = arith.constant 0 : i32
    %sign3A_4 = arith.cmpi slt, %add3A, %sign3A_3 : i32
    %sign3A_5 = arith.extui %sign3A_4 : i1 to i32
    %sign3A_6 = arith.subi %sign3A_2, %sign3A_5 : i32
    %sign3A_7 = arith.constant 0 : i32
    %sign3A_8 = arith.cmpi sgt, %jit3A, %sign3A_7 : i32
    %sign3A_9 = arith.extui %sign3A_8 : i1 to i32
    %sign3A_10 = arith.constant 0 : i32
    %sign3A_11 = arith.cmpi slt, %jit3A, %sign3A_10 : i32
    %sign3A_12 = arith.extui %sign3A_11 : i1 to i32
    %sign3A_13 = arith.subi %sign3A_9, %sign3A_12 : i32
    %ne3A = arith.cmpi ne, %sign3A_6, %sign3A_13 : i32
    %rem3A = arith.remsi %add3A, %jit3A : i32
    %ne3A_14 = arith.constant 0 : i32
    %ne3A_15 = arith.cmpi ne, %rem3A, %ne3A_14 : i32
    %and3A = arith.andi %ne3A, %ne3A_15 : i1
    %sub3A = arith.constant 1 : i32
    %sub3A_16 = arith.subi %div3A, %sub3A : i32
    %select_n3A = arith.select %and3A, %sub3A_16, %div3A : i32
    %jit3A_17 = arith.constant 4 : i32
    %div3A_18 = arith.divsi %arg1, %jit3A_17 : i32
    %sign3A_19 = arith.constant 0 : i32
    %sign3A_20 = arith.cmpi sgt, %arg1, %sign3A_19 : i32
    %sign3A_21 = arith.extui %sign3A_20 : i1 to i32
    %sign3A_22 = arith.constant 0 : i32
    %sign3A_23 = arith.cmpi slt, %arg1, %sign3A_22 : i32
    %sign3A_24 = arith.extui %sign3A_23 : i1 to i32
    %sign3A_25 = arith.subi %sign3A_21, %sign3A_24 : i32
    %sign3A_26 = arith.constant 0 : i32
    %sign3A_27 = arith.cmpi sgt, %jit3A_17, %sign3A_26 : i32
    %sign3A_28 = arith.extui %sign3A_27 : i1 to i32
    %sign3A_29 = arith.constant 0 : i32
    %sign3A_30 = arith.cmpi slt, %jit3A_17, %sign3A_29 : i32
    %sign3A_31 = arith.extui %sign3A_30 : i1 to i32
    %sign3A_32 = arith.subi %sign3A_28, %sign3A_31 : i32
    %ne3A_33 = arith.cmpi ne, %sign3A_25, %sign3A_32 : i32
    %rem3A_34 = arith.remsi %arg1, %jit3A_17 : i32
    %ne3A_35 = arith.constant 0 : i32
    %ne3A_36 = arith.cmpi ne, %rem3A_34, %ne3A_35 : i32
    %and3A_37 = arith.andi %ne3A_33, %ne3A_36 : i1
    %sub3A_38 = arith.constant 1 : i32
    %sub3A_39 = arith.subi %div3A_18, %sub3A_38 : i32
    %select_n3A_40 = arith.select %and3A_37, %sub3A_39, %div3A_18 : i32
    %jit3A_41 = arith.constant 4 : i32
    %eq3A = arith.constant 0 : i32
    %eq3A_42 = arith.cmpi eq, %jit3A_41, %eq3A : i32
    %jit3A_43 = arith.constant 1 : i32
    %select_n3A_44 = arith.select %eq3A_42, %jit3A_43, %jit3A_41 : i32
    %rem3A_45 = arith.remsi %arg1, %select_n3A_44 : i32
    %ne3A_46 = arith.constant 0 : i32
    %ne3A_47 = arith.cmpi ne, %rem3A_45, %ne3A_46 : i32
    %lt3A = arith.constant 0 : i32
    %lt3A_48 = arith.cmpi slt, %rem3A_45, %lt3A : i32
    %lt3A_49 = arith.constant 0 : i32
    %lt3A_50 = arith.cmpi slt, %select_n3A_44, %lt3A_49 : i32
    %ne3A_51 = arith.xori %lt3A_48, %lt3A_50 : i1
    %and3A_52 = arith.andi %ne3A_51, %ne3A_47 : i1
    %add3A_53 = arith.addi %rem3A_45, %select_n3A_44 : i32
    %select_n3A_54 = arith.select %and3A_52, %add3A_53, %rem3A_45 : i32
    %iota3A = tpu.iota {dimensions = array<i32: 0>} : vector<16xi32>
    %mul3A_55 = arith.constant 50000 : i32
    %mul3A_56 = arith.muli %select_n3A, %mul3A_55 : i32
    %mul3A_57 = arith.constant 12504 : i32
    %mul3A_58 = arith.muli %select_n3A_54, %mul3A_57 : i32
    %add3A_59 = arith.addi %mul3A_56, %mul3A_58 : i32
    %eq3A_60 = arith.constant 3 : i32
    %eq3A_61 = arith.cmpi eq, %select_n3A_54, %eq3A_60 : i32
    %jit3A_62 = arith.constant 12488 : i32
    %jit3A_63 = arith.constant 12504 : i32
    %select_n3A_64 = arith.select %eq3A_61, %jit3A_62, %jit3A_63 : i32
    %sub3A_65 = arith.constant 1 : i32
    %sub3A_66 = arith.subi %select_n3A_64, %sub3A_65 : i32
    %broadcast_in_dim3A = vector.broadcast %sub3A_66 : i32 to vector<16xi32>
    %scan3A = arith.constant 0 : i32
    %scan3A_67 = arith.constant 0 : i32
    %scan3A_68 = arith.constant 784 : i32
    %scan3A_69 = arith.addi %scan3A_67, %scan3A_68 : i32
    %scan3A_70 = arith.constant 1 : i32
    %scan3A_71 = scf.for %scan3A_179 = %scan3A_67 to %scan3A_69 step %scan3A_70 iter_args(%scan3A_180 = %scan3A) -> (i32)  : i32 {
      %mul3A_181 = arith.constant 16 : i32
      %mul3A_182 = arith.muli %scan3A_179, %mul3A_181 : i32
      %broadcast_in_dim3A_183 = vector.broadcast %mul3A_182 : i32 to vector<16xi32>
      %add3A_184 = arith.addi %broadcast_in_dim3A_183, %iota3A : vector<16xi32>
      %broadcast_in_dim3A_185 = vector.broadcast %add3A_59 : i32 to vector<16xi32>
      %min3A = arith.minsi %add3A_184, %broadcast_in_dim3A : vector<16xi32>
      %add3A_186 = arith.addi %broadcast_in_dim3A_185, %min3A : vector<16xi32>
      %mul3A_187 = arith.constant 128 : i32
      %mul3A_188 = vector.broadcast %mul3A_187 : i32 to vector<16xi32>
      %mul3A_189 = arith.muli %add3A_186, %mul3A_188 : vector<16xi32>
      %add3A_190 = arith.constant 127 : i32
      %add3A_191 = vector.broadcast %add3A_190 : i32 to vector<16xi32>
      %add3A_192 = arith.addi %mul3A_189, %add3A_191 : vector<16xi32>
      %mul3A_193 = arith.constant 16 : i32
      %mul3A_194 = arith.muli %scan3A_179, %mul3A_193 : i32
      %swap3A = arith.index_cast %mul3A_194 : i32 to index
      %swap3A_195 = tpu.vector_load %arg5[%swap3A] {strides = array<i32>} : memref<12544xi32, #tpu.memory_space<vmem>>, vector<16xi32>,
      tpu.vector_store %arg5[%swap3A], %add3A_192 {strides = array<i32>} : memref<12544xi32, #tpu.memory_space<vmem>>, vector<16xi32>,
      %scan3A_196 = arith.constant 0 : i32
      scf.yield %scan3A_196 : i32
    }
    %scan3A_72 = arith.constant 784 : i32
    %scan3A_73 = arith.constant 0 : i32
    %scan3A_74 = arith.constant 0 : i32
    %scan3A_75 = arith.constant 98 : i32
    %scan3A_76 = arith.addi %scan3A_74, %scan3A_75 : i32
    %scan3A_77 = arith.constant 1 : i32
    %scan3A_78 = scf.for %scan3A_179 = %scan3A_74 to %scan3A_76 step %scan3A_77 iter_args(%scan3A_180 = %scan3A_73) -> (i32)  : i32 {
      %mul3A_181 = arith.constant 128 : i32
      %mul3A_182 = arith.muli %scan3A_179, %mul3A_181 : i32
      %mul3A_183 = arith.constant 128 : i32
      %mul3A_184 = arith.muli %scan3A_179, %mul3A_183 : i32
      %dma_start3A = tpu.memref_slice %arg4[%mul3A_184] : memref<12544xf32, #tpu.memory_space<vmem>> -> memref<128xf32, #tpu.memory_space<vmem>>
      %dma_start3A_185 = tpu.memref_slice %arg5[%mul3A_182] : memref<12544xi32, #tpu.memory_space<vmem>> -> memref<128xi32, #tpu.memory_space<vmem>>
      %dma_start3A_186 = arith.constant 0 : i32
      %dma_start3A_187 = tpu.memref_slice %arg2[%dma_start3A_186] : memref<51200000xf32, #tpu.memory_space<hbm>> -> memref<51200000xf32, #tpu.memory_space<hbm>>
      tpu.enqueue_indirect_dma source(%dma_start3A_187 : memref<51200000xf32, #tpu.memory_space<hbm>>) target(%dma_start3A : memref<128xf32, #tpu.memory_space<vmem>>) offsets(%dma_start3A_185 : memref<128xi32, #tpu.memory_space<vmem>>) semaphore(%arg19 : memref<!tpu.dma_semaphore, #tpu.memory_space<semaphore_mem>>)
      %scan3A_188 = arith.constant 0 : i32
      scf.yield %scan3A_188 : i32
    }
    %scan3A_79 = arith.constant 98 : i32
    %dma_wait3A = arith.constant 0 : i32
    %dma_wait3A_80 = tpu.memref_slice %arg2[%dma_wait3A] : memref<51200000xf32, #tpu.memory_space<hbm>> -> memref<12544xf32, #tpu.memory_space<hbm>>
    %dma_wait3A_81 = arith.constant 0 : i32
    %dma_wait3A_82 = tpu.memref_slice %arg2[%dma_wait3A_81] : memref<51200000xf32, #tpu.memory_space<hbm>> -> memref<12544xf32, #tpu.memory_space<hbm>>
    tpu.wait_dma2 semaphore(%arg19 : memref<!tpu.dma_semaphore, #tpu.memory_space<semaphore_mem>>) src(%dma_wait3A_82 : memref<12544xf32, #tpu.memory_space<hbm>>) dst(%arg4 : memref<12544xf32, #tpu.memory_space<vmem>>)
    %scan3A_83 = arith.constant 0 : i32
    %scan3A_84 = arith.constant 0 : i32
    %scan3A_85 = arith.constant 16 : i32
    %scan3A_86 = arith.addi %scan3A_84, %scan3A_85 : i32
    %scan3A_87 = arith.constant 1 : i32
    %scan3A_88 = scf.for %scan3A_179 = %scan3A_84 to %scan3A_86 step %scan3A_87 iter_args(%scan3A_180 = %scan3A_83) -> (i32)  : i32 {
      %broadcast_in_dim3A_181 = arith.constant 0 : i32
      %broadcast_in_dim3A_182 = vector.broadcast %broadcast_in_dim3A_181 : i32 to vector<16xi32>
      %mul3A_183 = arith.constant 16 : i32
      %mul3A_184 = arith.muli %scan3A_179, %mul3A_183 : i32
      %swap3A = arith.index_cast %mul3A_184 : i32 to index
      %swap3A_185 = tpu.vector_load %arg7[%swap3A] {strides = array<i32>} : memref<256xi32, #tpu.memory_space<vmem>>, vector<16xi32>,
      tpu.vector_store %arg7[%swap3A], %broadcast_in_dim3A_182 {strides = array<i32>} : memref<256xi32, #tpu.memory_space<vmem>>, vector<16xi32>,
      %scan3A_186 = arith.constant 0 : i32
      scf.yield %scan3A_186 : i32
    }
    %scan3A_89 = arith.constant 16 : i32
    %broadcast_in_dim3A_90 = arith.constant 1 : i32
    %broadcast_in_dim3A_91 = vector.broadcast %broadcast_in_dim3A_90 : i32 to vector<16xi32>
    %scan3A_92 = arith.constant 0 : i32
    %scan3A_93 = arith.constant 0 : i32
    %scan3A_94 = arith.constant 391 : i32
    %scan3A_95 = arith.addi %scan3A_93, %scan3A_94 : i32
    %scan3A_96 = arith.constant 1 : i32
    %scan3A_97 = scf.for %scan3A_179 = %scan3A_93 to %scan3A_95 step %scan3A_96 iter_args(%scan3A_180 = %scan3A_92) -> (i32)  : i32 {
      %mul3A_181 = arith.constant 2 : i32
      %mul3A_182 = arith.muli %scan3A_179, %mul3A_181 : i32
      %add3A_183 = arith.constant 0 : i32
      %add3A_184 = arith.addi %mul3A_182, %add3A_183 : i32
      %mul3A_185 = arith.constant 16 : i32
      %mul3A_186 = arith.muli %add3A_184, %mul3A_185 : i32
      %get3A = arith.index_cast %mul3A_186 : i32 to index
      %get3A_187 = tpu.vector_load %arg4[%get3A] {strides = array<i32>} : memref<12544xf32, #tpu.memory_space<vmem>>, vector<16xf32>,
      %bitcast_convert_type3A = tpu.bitcast %get3A_187 : vector<16xf32> -> vector<16xi32>
      %shift_right_arithmetic3A = arith.constant 31 : i32
      %shift_right_arithmetic3A_188 = vector.broadcast %shift_right_arithmetic3A : i32 to vector<16xi32>
      %shift_right_arithmetic3A_189 = arith.shrsi %bitcast_convert_type3A, %shift_right_arithmetic3A_188 : vector<16xi32>
      %or3A = arith.constant -2147483648 : i32
      %or3A_190 = vector.broadcast %or3A : i32 to vector<16xi32>
      %or3A_191 = arith.ori %shift_right_arithmetic3A_189, %or3A_190 : vector<16xi32>
      %xor3A = arith.xori %bitcast_convert_type3A, %or3A_191 : vector<16xi32>
      %mul3A_192 = arith.constant 16 : i32
      %mul3A_193 = arith.muli %add3A_184, %mul3A_192 : i32
      %broadcast_in_dim3A_194 = vector.broadcast %mul3A_193 : i32 to vector<16xi32>
      %add3A_195 = arith.addi %broadcast_in_dim3A_194, %iota3A : vector<16xi32>
      %broadcast_in_dim3A_196 = vector.broadcast %select_n3A_64 : i32 to vector<16xi32>
      %lt3A_197 = arith.cmpi slt, %add3A_195, %broadcast_in_dim3A_196 : vector<16xi32>
      %jit3A_198 = arith.constant -1 : i32
      %broadcast_in_dim3A_199 = vector.broadcast %jit3A_198 : i32 to vector<16xi32>
      %select_n3A_200 = arith.select %lt3A_197, %xor3A, %broadcast_in_dim3A_199 : vector<16xi1>, vector<16xi32>
      %mul3A_201 = arith.constant 16 : i32
      %mul3A_202 = arith.muli %add3A_184, %mul3A_201 : i32
      %swap3A = arith.index_cast %mul3A_202 : i32 to index
      %swap3A_203 = tpu.vector_load %arg6[%swap3A] {strides = array<i32>} : memref<12512xi32, #tpu.memory_space<vmem>>, vector<16xi32>,
      tpu.vector_store %arg6[%swap3A], %select_n3A_200 {strides = array<i32>} : memref<12512xi32, #tpu.memory_space<vmem>>, vector<16xi32>,
      %shift_right_logical3A = arith.constant 24 : i32
      %shift_right_logical3A_204 = vector.broadcast %shift_right_logical3A : i32 to vector<16xi32>
      %shift_right_logical3A_205 = arith.shrui %select_n3A_200, %shift_right_logical3A_204 : vector<16xi32>
      tpu.vector_store_idx %arg7[%shift_right_logical3A_205], %broadcast_in_dim3A_91 {add = true} : memref<256xi32, #tpu.memory_space<vmem>>[vector<16xi32>], vector<16xi32>,
      %mul3A_206 = arith.constant 2 : i32
      %mul3A_207 = arith.muli %scan3A_179, %mul3A_206 : i32
      %add3A_208 = arith.constant 1 : i32
      %add3A_209 = arith.addi %mul3A_207, %add3A_208 : i32
      %mul3A_210 = arith.constant 16 : i32
      %mul3A_211 = arith.muli %add3A_209, %mul3A_210 : i32
      %get3A_212 = arith.index_cast %mul3A_211 : i32 to index
      %get3A_213 = tpu.vector_load %arg4[%get3A_212] {strides = array<i32>} : memref<12544xf32, #tpu.memory_space<vmem>>, vector<16xf32>,
      %bitcast_convert_type3A_214 = tpu.bitcast %get3A_213 : vector<16xf32> -> vector<16xi32>
      %shift_right_arithmetic3A_215 = arith.constant 31 : i32
      %shift_right_arithmetic3A_216 = vector.broadcast %shift_right_arithmetic3A_215 : i32 to vector<16xi32>
      %shift_right_arithmetic3A_217 = arith.shrsi %bitcast_convert_type3A_214, %shift_right_arithmetic3A_216 : vector<16xi32>
      %or3A_218 = arith.constant -2147483648 : i32
      %or3A_219 = vector.broadcast %or3A_218 : i32 to vector<16xi32>
      %or3A_220 = arith.ori %shift_right_arithmetic3A_217, %or3A_219 : vector<16xi32>
      %xor3A_221 = arith.xori %bitcast_convert_type3A_214, %or3A_220 : vector<16xi32>
      %mul3A_222 = arith.constant 16 : i32
      %mul3A_223 = arith.muli %add3A_209, %mul3A_222 : i32
      %broadcast_in_dim3A_224 = vector.broadcast %mul3A_223 : i32 to vector<16xi32>
      %add3A_225 = arith.addi %broadcast_in_dim3A_224, %iota3A : vector<16xi32>
      %broadcast_in_dim3A_226 = vector.broadcast %select_n3A_64 : i32 to vector<16xi32>
      %lt3A_227 = arith.cmpi slt, %add3A_225, %broadcast_in_dim3A_226 : vector<16xi32>
      %jit3A_228 = arith.constant -1 : i32
      %broadcast_in_dim3A_229 = vector.broadcast %jit3A_228 : i32 to vector<16xi32>
      %select_n3A_230 = arith.select %lt3A_227, %xor3A_221, %broadcast_in_dim3A_229 : vector<16xi1>, vector<16xi32>
      %mul3A_231 = arith.constant 16 : i32
      %mul3A_232 = arith.muli %add3A_209, %mul3A_231 : i32
      %swap3A_233 = arith.index_cast %mul3A_232 : i32 to index
      %swap3A_234 = tpu.vector_load %arg6[%swap3A_233] {strides = array<i32>} : memref<12512xi32, #tpu.memory_space<vmem>>, vector<16xi32>,
      tpu.vector_store %arg6[%swap3A_233], %select_n3A_230 {strides = array<i32>} : memref<12512xi32, #tpu.memory_space<vmem>>, vector<16xi32>,
      %shift_right_logical3A_235 = arith.constant 24 : i32
      %shift_right_logical3A_236 = vector.broadcast %shift_right_logical3A_235 : i32 to vector<16xi32>
      %shift_right_logical3A_237 = arith.shrui %select_n3A_230, %shift_right_logical3A_236 : vector<16xi32>
      tpu.vector_store_idx %arg7[%shift_right_logical3A_237], %broadcast_in_dim3A_91 {add = true} : memref<256xi32, #tpu.memory_space<vmem>>[vector<16xi32>], vector<16xi32>,
      %scan3A_238 = arith.constant 0 : i32
      scf.yield %scan3A_238 : i32
    }
    %scan3A_98 = arith.constant 391 : i32
    "tpu.region"() ({
      %run_scoped3A_179 = tpu.sem_alloc : memref<!tpu.dma_semaphore, #tpu.memory_space<semaphore_mem>>
      %dma_start3A = arith.constant 0 : i32
      %dma_start3A_180 = tpu.memref_slice %arg16[%select_n3A_40, %select_n3A_54, %dma_start3A] : memref<4x4x256xi32, #tpu.memory_space<vmem_shared>> -> memref<1x1x256xi32, #tpu.memory_space<vmem_shared>>
      %dma_start3A_181 = tpu.memref_squeeze %dma_start3A_180 : memref<1x1x256xi32, #tpu.memory_space<vmem_shared>> -> memref<256xi32, #tpu.memory_space<vmem_shared>>
      %dma_start3A_182 = arith.constant 0 : i32
      %dma_start3A_183 = tpu.memref_slice %arg16[%select_n3A_40, %select_n3A_54, %dma_start3A_182] : memref<4x4x256xi32, #tpu.memory_space<vmem_shared>> -> memref<1x1x256xi32, #tpu.memory_space<vmem_shared>>
      %dma_start3A_184 = tpu.memref_squeeze %dma_start3A_183 : memref<1x1x256xi32, #tpu.memory_space<vmem_shared>> -> memref<256xi32, #tpu.memory_space<vmem_shared>>
      tpu.enqueue_dma source(%arg7 : memref<256xi32, #tpu.memory_space<vmem>>) target(%dma_start3A_184 : memref<256xi32, #tpu.memory_space<vmem_shared>>) target_semaphore(%run_scoped3A_179 : memref<!tpu.dma_semaphore, #tpu.memory_space<semaphore_mem>>)
      %dma_wait3A_185 = arith.constant 0 : i32
      %dma_wait3A_186 = tpu.memref_slice %arg16[%select_n3A_40, %select_n3A_54, %dma_wait3A_185] : memref<4x4x256xi32, #tpu.memory_space<vmem_shared>> -> memref<1x1x256xi32, #tpu.memory_space<vmem_shared>>
      %dma_wait3A_187 = tpu.memref_squeeze %dma_wait3A_186 : memref<1x1x256xi32, #tpu.memory_space<vmem_shared>> -> memref<256xi32, #tpu.memory_space<vmem_shared>>
      %dma_wait3A_188 = arith.constant 0 : i32
      %dma_wait3A_189 = tpu.memref_slice %arg16[%select_n3A_40, %select_n3A_54, %dma_wait3A_188] : memref<4x4x256xi32, #tpu.memory_space<vmem_shared>> -> memref<1x1x256xi32, #tpu.memory_space<vmem_shared>>
      %dma_wait3A_190 = tpu.memref_squeeze %dma_wait3A_189 : memref<1x1x256xi32, #tpu.memory_space<vmem_shared>> -> memref<256xi32, #tpu.memory_space<vmem_shared>>
      tpu.wait_dma2 semaphore(%run_scoped3A_179 : memref<!tpu.dma_semaphore, #tpu.memory_space<semaphore_mem>>) src(%arg7 : memref<256xi32, #tpu.memory_space<vmem>>) dst(%dma_wait3A_190 : memref<256xi32, #tpu.memory_space<vmem_shared>>)
      tpu.yield
    }) : () -> ()
    %barrier3A = arith.constant 0 : index
    tpu.barrier barrier_id(%barrier3A)
    %run_scoped3A = arith.constant 0 : i32
    %run_scoped3A_99 = arith.constant 0 : i32
    "tpu.region"() ({
      %run_scoped3A_179 = tpu.sem_alloc : memref<!tpu.dma_semaphore, #tpu.memory_space<semaphore_mem>>
      %dma_start3A = arith.constant 0 : i32
      %dma_start3A_180 = tpu.memref_slice %arg8[%run_scoped3A_99, %dma_start3A] : memref<4x256xi32, #tpu.memory_space<vmem>> -> memref<1x256xi32, #tpu.memory_space<vmem>>
      %dma_start3A_181 = tpu.memref_squeeze %dma_start3A_180 : memref<1x256xi32, #tpu.memory_space<vmem>> -> memref<256xi32, #tpu.memory_space<vmem>>
      %dma_start3A_182 = arith.constant 0 : i32
      %dma_start3A_183 = tpu.memref_slice %arg16[%select_n3A_40, %run_scoped3A, %dma_start3A_182] : memref<4x4x256xi32, #tpu.memory_space<vmem_shared>> -> memref<1x1x256xi32, #tpu.memory_space<vmem_shared>>
      %dma_start3A_184 = tpu.memref_squeeze %dma_start3A_183 : memref<1x1x256xi32, #tpu.memory_space<vmem_shared>> -> memref<256xi32, #tpu.memory_space<vmem_shared>>
      %dma_start3A_185 = arith.constant 0 : i32
      %dma_start3A_186 = tpu.memref_slice %arg8[%run_scoped3A_99, %dma_start3A_185] : memref<4x256xi32, #tpu.memory_space<vmem>> -> memref<1x256xi32, #tpu.memory_space<vmem>>
      %dma_start3A_187 = tpu.memref_squeeze %dma_start3A_186 : memref<1x256xi32, #tpu.memory_space<vmem>> -> memref<256xi32, #tpu.memory_space<vmem>>
      %dma_start3A_188 = arith.constant 0 : i32
      %dma_start3A_189 = tpu.memref_slice %arg16[%select_n3A_40, %run_scoped3A, %dma_start3A_188] : memref<4x4x256xi32, #tpu.memory_space<vmem_shared>> -> memref<1x1x256xi32, #tpu.memory_space<vmem_shared>>
      %dma_start3A_190 = tpu.memref_squeeze %dma_start3A_189 : memref<1x1x256xi32, #tpu.memory_space<vmem_shared>> -> memref<256xi32, #tpu.memory_space<vmem_shared>>
      tpu.enqueue_dma source(%dma_start3A_190 : memref<256xi32, #tpu.memory_space<vmem_shared>>) target(%dma_start3A_187 : memref<256xi32, #tpu.memory_space<vmem>>) target_semaphore(%run_scoped3A_179 : memref<!tpu.dma_semaphore, #tpu.memory_space<semaphore_mem>>)
      %dma_wait3A_191 = arith.constant 0 : i32
      %dma_wait3A_192 = tpu.memref_slice %arg8[%run_scoped3A_99, %dma_wait3A_191] : memref<4x256xi32, #tpu.memory_space<vmem>> -> memref<1x256xi32, #tpu.memory_space<vmem>>
      %dma_wait3A_193 = tpu.memref_squeeze %dma_wait3A_192 : memref<1x256xi32, #tpu.memory_space<vmem>> -> memref<256xi32, #tpu.memory_space<vmem>>
      %dma_wait3A_194 = arith.constant 0 : i32
      %dma_wait3A_195 = tpu.memref_slice %arg16[%select_n3A_40, %run_scoped3A, %dma_wait3A_194] : memref<4x4x256xi32, #tpu.memory_space<vmem_shared>> -> memref<1x1x256xi32, #tpu.memory_space<vmem_shared>>
      %dma_wait3A_196 = tpu.memref_squeeze %dma_wait3A_195 : memref<1x1x256xi32, #tpu.memory_space<vmem_shared>> -> memref<256xi32, #tpu.memory_space<vmem_shared>>
      %dma_wait3A_197 = arith.constant 0 : i32
      %dma_wait3A_198 = tpu.memref_slice %arg8[%run_scoped3A_99, %dma_wait3A_197] : memref<4x256xi32, #tpu.memory_space<vmem>> -> memref<1x256xi32, #tpu.memory_space<vmem>>
      %dma_wait3A_199 = tpu.memref_squeeze %dma_wait3A_198 : memref<1x256xi32, #tpu.memory_space<vmem>> -> memref<256xi32, #tpu.memory_space<vmem>>
      %dma_wait3A_200 = arith.constant 0 : i32
      %dma_wait3A_201 = tpu.memref_slice %arg16[%select_n3A_40, %run_scoped3A, %dma_wait3A_200] : memref<4x4x256xi32, #tpu.memory_space<vmem_shared>> -> memref<1x1x256xi32, #tpu.memory_space<vmem_shared>>
      %dma_wait3A_202 = tpu.memref_squeeze %dma_wait3A_201 : memref<1x1x256xi32, #tpu.memory_space<vmem_shared>> -> memref<256xi32, #tpu.memory_space<vmem_shared>>
      tpu.wait_dma2 semaphore(%run_scoped3A_179 : memref<!tpu.dma_semaphore, #tpu.memory_space<semaphore_mem>>) src(%dma_wait3A_202 : memref<256xi32, #tpu.memory_space<vmem_shared>>) dst(%dma_wait3A_199 : memref<256xi32, #tpu.memory_space<vmem>>)
      tpu.yield
    }) : () -> ()
    %run_scoped3A_100 = arith.constant 1 : i32
    %run_scoped3A_101 = arith.constant 1 : i32
    "tpu.region"() ({
      %run_scoped3A_179 = tpu.sem_alloc : memref<!tpu.dma_semaphore, #tpu.memory_space<semaphore_mem>>
      %dma_start3A = arith.constant 0 : i32
      %dma_start3A_180 = tpu.memref_slice %arg8[%run_scoped3A_101, %dma_start3A] : memref<4x256xi32, #tpu.memory_space<vmem>> -> memref<1x256xi32, #tpu.memory_space<vmem>>
      %dma_start3A_181 = tpu.memref_squeeze %dma_start3A_180 : memref<1x256xi32, #tpu.memory_space<vmem>> -> memref<256xi32, #tpu.memory_space<vmem>>
      %dma_start3A_182 = arith.constant 0 : i32
      %dma_start3A_183 = tpu.memref_slice %arg16[%select_n3A_40, %run_scoped3A_100, %dma_start3A_182] : memref<4x4x256xi32, #tpu.memory_space<vmem_shared>> -> memref<1x1x256xi32, #tpu.memory_space<vmem_shared>>
      %dma_start3A_184 = tpu.memref_squeeze %dma_start3A_183 : memref<1x1x256xi32, #tpu.memory_space<vmem_shared>> -> memref<256xi32, #tpu.memory_space<vmem_shared>>
      %dma_start3A_185 = arith.constant 0 : i32
      %dma_start3A_186 = tpu.memref_slice %arg8[%run_scoped3A_101, %dma_start3A_185] : memref<4x256xi32, #tpu.memory_space<vmem>> -> memref<1x256xi32, #tpu.memory_space<vmem>>
      %dma_start3A_187 = tpu.memref_squeeze %dma_start3A_186 : memref<1x256xi32, #tpu.memory_space<vmem>> -> memref<256xi32, #tpu.memory_space<vmem>>
      %dma_start3A_188 = arith.constant 0 : i32
      %dma_start3A_189 = tpu.memref_slice %arg16[%select_n3A_40, %run_scoped3A_100, %dma_start3A_188] : memref<4x4x256xi32, #tpu.memory_space<vmem_shared>> -> memref<1x1x256xi32, #tpu.memory_space<vmem_shared>>
      %dma_start3A_190 = tpu.memref_squeeze %dma_start3A_189 : memref<1x1x256xi32, #tpu.memory_space<vmem_shared>> -> memref<256xi32, #tpu.memory_space<vmem_shared>>
      tpu.enqueue_dma source(%dma_start3A_190 : memref<256xi32, #tpu.memory_space<vmem_shared>>) target(%dma_start3A_187 : memref<256xi32, #tpu.memory_space<vmem>>) target_semaphore(%run_scoped3A_179 : memref<!tpu.dma_semaphore, #tpu.memory_space<semaphore_mem>>)
      %dma_wait3A_191 = arith.constant 0 : i32
      %dma_wait3A_192 = tpu.memref_slice %arg8[%run_scoped3A_101, %dma_wait3A_191] : memref<4x256xi32, #tpu.memory_space<vmem>> -> memref<1x256xi32, #tpu.memory_space<vmem>>
      %dma_wait3A_193 = tpu.memref_squeeze %dma_wait3A_192 : memref<1x256xi32, #tpu.memory_space<vmem>> -> memref<256xi32, #tpu.memory_space<vmem>>
      %dma_wait3A_194 = arith.constant 0 : i32
      %dma_wait3A_195 = tpu.memref_slice %arg16[%select_n3A_40, %run_scoped3A_100, %dma_wait3A_194] : memref<4x4x256xi32, #tpu.memory_space<vmem_shared>> -> memref<1x1x256xi32, #tpu.memory_space<vmem_shared>>
      %dma_wait3A_196 = tpu.memref_squeeze %dma_wait3A_195 : memref<1x1x256xi32, #tpu.memory_space<vmem_shared>> -> memref<256xi32, #tpu.memory_space<vmem_shared>>
      %dma_wait3A_197 = arith.constant 0 : i32
      %dma_wait3A_198 = tpu.memref_slice %arg8[%run_scoped3A_101, %dma_wait3A_197] : memref<4x256xi32, #tpu.memory_space<vmem>> -> memref<1x256xi32, #tpu.memory_space<vmem>>
      %dma_wait3A_199 = tpu.memref_squeeze %dma_wait3A_198 : memref<1x256xi32, #tpu.memory_space<vmem>> -> memref<256xi32, #tpu.memory_space<vmem>>
      %dma_wait3A_200 = arith.constant 0 : i32
      %dma_wait3A_201 = tpu.memref_slice %arg16[%select_n3A_40, %run_scoped3A_100, %dma_wait3A_200] : memref<4x4x256xi32, #tpu.memory_space<vmem_shared>> -> memref<1x1x256xi32, #tpu.memory_space<vmem_shared>>
      %dma_wait3A_202 = tpu.memref_squeeze %dma_wait3A_201 : memref<1x1x256xi32, #tpu.memory_space<vmem_shared>> -> memref<256xi32, #tpu.memory_space<vmem_shared>>
      tpu.wait_dma2 semaphore(%run_scoped3A_179 : memref<!tpu.dma_semaphore, #tpu.memory_space<semaphore_mem>>) src(%dma_wait3A_202 : memref<256xi32, #tpu.memory_space<vmem_shared>>) dst(%dma_wait3A_199 : memref<256xi32, #tpu.memory_space<vmem>>)
      tpu.yield
    }) : () -> ()
    %run_scoped3A_102 = arith.constant 2 : i32
    %run_scoped3A_103 = arith.constant 2 : i32
    "tpu.region"() ({
      %run_scoped3A_179 = tpu.sem_alloc : memref<!tpu.dma_semaphore, #tpu.memory_space<semaphore_mem>>
      %dma_start3A = arith.constant 0 : i32
      %dma_start3A_180 = tpu.memref_slice %arg8[%run_scoped3A_103, %dma_start3A] : memref<4x256xi32, #tpu.memory_space<vmem>> -> memref<1x256xi32, #tpu.memory_space<vmem>>
      %dma_start3A_181 = tpu.memref_squeeze %dma_start3A_180 : memref<1x256xi32, #tpu.memory_space<vmem>> -> memref<256xi32, #tpu.memory_space<vmem>>
      %dma_start3A_182 = arith.constant 0 : i32
      %dma_start3A_183 = tpu.memref_slice %arg16[%select_n3A_40, %run_scoped3A_102, %dma_start3A_182] : memref<4x4x256xi32, #tpu.memory_space<vmem_shared>> -> memref<1x1x256xi32, #tpu.memory_space<vmem_shared>>
      %dma_start3A_184 = tpu.memref_squeeze %dma_start3A_183 : memref<1x1x256xi32, #tpu.memory_space<vmem_shared>> -> memref<256xi32, #tpu.memory_space<vmem_shared>>
      %dma_start3A_185 = arith.constant 0 : i32
      %dma_start3A_186 = tpu.memref_slice %arg8[%run_scoped3A_103, %dma_start3A_185] : memref<4x256xi32, #tpu.memory_space<vmem>> -> memref<1x256xi32, #tpu.memory_space<vmem>>
      %dma_start3A_187 = tpu.memref_squeeze %dma_start3A_186 : memref<1x256xi32, #tpu.memory_space<vmem>> -> memref<256xi32, #tpu.memory_space<vmem>>
      %dma_start3A_188 = arith.constant 0 : i32
      %dma_start3A_189 = tpu.memref_slice %arg16[%select_n3A_40, %run_scoped3A_102, %dma_start3A_188] : memref<4x4x256xi32, #tpu.memory_space<vmem_shared>> -> memref<1x1x256xi32, #tpu.memory_space<vmem_shared>>
      %dma_start3A_190 = tpu.memref_squeeze %dma_start3A_189 : memref<1x1x256xi32, #tpu.memory_space<vmem_shared>> -> memref<256xi32, #tpu.memory_space<vmem_shared>>
      tpu.enqueue_dma source(%dma_start3A_190 : memref<256xi32, #tpu.memory_space<vmem_shared>>) target(%dma_start3A_187 : memref<256xi32, #tpu.memory_space<vmem>>) target_semaphore(%run_scoped3A_179 : memref<!tpu.dma_semaphore, #tpu.memory_space<semaphore_mem>>)
      %dma_wait3A_191 = arith.constant 0 : i32
      %dma_wait3A_192 = tpu.memref_slice %arg8[%run_scoped3A_103, %dma_wait3A_191] : memref<4x256xi32, #tpu.memory_space<vmem>> -> memref<1x256xi32, #tpu.memory_space<vmem>>
      %dma_wait3A_193 = tpu.memref_squeeze %dma_wait3A_192 : memref<1x256xi32, #tpu.memory_space<vmem>> -> memref<256xi32, #tpu.memory_space<vmem>>
      %dma_wait3A_194 = arith.constant 0 : i32
      %dma_wait3A_195 = tpu.memref_slice %arg16[%select_n3A_40, %run_scoped3A_102, %dma_wait3A_194] : memref<4x4x256xi32, #tpu.memory_space<vmem_shared>> -> memref<1x1x256xi32, #tpu.memory_space<vmem_shared>>
      %dma_wait3A_196 = tpu.memref_squeeze %dma_wait3A_195 : memref<1x1x256xi32, #tpu.memory_space<vmem_shared>> -> memref<256xi32, #tpu.memory_space<vmem_shared>>
      %dma_wait3A_197 = arith.constant 0 : i32
      %dma_wait3A_198 = tpu.memref_slice %arg8[%run_scoped3A_103, %dma_wait3A_197] : memref<4x256xi32, #tpu.memory_space<vmem>> -> memref<1x256xi32, #tpu.memory_space<vmem>>
      %dma_wait3A_199 = tpu.memref_squeeze %dma_wait3A_198 : memref<1x256xi32, #tpu.memory_space<vmem>> -> memref<256xi32, #tpu.memory_space<vmem>>
      %dma_wait3A_200 = arith.constant 0 : i32
      %dma_wait3A_201 = tpu.memref_slice %arg16[%select_n3A_40, %run_scoped3A_102, %dma_wait3A_200] : memref<4x4x256xi32, #tpu.memory_space<vmem_shared>> -> memref<1x1x256xi32, #tpu.memory_space<vmem_shared>>
      %dma_wait3A_202 = tpu.memref_squeeze %dma_wait3A_201 : memref<1x1x256xi32, #tpu.memory_space<vmem_shared>> -> memref<256xi32, #tpu.memory_space<vmem_shared>>
      tpu.wait_dma2 semaphore(%run_scoped3A_179 : memref<!tpu.dma_semaphore, #tpu.memory_space<semaphore_mem>>) src(%dma_wait3A_202 : memref<256xi32, #tpu.memory_space<vmem_shared>>) dst(%dma_wait3A_199 : memref<256xi32, #tpu.memory_space<vmem>>)
      tpu.yield
    }) : () -> ()
    %run_scoped3A_104 = arith.constant 3 : i32
    %run_scoped3A_105 = arith.constant 3 : i32
    "tpu.region"() ({
      %run_scoped3A_179 = tpu.sem_alloc : memref<!tpu.dma_semaphore, #tpu.memory_space<semaphore_mem>>
      %dma_start3A = arith.constant 0 : i32
      %dma_start3A_180 = tpu.memref_slice %arg8[%run_scoped3A_105, %dma_start3A] : memref<4x256xi32, #tpu.memory_space<vmem>> -> memref<1x256xi32, #tpu.memory_space<vmem>>
      %dma_start3A_181 = tpu.memref_squeeze %dma_start3A_180 : memref<1x256xi32, #tpu.memory_space<vmem>> -> memref<256xi32, #tpu.memory_space<vmem>>
      %dma_start3A_182 = arith.constant 0 : i32
      %dma_start3A_183 = tpu.memref_slice %arg16[%select_n3A_40, %run_scoped3A_104, %dma_start3A_182] : memref<4x4x256xi32, #tpu.memory_space<vmem_shared>> -> memref<1x1x256xi32, #tpu.memory_space<vmem_shared>>
      %dma_start3A_184 = tpu.memref_squeeze %dma_start3A_183 : memref<1x1x256xi32, #tpu.memory_space<vmem_shared>> -> memref<256xi32, #tpu.memory_space<vmem_shared>>
      %dma_start3A_185 = arith.constant 0 : i32
      %dma_start3A_186 = tpu.memref_slice %arg8[%run_scoped3A_105, %dma_start3A_185] : memref<4x256xi32, #tpu.memory_space<vmem>> -> memref<1x256xi32, #tpu.memory_space<vmem>>
      %dma_start3A_187 = tpu.memref_squeeze %dma_start3A_186 : memref<1x256xi32, #tpu.memory_space<vmem>> -> memref<256xi32, #tpu.memory_space<vmem>>
      %dma_start3A_188 = arith.constant 0 : i32
      %dma_start3A_189 = tpu.memref_slice %arg16[%select_n3A_40, %run_scoped3A_104, %dma_start3A_188] : memref<4x4x256xi32, #tpu.memory_space<vmem_shared>> -> memref<1x1x256xi32, #tpu.memory_space<vmem_shared>>
      %dma_start3A_190 = tpu.memref_squeeze %dma_start3A_189 : memref<1x1x256xi32, #tpu.memory_space<vmem_shared>> -> memref<256xi32, #tpu.memory_space<vmem_shared>>
      tpu.enqueue_dma source(%dma_start3A_190 : memref<256xi32, #tpu.memory_space<vmem_shared>>) target(%dma_start3A_187 : memref<256xi32, #tpu.memory_space<vmem>>) target_semaphore(%run_scoped3A_179 : memref<!tpu.dma_semaphore, #tpu.memory_space<semaphore_mem>>)
      %dma_wait3A_191 = arith.constant 0 : i32
      %dma_wait3A_192 = tpu.memref_slice %arg8[%run_scoped3A_105, %dma_wait3A_191] : memref<4x256xi32, #tpu.memory_space<vmem>> -> memref<1x256xi32, #tpu.memory_space<vmem>>
      %dma_wait3A_193 = tpu.memref_squeeze %dma_wait3A_192 : memref<1x256xi32, #tpu.memory_space<vmem>> -> memref<256xi32, #tpu.memory_space<vmem>>
      %dma_wait3A_194 = arith.constant 0 : i32
      %dma_wait3A_195 = tpu.memref_slice %arg16[%select_n3A_40, %run_scoped3A_104, %dma_wait3A_194] : memref<4x4x256xi32, #tpu.memory_space<vmem_shared>> -> memref<1x1x256xi32, #tpu.memory_space<vmem_shared>>
      %dma_wait3A_196 = tpu.memref_squeeze %dma_wait3A_195 : memref<1x1x256xi32, #tpu.memory_space<vmem_shared>> -> memref<256xi32, #tpu.memory_space<vmem_shared>>
      %dma_wait3A_197 = arith.constant 0 : i32
      %dma_wait3A_198 = tpu.memref_slice %arg8[%run_scoped3A_105, %dma_wait3A_197] : memref<4x256xi32, #tpu.memory_space<vmem>> -> memref<1x256xi32, #tpu.memory_space<vmem>>
      %dma_wait3A_199 = tpu.memref_squeeze %dma_wait3A_198 : memref<1x256xi32, #tpu.memory_space<vmem>> -> memref<256xi32, #tpu.memory_space<vmem>>
      %dma_wait3A_200 = arith.constant 0 : i32
      %dma_wait3A_201 = tpu.memref_slice %arg16[%select_n3A_40, %run_scoped3A_104, %dma_wait3A_200] : memref<4x4x256xi32, #tpu.memory_space<vmem_shared>> -> memref<1x1x256xi32, #tpu.memory_space<vmem_shared>>
      %dma_wait3A_202 = tpu.memref_squeeze %dma_wait3A_201 : memref<1x1x256xi32, #tpu.memory_space<vmem_shared>> -> memref<256xi32, #tpu.memory_space<vmem_shared>>
      tpu.wait_dma2 semaphore(%run_scoped3A_179 : memref<!tpu.dma_semaphore, #tpu.memory_space<semaphore_mem>>) src(%dma_wait3A_202 : memref<256xi32, #tpu.memory_space<vmem_shared>>) dst(%dma_wait3A_199 : memref<256xi32, #tpu.memory_space<vmem>>)
      tpu.yield
    }) : () -> ()
    %scan3A_106 = arith.constant 0 : i32
    %scan3A_107 = arith.constant 0 : i32
    %scan3A_108 = arith.constant 0 : i32
    %scan3A_109 = arith.constant 16 : i32
    %scan3A_110 = arith.addi %scan3A_108, %scan3A_109 : i32
    %scan3A_111 = arith.constant 1 : i32
    %scan3A_112:2 = scf.for %scan3A_179 = %scan3A_108 to %scan3A_110 step %scan3A_111 iter_args(%scan3A_180 = %scan3A_106, %scan3A_181 = %scan3A_107) -> (i32, i32)  : i32 {
      %mul3A_182 = arith.constant 16 : i32
      %mul3A_183 = arith.muli %scan3A_179, %mul3A_182 : i32
      %get3A = arith.constant 0 : i32
      %get3A_184 = arith.index_cast %get3A : i32 to index
      %get3A_185 = arith.index_cast %mul3A_183 : i32 to index
      %get3A_186 = tpu.vector_load %arg8[%get3A_184, %get3A_185] {strides = array<i32>} : memref<4x256xi32, #tpu.memory_space<vmem>>, vector<16xi32>,
      %mul3A_187 = arith.constant 16 : i32
      %mul3A_188 = arith.muli %scan3A_179, %mul3A_187 : i32
      %get3A_189 = arith.constant 1 : i32
      %get3A_190 = arith.index_cast %get3A_189 : i32 to index
      %get3A_191 = arith.index_cast %mul3A_188 : i32 to index
      %get3A_192 = tpu.vector_load %arg8[%get3A_190, %get3A_191] {strides = array<i32>} : memref<4x256xi32, #tpu.memory_space<vmem>>, vector<16xi32>,
      %add3A_193 = arith.addi %get3A_186, %get3A_192 : vector<16xi32>
      %mul3A_194 = arith.constant 16 : i32
      %mul3A_195 = arith.muli %scan3A_179, %mul3A_194 : i32
      %get3A_196 = arith.constant 2 : i32
      %get3A_197 = arith.index_cast %get3A_196 : i32 to index
      %get3A_198 = arith.index_cast %mul3A_195 : i32 to index
      %get3A_199 = tpu.vector_load %arg8[%get3A_197, %get3A_198] {strides = array<i32>} : memref<4x256xi32, #tpu.memory_space<vmem>>, vector<16xi32>,
      %add3A_200 = arith.addi %add3A_193, %get3A_199 : vector<16xi32>
      %mul3A_201 = arith.constant 16 : i32
      %mul3A_202 = arith.muli %scan3A_179, %mul3A_201 : i32
      %get3A_203 = arith.constant 3 : i32
      %get3A_204 = arith.index_cast %get3A_203 : i32 to index
      %get3A_205 = arith.index_cast %mul3A_202 : i32 to index
      %get3A_206 = tpu.vector_load %arg8[%get3A_204, %get3A_205] {strides = array<i32>} : memref<4x256xi32, #tpu.memory_space<vmem>>, vector<16xi32>,
      %add3A_207 = arith.addi %add3A_200, %get3A_206 : vector<16xi32>
      %broadcast_in_dim3A_208 = arith.constant true
      %broadcast_in_dim3A_209 = vector.broadcast %broadcast_in_dim3A_208 : i1 to vector<16xi1>
      %masked_cumsum3A = tpu.scan <sum>, %add3A_207 masked %broadcast_in_dim3A_209 : vector<16xi32>, vector<16xi1> -> vector<16xi32>
      %broadcast_in_dim3A_210 = vector.broadcast %scan3A_181 : i32 to vector<16xi32>
      %add3A_211 = arith.addi %masked_cumsum3A, %broadcast_in_dim3A_210 : vector<16xi32>
      %lt3A_212 = arith.constant 2048 : i32
      %lt3A_213 = vector.broadcast %lt3A_212 : i32 to vector<16xi32>
      %lt3A_214 = arith.cmpi slt, %add3A_211, %lt3A_213 : vector<16xi32>
      %convert_element_type3A_215 = arith.extui %lt3A_214 : vector<16xi1> to vector<16xi32>
      %reduce_sum3A = arith.constant true
      %reduce_sum3A_216 = vector.broadcast %reduce_sum3A : i1 to vector<16xi1>
      %reduce_sum3A_217 = tpu.scan <sum>, %convert_element_type3A_215 masked %reduce_sum3A_216 : vector<16xi32>, vector<16xi1> -> vector<16xi32>
      %reduce_sum3A_218 = vector.extract %reduce_sum3A_217[15] : i32 from vector<16xi32>
      %add3A_219 = arith.addi %scan3A_180, %reduce_sum3A_218 : i32
      %reduce_max3A = arith.constant true
      %reduce_max3A_220 = vector.broadcast %reduce_max3A : i1 to vector<16xi1>
      %reduce_max3A_221 = arith.constant -2147483648 : i32
      %reduce_max3A_222 = vector.broadcast %reduce_max3A_221 : i32 to vector<16xi32>
      %reduce_max3A_223 = arith.xori %add3A_211, %reduce_max3A_222 : vector<16xi32>
      %reduce_max3A_224 = tpu.scan <max>, %reduce_max3A_223 masked %reduce_max3A_220 : vector<16xi32>, vector<16xi1> -> vector<16xi32>
      %reduce_max3A_225 = arith.xori %reduce_max3A_224, %reduce_max3A_222 : vector<16xi32>
      %reduce_max3A_226 = vector.extract %reduce_max3A_225[15] : i32 from vector<16xi32>
      scf.yield %add3A_219, %reduce_max3A_226 : i32, i32
    }
    %scan3A_113 = arith.constant 16 : i32
    %broadcast_in_dim3A_114 = vector.broadcast %scan3A_112#0 : i32 to vector<16xi32>
    %scan3A_115 = arith.constant 0 : i32
    %scan3A_116 = arith.constant 0 : i32
    %scan3A_117 = arith.constant 16 : i32
    %scan3A_118 = arith.addi %scan3A_116, %scan3A_117 : i32
    %scan3A_119 = arith.constant 1 : i32
    %scan3A_120 = scf.for %scan3A_179 = %scan3A_116 to %scan3A_118 step %scan3A_119 iter_args(%scan3A_180 = %scan3A_115) -> (i32)  : i32 {
      %mul3A_181 = arith.constant 16 : i32
      %mul3A_182 = arith.muli %scan3A_179, %mul3A_181 : i32
      %get3A = arith.constant 0 : i32
      %get3A_183 = arith.index_cast %get3A : i32 to index
      %get3A_184 = arith.index_cast %mul3A_182 : i32 to index
      %get3A_185 = tpu.vector_load %arg8[%get3A_183, %get3A_184] {strides = array<i32>} : memref<4x256xi32, #tpu.memory_space<vmem>>, vector<16xi32>,
      %mul3A_186 = arith.constant 16 : i32
      %mul3A_187 = arith.muli %scan3A_179, %mul3A_186 : i32
      %get3A_188 = arith.constant 1 : i32
      %get3A_189 = arith.index_cast %get3A_188 : i32 to index
      %get3A_190 = arith.index_cast %mul3A_187 : i32 to index
      %get3A_191 = tpu.vector_load %arg8[%get3A_189, %get3A_190] {strides = array<i32>} : memref<4x256xi32, #tpu.memory_space<vmem>>, vector<16xi32>,
      %add3A_192 = arith.addi %get3A_185, %get3A_191 : vector<16xi32>
      %mul3A_193 = arith.constant 16 : i32
      %mul3A_194 = arith.muli %scan3A_179, %mul3A_193 : i32
      %get3A_195 = arith.constant 2 : i32
      %get3A_196 = arith.index_cast %get3A_195 : i32 to index
      %get3A_197 = arith.index_cast %mul3A_194 : i32 to index
      %get3A_198 = tpu.vector_load %arg8[%get3A_196, %get3A_197] {strides = array<i32>} : memref<4x256xi32, #tpu.memory_space<vmem>>, vector<16xi32>,
      %add3A_199 = arith.addi %add3A_192, %get3A_198 : vector<16xi32>
      %mul3A_200 = arith.constant 16 : i32
      %mul3A_201 = arith.muli %scan3A_179, %mul3A_200 : i32
      %get3A_202 = arith.constant 3 : i32
      %get3A_203 = arith.index_cast %get3A_202 : i32 to index
      %get3A_204 = arith.index_cast %mul3A_201 : i32 to index
      %get3A_205 = tpu.vector_load %arg8[%get3A_203, %get3A_204] {strides = array<i32>} : memref<4x256xi32, #tpu.memory_space<vmem>>, vector<16xi32>,
      %add3A_206 = arith.addi %add3A_199, %get3A_205 : vector<16xi32>
      %mul3A_207 = arith.constant 16 : i32
      %mul3A_208 = arith.muli %scan3A_179, %mul3A_207 : i32
      %broadcast_in_dim3A_209 = vector.broadcast %mul3A_208 : i32 to vector<16xi32>
      %add3A_210 = arith.addi %broadcast_in_dim3A_209, %iota3A : vector<16xi32>
      %lt3A_211 = arith.cmpi slt, %add3A_210, %broadcast_in_dim3A_114 : vector<16xi32>
      %jit3A_212 = arith.constant 0 : i32
      %broadcast_in_dim3A_213 = vector.broadcast %jit3A_212 : i32 to vector<16xi32>
      %select_n3A_214 = arith.select %lt3A_211, %add3A_206, %broadcast_in_dim3A_213 : vector<16xi1>, vector<16xi32>
      %reduce_sum3A = arith.constant true
      %reduce_sum3A_215 = vector.broadcast %reduce_sum3A : i1 to vector<16xi1>
      %reduce_sum3A_216 = tpu.scan <sum>, %select_n3A_214 masked %reduce_sum3A_215 : vector<16xi32>, vector<16xi1> -> vector<16xi32>
      %reduce_sum3A_217 = vector.extract %reduce_sum3A_216[15] : i32 from vector<16xi32>
      %add3A_218 = arith.addi %scan3A_180, %reduce_sum3A_217 : i32
      scf.yield %add3A_218 : i32
    }
    %scan3A_121 = arith.constant 16 : i32
    %scan3A_122 = arith.constant 0 : i32
    %scan3A_123 = arith.constant 0 : i32
    %scan3A_124 = arith.constant 16 : i32
    %scan3A_125 = arith.addi %scan3A_123, %scan3A_124 : i32
    %scan3A_126 = arith.constant 1 : i32
    %scan3A_127 = scf.for %scan3A_179 = %scan3A_123 to %scan3A_125 step %scan3A_126 iter_args(%scan3A_180 = %scan3A_122) -> (i32)  : i32 {
      %broadcast_in_dim3A_181 = arith.constant 0 : i32
      %broadcast_in_dim3A_182 = vector.broadcast %broadcast_in_dim3A_181 : i32 to vector<16xi32>
      %mul3A_183 = arith.constant 16 : i32
      %mul3A_184 = arith.muli %scan3A_179, %mul3A_183 : i32
      %swap3A = arith.index_cast %mul3A_184 : i32 to index
      %swap3A_185 = tpu.vector_load %arg7[%swap3A] {strides = array<i32>} : memref<256xi32, #tpu.memory_space<vmem>>, vector<16xi32>,
      tpu.vector_store %arg7[%swap3A], %broadcast_in_dim3A_182 {strides = array<i32>} : memref<256xi32, #tpu.memory_space<vmem>>, vector<16xi32>,
      %scan3A_186 = arith.constant 0 : i32
      scf.yield %scan3A_186 : i32
    }
    %scan3A_128 = arith.constant 16 : i32
    %scan3A_129 = arith.constant 0 : i32
    %scan3A_130 = arith.constant 0 : i32
    %scan3A_131 = arith.constant 391 : i32
    %scan3A_132 = arith.addi %scan3A_130, %scan3A_131 : i32
    %scan3A_133 = arith.constant 1 : i32
    %scan3A_134 = scf.for %scan3A_179 = %scan3A_130 to %scan3A_132 step %scan3A_133 iter_args(%scan3A_180 = %scan3A_129) -> (i32)  : i32 {
      %mul3A_181 = arith.constant 2 : i32
      %mul3A_182 = arith.muli %scan3A_179, %mul3A_181 : i32
      %add3A_183 = arith.constant 0 : i32
      %add3A_184 = arith.addi %mul3A_182, %add3A_183 : i32
      %mul3A_185 = arith.constant 16 : i32
      %mul3A_186 = arith.muli %add3A_184, %mul3A_185 : i32
      %get3A = arith.index_cast %mul3A_186 : i32 to index
      %get3A_187 = tpu.vector_load %arg6[%get3A] {strides = array<i32>} : memref<12512xi32, #tpu.memory_space<vmem>>, vector<16xi32>,
      %shift_right_logical3A = arith.constant 24 : i32
      %shift_right_logical3A_188 = vector.broadcast %shift_right_logical3A : i32 to vector<16xi32>
      %shift_right_logical3A_189 = arith.shrui %get3A_187, %shift_right_logical3A_188 : vector<16xi32>
      %shift_right_logical3A_190 = arith.constant 16 : i32
      %shift_right_logical3A_191 = vector.broadcast %shift_right_logical3A_190 : i32 to vector<16xi32>
      %shift_right_logical3A_192 = arith.shrui %get3A_187, %shift_right_logical3A_191 : vector<16xi32>
      %and3A_193 = arith.constant 255 : i32
      %and3A_194 = vector.broadcast %and3A_193 : i32 to vector<16xi32>
      %and3A_195 = arith.andi %shift_right_logical3A_192, %and3A_194 : vector<16xi32>
      %eq3A_196 = arith.cmpi eq, %shift_right_logical3A_189, %broadcast_in_dim3A_114 : vector<16xi32>
      tpu.vector_store_idx %arg7[%and3A_195], %broadcast_in_dim3A_91 masked %eq3A_196 {add = true} : memref<256xi32, #tpu.memory_space<vmem>>[vector<16xi32>], vector<16xi32>, vector<16xi1>
      %mul3A_197 = arith.constant 2 : i32
      %mul3A_198 = arith.muli %scan3A_179, %mul3A_197 : i32
      %add3A_199 = arith.constant 1 : i32
      %add3A_200 = arith.addi %mul3A_198, %add3A_199 : i32
      %mul3A_201 = arith.constant 16 : i32
      %mul3A_202 = arith.muli %add3A_200, %mul3A_201 : i32
      %get3A_203 = arith.index_cast %mul3A_202 : i32 to index
      %get3A_204 = tpu.vector_load %arg6[%get3A_203] {strides = array<i32>} : memref<12512xi32, #tpu.memory_space<vmem>>, vector<16xi32>,
      %shift_right_logical3A_205 = arith.constant 24 : i32
      %shift_right_logical3A_206 = vector.broadcast %shift_right_logical3A_205 : i32 to vector<16xi32>
      %shift_right_logical3A_207 = arith.shrui %get3A_204, %shift_right_logical3A_206 : vector<16xi32>
      %shift_right_logical3A_208 = arith.constant 16 : i32
      %shift_right_logical3A_209 = vector.broadcast %shift_right_logical3A_208 : i32 to vector<16xi32>
      %shift_right_logical3A_210 = arith.shrui %get3A_204, %shift_right_logical3A_209 : vector<16xi32>
      %and3A_211 = arith.constant 255 : i32
      %and3A_212 = vector.broadcast %and3A_211 : i32 to vector<16xi32>
      %and3A_213 = arith.andi %shift_right_logical3A_210, %and3A_212 : vector<16xi32>
      %eq3A_214 = arith.cmpi eq, %shift_right_logical3A_207, %broadcast_in_dim3A_114 : vector<16xi32>
      tpu.vector_store_idx %arg7[%and3A_213], %broadcast_in_dim3A_91 masked %eq3A_214 {add = true} : memref<256xi32, #tpu.memory_space<vmem>>[vector<16xi32>], vector<16xi32>, vector<16xi1>
      %scan3A_215 = arith.constant 0 : i32
      scf.yield %scan3A_215 : i32
    }
    %scan3A_135 = arith.constant 391 : i32
    %barrier3A_136 = arith.constant 0 : index
    tpu.barrier barrier_id(%barrier3A_136)
    "tpu.region"() ({
      %run_scoped3A_179 = tpu.sem_alloc : memref<!tpu.dma_semaphore, #tpu.memory_space<semaphore_mem>>
      %dma_start3A = arith.constant 0 : i32
      %dma_start3A_180 = tpu.memref_slice %arg16[%select_n3A_40, %select_n3A_54, %dma_start3A] : memref<4x4x256xi32, #tpu.memory_space<vmem_shared>> -> memref<1x1x256xi32, #tpu.memory_space<vmem_shared>>
      %dma_start3A_181 = tpu.memref_squeeze %dma_start3A_180 : memref<1x1x256xi32, #tpu.memory_space<vmem_shared>> -> memref<256xi32, #tpu.memory_space<vmem_shared>>
      %dma_start3A_182 = arith.constant 0 : i32
      %dma_start3A_183 = tpu.memref_slice %arg16[%select_n3A_40, %select_n3A_54, %dma_start3A_182] : memref<4x4x256xi32, #tpu.memory_space<vmem_shared>> -> memref<1x1x256xi32, #tpu.memory_space<vmem_shared>>
      %dma_start3A_184 = tpu.memref_squeeze %dma_start3A_183 : memref<1x1x256xi32, #tpu.memory_space<vmem_shared>> -> memref<256xi32, #tpu.memory_space<vmem_shared>>
      tpu.enqueue_dma source(%arg7 : memref<256xi32, #tpu.memory_space<vmem>>) target(%dma_start3A_184 : memref<256xi32, #tpu.memory_space<vmem_shared>>) target_semaphore(%run_scoped3A_179 : memref<!tpu.dma_semaphore, #tpu.memory_space<semaphore_mem>>)
      %dma_wait3A_185 = arith.constant 0 : i32
      %dma_wait3A_186 = tpu.memref_slice %arg16[%select_n3A_40, %select_n3A_54, %dma_wait3A_185] : memref<4x4x256xi32, #tpu.memory_space<vmem_shared>> -> memref<1x1x256xi32, #tpu.memory_space<vmem_shared>>
      %dma_wait3A_187 = tpu.memref_squeeze %dma_wait3A_186 : memref<1x1x256xi32, #tpu.memory_space<vmem_shared>> -> memref<256xi32, #tpu.memory_space<vmem_shared>>
      %dma_wait3A_188 = arith.constant 0 : i32
      %dma_wait3A_189 = tpu.memref_slice %arg16[%select_n3A_40, %select_n3A_54, %dma_wait3A_188] : memref<4x4x256xi32, #tpu.memory_space<vmem_shared>> -> memref<1x1x256xi32, #tpu.memory_space<vmem_shared>>
      %dma_wait3A_190 = tpu.memref_squeeze %dma_wait3A_189 : memref<1x1x256xi32, #tpu.memory_space<vmem_shared>> -> memref<256xi32, #tpu.memory_space<vmem_shared>>
      tpu.wait_dma2 semaphore(%run_scoped3A_179 : memref<!tpu.dma_semaphore, #tpu.memory_space<semaphore_mem>>) src(%arg7 : memref<256xi32, #tpu.memory_space<vmem>>) dst(%dma_wait3A_190 : memref<256xi32, #tpu.memory_space<vmem_shared>>)
      tpu.yield
    }) : () -> ()
    %barrier3A_137 = arith.constant 0 : index
    tpu.barrier barrier_id(%barrier3A_137)
    %run_scoped3A_138 = arith.constant 0 : i32
    %run_scoped3A_139 = arith.constant 0 : i32
    "tpu.region"() ({
      %run_scoped3A_179 = tpu.sem_alloc : memref<!tpu.dma_semaphore, #tpu.memory_space<semaphore_mem>>
      %dma_start3A = arith.constant 0 : i32
      %dma_start3A_180 = tpu.memref_slice %arg8[%run_scoped3A_139, %dma_start3A] : memref<4x256xi32, #tpu.memory_space<vmem>> -> memref<1x256xi32, #tpu.memory_space<vmem>>
      %dma_start3A_181 = tpu.memref_squeeze %dma_start3A_180 : memref<1x256xi32, #tpu.memory_space<vmem>> -> memref<256xi32, #tpu.memory_space<vmem>>
      %dma_start3A_182 = arith.constant 0 : i32
      %dma_start3A_183 = tpu.memref_slice %arg16[%select_n3A_40, %run_scoped3A_138, %dma_start3A_182] : memref<4x4x256xi32, #tpu.memory_space<vmem_shared>> -> memref<1x1x256xi32, #tpu.memory_space<vmem_shared>>
      %dma_start3A_184 = tpu.memref_squeeze %dma_start3A_183 : memref<1x1x256xi32, #tpu.memory_space<vmem_shared>> -> memref<256xi32, #tpu.memory_space<vmem_shared>>
      %dma_start3A_185 = arith.constant 0 : i32
      %dma_start3A_186 = tpu.memref_slice %arg8[%run_scoped3A_139, %dma_start3A_185] : memref<4x256xi32, #tpu.memory_space<vmem>> -> memref<1x256xi32, #tpu.memory_space<vmem>>
      %dma_start3A_187 = tpu.memref_squeeze %dma_start3A_186 : memref<1x256xi32, #tpu.memory_space<vmem>> -> memref<256xi32, #tpu.memory_space<vmem>>
      %dma_start3A_188 = arith.constant 0 : i32
      %dma_start3A_189 = tpu.memref_slice %arg16[%select_n3A_40, %run_scoped3A_138, %dma_start3A_188] : memref<4x4x256xi32, #tpu.memory_space<vmem_shared>> -> memref<1x1x256xi32, #tpu.memory_space<vmem_shared>>
      %dma_start3A_190 = tpu.memref_squeeze %dma_start3A_189 : memref<1x1x256xi32, #tpu.memory_space<vmem_shared>> -> memref<256xi32, #tpu.memory_space<vmem_shared>>
      tpu.enqueue_dma source(%dma_start3A_190 : memref<256xi32, #tpu.memory_space<vmem_shared>>) target(%dma_start3A_187 : memref<256xi32, #tpu.memory_space<vmem>>) target_semaphore(%run_scoped3A_179 : memref<!tpu.dma_semaphore, #tpu.memory_space<semaphore_mem>>)
      %dma_wait3A_191 = arith.constant 0 : i32
      %dma_wait3A_192 = tpu.memref_slice %arg8[%run_scoped3A_139, %dma_wait3A_191] : memref<4x256xi32, #tpu.memory_space<vmem>> -> memref<1x256xi32, #tpu.memory_space<vmem>>
      %dma_wait3A_193 = tpu.memref_squeeze %dma_wait3A_192 : memref<1x256xi32, #tpu.memory_space<vmem>> -> memref<256xi32, #tpu.memory_space<vmem>>
      %dma_wait3A_194 = arith.constant 0 : i32
      %dma_wait3A_195 = tpu.memref_slice %arg16[%select_n3A_40, %run_scoped3A_138, %dma_wait3A_194] : memref<4x4x256xi32, #tpu.memory_space<vmem_shared>> -> memref<1x1x256xi32, #tpu.memory_space<vmem_shared>>
      %dma_wait3A_196 = tpu.memref_squeeze %dma_wait3A_195 : memref<1x1x256xi32, #tpu.memory_space<vmem_shared>> -> memref<256xi32, #tpu.memory_space<vmem_shared>>
      %dma_wait3A_197 = arith.constant 0 : i32
      %dma_wait3A_198 = tpu.memref_slice %arg8[%run_scoped3A_139, %dma_wait3A_197] : memref<4x256xi32, #tpu.memory_space<vmem>> -> memref<1x256xi32, #tpu.memory_space<vmem>>
      %dma_wait3A_199 = tpu.memref_squeeze %dma_wait3A_198 : memref<1x256xi32, #tpu.memory_space<vmem>> -> memref<256xi32, #tpu.memory_space<vmem>>
      %dma_wait3A_200 = arith.constant 0 : i32
      %dma_wait3A_201 = tpu.memref_slice %arg16[%select_n3A_40, %run_scoped3A_138, %dma_wait3A_200] : memref<4x4x256xi32, #tpu.memory_space<vmem_shared>> -> memref<1x1x256xi32, #tpu.memory_space<vmem_shared>>
      %dma_wait3A_202 = tpu.memref_squeeze %dma_wait3A_201 : memref<1x1x256xi32, #tpu.memory_space<vmem_shared>> -> memref<256xi32, #tpu.memory_space<vmem_shared>>
      tpu.wait_dma2 semaphore(%run_scoped3A_179 : memref<!tpu.dma_semaphore, #tpu.memory_space<semaphore_mem>>) src(%dma_wait3A_202 : memref<256xi32, #tpu.memory_space<vmem_shared>>) dst(%dma_wait3A_199 : memref<256xi32, #tpu.memory_space<vmem>>)
      tpu.yield
    }) : () -> ()
    %run_scoped3A_140 = arith.constant 1 : i32
    %run_scoped3A_141 = arith.constant 1 : i32
    "tpu.region"() ({
      %run_scoped3A_179 = tpu.sem_alloc : memref<!tpu.dma_semaphore, #tpu.memory_space<semaphore_mem>>
      %dma_start3A = arith.constant 0 : i32
      %dma_start3A_180 = tpu.memref_slice %arg8[%run_scoped3A_141, %dma_start3A] : memref<4x256xi32, #tpu.memory_space<vmem>> -> memref<1x256xi32, #tpu.memory_space<vmem>>
      %dma_start3A_181 = tpu.memref_squeeze %dma_start3A_180 : memref<1x256xi32, #tpu.memory_space<vmem>> -> memref<256xi32, #tpu.memory_space<vmem>>
      %dma_start3A_182 = arith.constant 0 : i32
      %dma_start3A_183 = tpu.memref_slice %arg16[%select_n3A_40, %run_scoped3A_140, %dma_start3A_182] : memref<4x4x256xi32, #tpu.memory_space<vmem_shared>> -> memref<1x1x256xi32, #tpu.memory_space<vmem_shared>>
      %dma_start3A_184 = tpu.memref_squeeze %dma_start3A_183 : memref<1x1x256xi32, #tpu.memory_space<vmem_shared>> -> memref<256xi32, #tpu.memory_space<vmem_shared>>
      %dma_start3A_185 = arith.constant 0 : i32
      %dma_start3A_186 = tpu.memref_slice %arg8[%run_scoped3A_141, %dma_start3A_185] : memref<4x256xi32, #tpu.memory_space<vmem>> -> memref<1x256xi32, #tpu.memory_space<vmem>>
      %dma_start3A_187 = tpu.memref_squeeze %dma_start3A_186 : memref<1x256xi32, #tpu.memory_space<vmem>> -> memref<256xi32, #tpu.memory_space<vmem>>
      %dma_start3A_188 = arith.constant 0 : i32
      %dma_start3A_189 = tpu.memref_slice %arg16[%select_n3A_40, %run_scoped3A_140, %dma_start3A_188] : memref<4x4x256xi32, #tpu.memory_space<vmem_shared>> -> memref<1x1x256xi32, #tpu.memory_space<vmem_shared>>
      %dma_start3A_190 = tpu.memref_squeeze %dma_start3A_189 : memref<1x1x256xi32, #tpu.memory_space<vmem_shared>> -> memref<256xi32, #tpu.memory_space<vmem_shared>>
      tpu.enqueue_dma source(%dma_start3A_190 : memref<256xi32, #tpu.memory_space<vmem_shared>>) target(%dma_start3A_187 : memref<256xi32, #tpu.memory_space<vmem>>) target_semaphore(%run_scoped3A_179 : memref<!tpu.dma_semaphore, #tpu.memory_space<semaphore_mem>>)
      %dma_wait3A_191 = arith.constant 0 : i32
      %dma_wait3A_192 = tpu.memref_slice %arg8[%run_scoped3A_141, %dma_wait3A_191] : memref<4x256xi32, #tpu.memory_space<vmem>> -> memref<1x256xi32, #tpu.memory_space<vmem>>
      %dma_wait3A_193 = tpu.memref_squeeze %dma_wait3A_192 : memref<1x256xi32, #tpu.memory_space<vmem>> -> memref<256xi32, #tpu.memory_space<vmem>>
      %dma_wait3A_194 = arith.constant 0 : i32
      %dma_wait3A_195 = tpu.memref_slice %arg16[%select_n3A_40, %run_scoped3A_140, %dma_wait3A_194] : memref<4x4x256xi32, #tpu.memory_space<vmem_shared>> -> memref<1x1x256xi32, #tpu.memory_space<vmem_shared>>
      %dma_wait3A_196 = tpu.memref_squeeze %dma_wait3A_195 : memref<1x1x256xi32, #tpu.memory_space<vmem_shared>> -> memref<256xi32, #tpu.memory_space<vmem_shared>>
      %dma_wait3A_197 = arith.constant 0 : i32
      %dma_wait3A_198 = tpu.memref_slice %arg8[%run_scoped3A_141, %dma_wait3A_197] : memref<4x256xi32, #tpu.memory_space<vmem>> -> memref<1x256xi32, #tpu.memory_space<vmem>>
      %dma_wait3A_199 = tpu.memref_squeeze %dma_wait3A_198 : memref<1x256xi32, #tpu.memory_space<vmem>> -> memref<256xi32, #tpu.memory_space<vmem>>
      %dma_wait3A_200 = arith.constant 0 : i32
      %dma_wait3A_201 = tpu.memref_slice %arg16[%select_n3A_40, %run_scoped3A_140, %dma_wait3A_200] : memref<4x4x256xi32, #tpu.memory_space<vmem_shared>> -> memref<1x1x256xi32, #tpu.memory_space<vmem_shared>>
      %dma_wait3A_202 = tpu.memref_squeeze %dma_wait3A_201 : memref<1x1x256xi32, #tpu.memory_space<vmem_shared>> -> memref<256xi32, #tpu.memory_space<vmem_shared>>
      tpu.wait_dma2 semaphore(%run_scoped3A_179 : memref<!tpu.dma_semaphore, #tpu.memory_space<semaphore_mem>>) src(%dma_wait3A_202 : memref<256xi32, #tpu.memory_space<vmem_shared>>) dst(%dma_wait3A_199 : memref<256xi32, #tpu.memory_space<vmem>>)
      tpu.yield
    }) : () -> ()
    %run_scoped3A_142 = arith.constant 2 : i32
    %run_scoped3A_143 = arith.constant 2 : i32
    "tpu.region"() ({
      %run_scoped3A_179 = tpu.sem_alloc : memref<!tpu.dma_semaphore, #tpu.memory_space<semaphore_mem>>
      %dma_start3A = arith.constant 0 : i32
      %dma_start3A_180 = tpu.memref_slice %arg8[%run_scoped3A_143, %dma_start3A] : memref<4x256xi32, #tpu.memory_space<vmem>> -> memref<1x256xi32, #tpu.memory_space<vmem>>
      %dma_start3A_181 = tpu.memref_squeeze %dma_start3A_180 : memref<1x256xi32, #tpu.memory_space<vmem>> -> memref<256xi32, #tpu.memory_space<vmem>>
      %dma_start3A_182 = arith.constant 0 : i32
      %dma_start3A_183 = tpu.memref_slice %arg16[%select_n3A_40, %run_scoped3A_142, %dma_start3A_182] : memref<4x4x256xi32, #tpu.memory_space<vmem_shared>> -> memref<1x1x256xi32, #tpu.memory_space<vmem_shared>>
      %dma_start3A_184 = tpu.memref_squeeze %dma_start3A_183 : memref<1x1x256xi32, #tpu.memory_space<vmem_shared>> -> memref<256xi32, #tpu.memory_space<vmem_shared>>
      %dma_start3A_185 = arith.constant 0 : i32
      %dma_start3A_186 = tpu.memref_slice %arg8[%run_scoped3A_143, %dma_start3A_185] : memref<4x256xi32, #tpu.memory_space<vmem>> -> memref<1x256xi32, #tpu.memory_space<vmem>>
      %dma_start3A_187 = tpu.memref_squeeze %dma_start3A_186 : memref<1x256xi32, #tpu.memory_space<vmem>> -> memref<256xi32, #tpu.memory_space<vmem>>
      %dma_start3A_188 = arith.constant 0 : i32
      %dma_start3A_189 = tpu.memref_slice %arg16[%select_n3A_40, %run_scoped3A_142, %dma_start3A_188] : memref<4x4x256xi32, #tpu.memory_space<vmem_shared>> -> memref<1x1x256xi32, #tpu.memory_space<vmem_shared>>
      %dma_start3A_190 = tpu.memref_squeeze %dma_start3A_189 : memref<1x1x256xi32, #tpu.memory_space<vmem_shared>> -> memref<256xi32, #tpu.memory_space<vmem_shared>>
      tpu.enqueue_dma source(%dma_start3A_190 : memref<256xi32, #tpu.memory_space<vmem_shared>>) target(%dma_start3A_187 : memref<256xi32, #tpu.memory_space<vmem>>) target_semaphore(%run_scoped3A_179 : memref<!tpu.dma_semaphore, #tpu.memory_space<semaphore_mem>>)
      %dma_wait3A_191 = arith.constant 0 : i32
      %dma_wait3A_192 = tpu.memref_slice %arg8[%run_scoped3A_143, %dma_wait3A_191] : memref<4x256xi32, #tpu.memory_space<vmem>> -> memref<1x256xi32, #tpu.memory_space<vmem>>
      %dma_wait3A_193 = tpu.memref_squeeze %dma_wait3A_192 : memref<1x256xi32, #tpu.memory_space<vmem>> -> memref<256xi32, #tpu.memory_space<vmem>>
      %dma_wait3A_194 = arith.constant 0 : i32
      %dma_wait3A_195 = tpu.memref_slice %arg16[%select_n3A_40, %run_scoped3A_142, %dma_wait3A_194] : memref<4x4x256xi32, #tpu.memory_space<vmem_shared>> -> memref<1x1x256xi32, #tpu.memory_space<vmem_shared>>
      %dma_wait3A_196 = tpu.memref_squeeze %dma_wait3A_195 : memref<1x1x256xi32, #tpu.memory_space<vmem_shared>> -> memref<256xi32, #tpu.memory_space<vmem_shared>>
      %dma_wait3A_197 = arith.constant 0 : i32
      %dma_wait3A_198 = tpu.memref_slice %arg8[%run_scoped3A_143, %dma_wait3A_197] : memref<4x256xi32, #tpu.memory_space<vmem>> -> memref<1x256xi32, #tpu.memory_space<vmem>>
      %dma_wait3A_199 = tpu.memref_squeeze %dma_wait3A_198 : memref<1x256xi32, #tpu.memory_space<vmem>> -> memref<256xi32, #tpu.memory_space<vmem>>
      %dma_wait3A_200 = arith.constant 0 : i32
      %dma_wait3A_201 = tpu.memref_slice %arg16[%select_n3A_40, %run_scoped3A_142, %dma_wait3A_200] : memref<4x4x256xi32, #tpu.memory_space<vmem_shared>> -> memref<1x1x256xi32, #tpu.memory_space<vmem_shared>>
      %dma_wait3A_202 = tpu.memref_squeeze %dma_wait3A_201 : memref<1x1x256xi32, #tpu.memory_space<vmem_shared>> -> memref<256xi32, #tpu.memory_space<vmem_shared>>
      tpu.wait_dma2 semaphore(%run_scoped3A_179 : memref<!tpu.dma_semaphore, #tpu.memory_space<semaphore_mem>>) src(%dma_wait3A_202 : memref<256xi32, #tpu.memory_space<vmem_shared>>) dst(%dma_wait3A_199 : memref<256xi32, #tpu.memory_space<vmem>>)
      tpu.yield
    }) : () -> ()
    %run_scoped3A_144 = arith.constant 3 : i32
    %run_scoped3A_145 = arith.constant 3 : i32
    "tpu.region"() ({
      %run_scoped3A_179 = tpu.sem_alloc : memref<!tpu.dma_semaphore, #tpu.memory_space<semaphore_mem>>
      %dma_start3A = arith.constant 0 : i32
      %dma_start3A_180 = tpu.memref_slice %arg8[%run_scoped3A_145, %dma_start3A] : memref<4x256xi32, #tpu.memory_space<vmem>> -> memref<1x256xi32, #tpu.memory_space<vmem>>
      %dma_start3A_181 = tpu.memref_squeeze %dma_start3A_180 : memref<1x256xi32, #tpu.memory_space<vmem>> -> memref<256xi32, #tpu.memory_space<vmem>>
      %dma_start3A_182 = arith.constant 0 : i32
      %dma_start3A_183 = tpu.memref_slice %arg16[%select_n3A_40, %run_scoped3A_144, %dma_start3A_182] : memref<4x4x256xi32, #tpu.memory_space<vmem_shared>> -> memref<1x1x256xi32, #tpu.memory_space<vmem_shared>>
      %dma_start3A_184 = tpu.memref_squeeze %dma_start3A_183 : memref<1x1x256xi32, #tpu.memory_space<vmem_shared>> -> memref<256xi32, #tpu.memory_space<vmem_shared>>
      %dma_start3A_185 = arith.constant 0 : i32
      %dma_start3A_186 = tpu.memref_slice %arg8[%run_scoped3A_145, %dma_start3A_185] : memref<4x256xi32, #tpu.memory_space<vmem>> -> memref<1x256xi32, #tpu.memory_space<vmem>>
      %dma_start3A_187 = tpu.memref_squeeze %dma_start3A_186 : memref<1x256xi32, #tpu.memory_space<vmem>> -> memref<256xi32, #tpu.memory_space<vmem>>
      %dma_start3A_188 = arith.constant 0 : i32
      %dma_start3A_189 = tpu.memref_slice %arg16[%select_n3A_40, %run_scoped3A_144, %dma_start3A_188] : memref<4x4x256xi32, #tpu.memory_space<vmem_shared>> -> memref<1x1x256xi32, #tpu.memory_space<vmem_shared>>
      %dma_start3A_190 = tpu.memref_squeeze %dma_start3A_189 : memref<1x1x256xi32, #tpu.memory_space<vmem_shared>> -> memref<256xi32, #tpu.memory_space<vmem_shared>>
      tpu.enqueue_dma source(%dma_start3A_190 : memref<256xi32, #tpu.memory_space<vmem_shared>>) target(%dma_start3A_187 : memref<256xi32, #tpu.memory_space<vmem>>) target_semaphore(%run_scoped3A_179 : memref<!tpu.dma_semaphore, #tpu.memory_space<semaphore_mem>>)
      %dma_wait3A_191 = arith.constant 0 : i32
      %dma_wait3A_192 = tpu.memref_slice %arg8[%run_scoped3A_145, %dma_wait3A_191] : memref<4x256xi32, #tpu.memory_space<vmem>> -> memref<1x256xi32, #tpu.memory_space<vmem>>
      %dma_wait3A_193 = tpu.memref_squeeze %dma_wait3A_192 : memref<1x256xi32, #tpu.memory_space<vmem>> -> memref<256xi32, #tpu.memory_space<vmem>>
      %dma_wait3A_194 = arith.constant 0 : i32
      %dma_wait3A_195 = tpu.memref_slice %arg16[%select_n3A_40, %run_scoped3A_144, %dma_wait3A_194] : memref<4x4x256xi32, #tpu.memory_space<vmem_shared>> -> memref<1x1x256xi32, #tpu.memory_space<vmem_shared>>
      %dma_wait3A_196 = tpu.memref_squeeze %dma_wait3A_195 : memref<1x1x256xi32, #tpu.memory_space<vmem_shared>> -> memref<256xi32, #tpu.memory_space<vmem_shared>>
      %dma_wait3A_197 = arith.constant 0 : i32
      %dma_wait3A_198 = tpu.memref_slice %arg8[%run_scoped3A_145, %dma_wait3A_197] : memref<4x256xi32, #tpu.memory_space<vmem>> -> memref<1x256xi32, #tpu.memory_space<vmem>>
      %dma_wait3A_199 = tpu.memref_squeeze %dma_wait3A_198 : memref<1x256xi32, #tpu.memory_space<vmem>> -> memref<256xi32, #tpu.memory_space<vmem>>
      %dma_wait3A_200 = arith.constant 0 : i32
      %dma_wait3A_201 = tpu.memref_slice %arg16[%select_n3A_40, %run_scoped3A_144, %dma_wait3A_200] : memref<4x4x256xi32, #tpu.memory_space<vmem_shared>> -> memref<1x1x256xi32, #tpu.memory_space<vmem_shared>>
      %dma_wait3A_202 = tpu.memref_squeeze %dma_wait3A_201 : memref<1x1x256xi32, #tpu.memory_space<vmem_shared>> -> memref<256xi32, #tpu.memory_space<vmem_shared>>
      tpu.wait_dma2 semaphore(%run_scoped3A_179 : memref<!tpu.dma_semaphore, #tpu.memory_space<semaphore_mem>>) src(%dma_wait3A_202 : memref<256xi32, #tpu.memory_space<vmem_shared>>) dst(%dma_wait3A_199 : memref<256xi32, #tpu.memory_space<vmem>>)
      tpu.yield
    }) : () -> ()
    %sub3A_146 = arith.constant 2048 : i32
    %sub3A_147 = arith.subi %sub3A_146, %scan3A_120 : i32
    %scan3A_148 = arith.constant 0 : i32
    %scan3A_149 = arith.constant 0 : i32
    %scan3A_150 = arith.constant 0 : i32
    %scan3A_151 = arith.constant 16 : i32
    %scan3A_152 = arith.addi %scan3A_150, %scan3A_151 : i32
    %scan3A_153 = arith.constant 1 : i32
    %scan3A_154:2 = scf.for %scan3A_179 = %scan3A_150 to %scan3A_152 step %scan3A_153 iter_args(%scan3A_180 = %scan3A_148, %scan3A_181 = %scan3A_149) -> (i32, i32)  : i32 {
      %mul3A_182 = arith.constant 16 : i32
      %mul3A_183 = arith.muli %scan3A_179, %mul3A_182 : i32
      %get3A = arith.constant 0 : i32
      %get3A_184 = arith.index_cast %get3A : i32 to index
      %get3A_185 = arith.index_cast %mul3A_183 : i32 to index
      %get3A_186 = tpu.vector_load %arg8[%get3A_184, %get3A_185] {strides = array<i32>} : memref<4x256xi32, #tpu.memory_space<vmem>>, vector<16xi32>,
      %mul3A_187 = arith.constant 16 : i32
      %mul3A_188 = arith.muli %scan3A_179, %mul3A_187 : i32
      %get3A_189 = arith.constant 1 : i32
      %get3A_190 = arith.index_cast %get3A_189 : i32 to index
      %get3A_191 = arith.index_cast %mul3A_188 : i32 to index
      %get3A_192 = tpu.vector_load %arg8[%get3A_190, %get3A_191] {strides = array<i32>} : memref<4x256xi32, #tpu.memory_space<vmem>>, vector<16xi32>,
      %add3A_193 = arith.addi %get3A_186, %get3A_192 : vector<16xi32>
      %mul3A_194 = arith.constant 16 : i32
      %mul3A_195 = arith.muli %scan3A_179, %mul3A_194 : i32
      %get3A_196 = arith.constant 2 : i32
      %get3A_197 = arith.index_cast %get3A_196 : i32 to index
      %get3A_198 = arith.index_cast %mul3A_195 : i32 to index
      %get3A_199 = tpu.vector_load %arg8[%get3A_197, %get3A_198] {strides = array<i32>} : memref<4x256xi32, #tpu.memory_space<vmem>>, vector<16xi32>,
      %add3A_200 = arith.addi %add3A_193, %get3A_199 : vector<16xi32>
      %mul3A_201 = arith.constant 16 : i32
      %mul3A_202 = arith.muli %scan3A_179, %mul3A_201 : i32
      %get3A_203 = arith.constant 3 : i32
      %get3A_204 = arith.index_cast %get3A_203 : i32 to index
      %get3A_205 = arith.index_cast %mul3A_202 : i32 to index
      %get3A_206 = tpu.vector_load %arg8[%get3A_204, %get3A_205] {strides = array<i32>} : memref<4x256xi32, #tpu.memory_space<vmem>>, vector<16xi32>,
      %add3A_207 = arith.addi %add3A_200, %get3A_206 : vector<16xi32>
      %broadcast_in_dim3A_208 = arith.constant true
      %broadcast_in_dim3A_209 = vector.broadcast %broadcast_in_dim3A_208 : i1 to vector<16xi1>
      %masked_cumsum3A = tpu.scan <sum>, %add3A_207 masked %broadcast_in_dim3A_209 : vector<16xi32>, vector<16xi1> -> vector<16xi32>
      %broadcast_in_dim3A_210 = vector.broadcast %scan3A_181 : i32 to vector<16xi32>
      %add3A_211 = arith.addi %masked_cumsum3A, %broadcast_in_dim3A_210 : vector<16xi32>
      %broadcast_in_dim3A_212 = vector.broadcast %sub3A_147 : i32 to vector<16xi32>
      %lt3A_213 = arith.cmpi slt, %add3A_211, %broadcast_in_dim3A_212 : vector<16xi32>
      %convert_element_type3A_214 = arith.extui %lt3A_213 : vector<16xi1> to vector<16xi32>
      %reduce_sum3A = arith.constant true
      %reduce_sum3A_215 = vector.broadcast %reduce_sum3A : i1 to vector<16xi1>
      %reduce_sum3A_216 = tpu.scan <sum>, %convert_element_type3A_214 masked %reduce_sum3A_215 : vector<16xi32>, vector<16xi1> -> vector<16xi32>
      %reduce_sum3A_217 = vector.extract %reduce_sum3A_216[15] : i32 from vector<16xi32>
      %add3A_218 = arith.addi %scan3A_180, %reduce_sum3A_217 : i32
      %reduce_max3A = arith.constant true
      %reduce_max3A_219 = vector.broadcast %reduce_max3A : i1 to vector<16xi1>
      %reduce_max3A_220 = arith.constant -2147483648 : i32
      %reduce_max3A_221 = vector.broadcast %reduce_max3A_220 : i32 to vector<16xi32>
      %reduce_max3A_222 = arith.xori %add3A_211, %reduce_max3A_221 : vector<16xi32>
      %reduce_max3A_223 = tpu.scan <max>, %reduce_max3A_222 masked %reduce_max3A_219 : vector<16xi32>, vector<16xi1> -> vector<16xi32>
      %reduce_max3A_224 = arith.xori %reduce_max3A_223, %reduce_max3A_221 : vector<16xi32>
      %reduce_max3A_225 = vector.extract %reduce_max3A_224[15] : i32 from vector<16xi32>
      scf.yield %add3A_218, %reduce_max3A_225 : i32, i32
    }
    %scan3A_155 = arith.constant 16 : i32
    %broadcast_in_dim3A_156 = vector.broadcast %scan3A_154#0 : i32 to vector<16xi32>
    %scan3A_157 = arith.constant 0 : i32
    %scan3A_158 = arith.constant 0 : i32
    %scan3A_159 = arith.constant 64 : i32
    %scan3A_160 = arith.addi %scan3A_158, %scan3A_159 : i32
    %scan3A_161 = arith.constant 1 : i32
    %scan3A_162 = scf.for %scan3A_179 = %scan3A_158 to %scan3A_160 step %scan3A_161 iter_args(%scan3A_180 = %scan3A_157) -> (i32)  : i32 {
      %broadcast_in_dim3A_181 = arith.constant -1 : i32
      %broadcast_in_dim3A_182 = vector.broadcast %broadcast_in_dim3A_181 : i32 to vector<16xi32>
      %mul3A_183 = arith.constant 16 : i32
      %mul3A_184 = arith.muli %scan3A_179, %mul3A_183 : i32
      %swap3A = arith.index_cast %mul3A_184 : i32 to index
      %swap3A_185 = tpu.vector_load %arg9[%swap3A] {strides = array<i32>} : memref<1024xi32, #tpu.memory_space<vmem>>, vector<16xi32>,
      tpu.vector_store %arg9[%swap3A], %broadcast_in_dim3A_182 {strides = array<i32>} : memref<1024xi32, #tpu.memory_space<vmem>>, vector<16xi32>,
      %broadcast_in_dim3A_186 = arith.constant 2147483647 : i32
      %broadcast_in_dim3A_187 = vector.broadcast %broadcast_in_dim3A_186 : i32 to vector<16xi32>
      %mul3A_188 = arith.constant 16 : i32
      %mul3A_189 = arith.muli %scan3A_179, %mul3A_188 : i32
      %swap3A_190 = arith.index_cast %mul3A_189 : i32 to index
      %swap3A_191 = tpu.vector_load %arg10[%swap3A_190] {strides = array<i32>} : memref<1024xi32, #tpu.memory_space<vmem>>, vector<16xi32>,
      tpu.vector_store %arg10[%swap3A_190], %broadcast_in_dim3A_187 {strides = array<i32>} : memref<1024xi32, #tpu.memory_space<vmem>>, vector<16xi32>,
      %scan3A_192 = arith.constant 0 : i32
      scf.yield %scan3A_192 : i32
    }
    %scan3A_163 = arith.constant 64 : i32
    %scan3A_164 = arith.constant 0 : i32
    %scan3A_165 = arith.constant 0 : i32
    %scan3A_166 = arith.constant 782 : i32
    %scan3A_167 = arith.addi %scan3A_165, %scan3A_166 : i32
    %scan3A_168 = arith.constant 1 : i32
    %scan3A_169 = scf.for %scan3A_179 = %scan3A_165 to %scan3A_167 step %scan3A_168 iter_args(%scan3A_180 = %scan3A_164) -> (i32)  : i32 {
      %mul3A_181 = arith.constant 16 : i32
      %mul3A_182 = arith.muli %scan3A_179, %mul3A_181 : i32
      %get3A = arith.index_cast %mul3A_182 : i32 to index
      %get3A_183 = tpu.vector_load %arg6[%get3A] {strides = array<i32>} : memref<12512xi32, #tpu.memory_space<vmem>>, vector<16xi32>,
      %shift_right_logical3A = arith.constant 24 : i32
      %shift_right_logical3A_184 = vector.broadcast %shift_right_logical3A : i32 to vector<16xi32>
      %shift_right_logical3A_185 = arith.shrui %get3A_183, %shift_right_logical3A_184 : vector<16xi32>
      %shift_right_logical3A_186 = arith.constant 16 : i32
      %shift_right_logical3A_187 = vector.broadcast %shift_right_logical3A_186 : i32 to vector<16xi32>
      %shift_right_logical3A_188 = arith.shrui %get3A_183, %shift_right_logical3A_187 : vector<16xi32>
      %and3A_189 = arith.constant 255 : i32
      %and3A_190 = vector.broadcast %and3A_189 : i32 to vector<16xi32>
      %and3A_191 = arith.andi %shift_right_logical3A_188, %and3A_190 : vector<16xi32>
      %lt3A_192 = arith.cmpi slt, %shift_right_logical3A_185, %broadcast_in_dim3A_114 : vector<16xi32>
      %eq3A_193 = arith.cmpi eq, %shift_right_logical3A_185, %broadcast_in_dim3A_114 : vector<16xi32>
      %le3A = arith.cmpi sle, %and3A_191, %broadcast_in_dim3A_156 : vector<16xi32>
      %and3A_194 = arith.andi %eq3A_193, %le3A : vector<16xi1>
      %or3A = arith.ori %lt3A_192, %and3A_194 : vector<16xi1>
      %mul3A_195 = arith.constant 12504 : i32
      %mul3A_196 = arith.muli %select_n3A_54, %mul3A_195 : i32
      %mul3A_197 = arith.constant 16 : i32
      %mul3A_198 = arith.muli %scan3A_179, %mul3A_197 : i32
      %add3A_199 = arith.addi %mul3A_196, %mul3A_198 : i32
      %broadcast_in_dim3A_200 = vector.broadcast %add3A_199 : i32 to vector<16xi32>
      %add3A_201 = arith.addi %broadcast_in_dim3A_200, %iota3A : vector<16xi32>
      %le3A_202 = arith.constant 1008 : i32
      %le3A_203 = arith.cmpi sle, %scan3A_180, %le3A_202 : i32
      %convert_element_type3A_204 = arith.extui %le3A_203 : i1 to i32
      %cond3A_205 = arith.constant 0 : i32
      %cond3A_206 = arith.cmpi ne, %convert_element_type3A_204, %cond3A_205 : i32
      scf.if %cond3A_206 {
        %swap3A = arith.index_cast %scan3A_180 : i32 to index
        %swap3A_215 = tpu.vector_load %arg9[%swap3A] masked %or3A {strides = array<i32>} : memref<1024xi32, #tpu.memory_space<vmem>>, vector<16xi32>, vector<16xi1>
        tpu.vector_store %arg9[%swap3A], %get3A_183 masked %or3A {strides = array<i32>} : memref<1024xi32, #tpu.memory_space<vmem>>, vector<16xi32>, vector<16xi1>
        %swap3A_216 = arith.index_cast %scan3A_180 : i32 to index
        %swap3A_217 = tpu.vector_load %arg10[%swap3A_216] masked %or3A {strides = array<i32>} : memref<1024xi32, #tpu.memory_space<vmem>>, vector<16xi32>, vector<16xi1>
        tpu.vector_store %arg10[%swap3A_216], %add3A_201 masked %or3A {strides = array<i32>} : memref<1024xi32, #tpu.memory_space<vmem>>, vector<16xi32>, vector<16xi1>
      } else {
      }
      %all_reduce_population_count3A = tpu.all_reduce %or3A {dim = 0 : i64, kind = #tpu.reduction_kind<sum>} : vector<16xi1> -> vector<16xi32>
      %reduce_max3A = arith.constant true
      %reduce_max3A_207 = vector.broadcast %reduce_max3A : i1 to vector<16xi1>
      %reduce_max3A_208 = arith.constant -2147483648 : i32
      %reduce_max3A_209 = vector.broadcast %reduce_max3A_208 : i32 to vector<16xi32>
      %reduce_max3A_210 = arith.xori %all_reduce_population_count3A, %reduce_max3A_209 : vector<16xi32>
      %reduce_max3A_211 = tpu.scan <max>, %reduce_max3A_210 masked %reduce_max3A_207 : vector<16xi32>, vector<16xi1> -> vector<16xi32>
      %reduce_max3A_212 = arith.xori %reduce_max3A_211, %reduce_max3A_209 : vector<16xi32>
      %reduce_max3A_213 = vector.extract %reduce_max3A_212[15] : i32 from vector<16xi32>
      %add3A_214 = arith.addi %scan3A_180, %reduce_max3A_213 : i32
      scf.yield %add3A_214 : i32
    }
    %scan3A_170 = arith.constant 782 : i32
    %mul3A_171 = arith.constant 1024 : i32
    %mul3A_172 = arith.muli %select_n3A_54, %mul3A_171 : i32
    "tpu.region"() ({
      %run_scoped3A_179 = tpu.sem_alloc : memref<!tpu.dma_semaphore, #tpu.memory_space<semaphore_mem>>
      %dma_start3A = tpu.memref_slice %arg17[%select_n3A_40, %mul3A_172] : memref<4x4096xi32, #tpu.memory_space<vmem_shared>> -> memref<1x1024xi32, #tpu.memory_space<vmem_shared>>
      %dma_start3A_180 = tpu.memref_squeeze %dma_start3A : memref<1x1024xi32, #tpu.memory_space<vmem_shared>> -> memref<1024xi32, #tpu.memory_space<vmem_shared>>
      %dma_start3A_181 = tpu.memref_slice %arg17[%select_n3A_40, %mul3A_172] : memref<4x4096xi32, #tpu.memory_space<vmem_shared>> -> memref<1x1024xi32, #tpu.memory_space<vmem_shared>>
      %dma_start3A_182 = tpu.memref_squeeze %dma_start3A_181 : memref<1x1024xi32, #tpu.memory_space<vmem_shared>> -> memref<1024xi32, #tpu.memory_space<vmem_shared>>
      tpu.enqueue_dma source(%arg9 : memref<1024xi32, #tpu.memory_space<vmem>>) target(%dma_start3A_182 : memref<1024xi32, #tpu.memory_space<vmem_shared>>) target_semaphore(%run_scoped3A_179 : memref<!tpu.dma_semaphore, #tpu.memory_space<semaphore_mem>>)
      %dma_wait3A_183 = tpu.memref_slice %arg17[%select_n3A_40, %mul3A_172] : memref<4x4096xi32, #tpu.memory_space<vmem_shared>> -> memref<1x1024xi32, #tpu.memory_space<vmem_shared>>
      %dma_wait3A_184 = tpu.memref_squeeze %dma_wait3A_183 : memref<1x1024xi32, #tpu.memory_space<vmem_shared>> -> memref<1024xi32, #tpu.memory_space<vmem_shared>>
      %dma_wait3A_185 = tpu.memref_slice %arg17[%select_n3A_40, %mul3A_172] : memref<4x4096xi32, #tpu.memory_space<vmem_shared>> -> memref<1x1024xi32, #tpu.memory_space<vmem_shared>>
      %dma_wait3A_186 = tpu.memref_squeeze %dma_wait3A_185 : memref<1x1024xi32, #tpu.memory_space<vmem_shared>> -> memref<1024xi32, #tpu.memory_space<vmem_shared>>
      tpu.wait_dma2 semaphore(%run_scoped3A_179 : memref<!tpu.dma_semaphore, #tpu.memory_space<semaphore_mem>>) src(%arg9 : memref<1024xi32, #tpu.memory_space<vmem>>) dst(%dma_wait3A_186 : memref<1024xi32, #tpu.memory_space<vmem_shared>>)
      tpu.yield
    }) : () -> ()
    %mul3A_173 = arith.constant 1024 : i32
    %mul3A_174 = arith.muli %select_n3A_54, %mul3A_173 : i32
    "tpu.region"() ({
      %run_scoped3A_179 = tpu.sem_alloc : memref<!tpu.dma_semaphore, #tpu.memory_space<semaphore_mem>>
      %dma_start3A = tpu.memref_slice %arg18[%select_n3A_40, %mul3A_174] : memref<4x4096xi32, #tpu.memory_space<vmem_shared>> -> memref<1x1024xi32, #tpu.memory_space<vmem_shared>>
      %dma_start3A_180 = tpu.memref_squeeze %dma_start3A : memref<1x1024xi32, #tpu.memory_space<vmem_shared>> -> memref<1024xi32, #tpu.memory_space<vmem_shared>>
      %dma_start3A_181 = tpu.memref_slice %arg18[%select_n3A_40, %mul3A_174] : memref<4x4096xi32, #tpu.memory_space<vmem_shared>> -> memref<1x1024xi32, #tpu.memory_space<vmem_shared>>
      %dma_start3A_182 = tpu.memref_squeeze %dma_start3A_181 : memref<1x1024xi32, #tpu.memory_space<vmem_shared>> -> memref<1024xi32, #tpu.memory_space<vmem_shared>>
      tpu.enqueue_dma source(%arg10 : memref<1024xi32, #tpu.memory_space<vmem>>) target(%dma_start3A_182 : memref<1024xi32, #tpu.memory_space<vmem_shared>>) target_semaphore(%run_scoped3A_179 : memref<!tpu.dma_semaphore, #tpu.memory_space<semaphore_mem>>)
      %dma_wait3A_183 = tpu.memref_slice %arg18[%select_n3A_40, %mul3A_174] : memref<4x4096xi32, #tpu.memory_space<vmem_shared>> -> memref<1x1024xi32, #tpu.memory_space<vmem_shared>>
      %dma_wait3A_184 = tpu.memref_squeeze %dma_wait3A_183 : memref<1x1024xi32, #tpu.memory_space<vmem_shared>> -> memref<1024xi32, #tpu.memory_space<vmem_shared>>
      %dma_wait3A_185 = tpu.memref_slice %arg18[%select_n3A_40, %mul3A_174] : memref<4x4096xi32, #tpu.memory_space<vmem_shared>> -> memref<1x1024xi32, #tpu.memory_space<vmem_shared>>
      %dma_wait3A_186 = tpu.memref_squeeze %dma_wait3A_185 : memref<1x1024xi32, #tpu.memory_space<vmem_shared>> -> memref<1024xi32, #tpu.memory_space<vmem_shared>>
      tpu.wait_dma2 semaphore(%run_scoped3A_179 : memref<!tpu.dma_semaphore, #tpu.memory_space<semaphore_mem>>) src(%arg10 : memref<1024xi32, #tpu.memory_space<vmem>>) dst(%dma_wait3A_186 : memref<1024xi32, #tpu.memory_space<vmem_shared>>)
      tpu.yield
    }) : () -> ()
    %barrier3A_175 = arith.constant 0 : index
    tpu.barrier barrier_id(%barrier3A_175)
    %eq3A_176 = arith.constant 0 : i32
    %eq3A_177 = arith.cmpi eq, %select_n3A_54, %eq3A_176 : i32
    %convert_element_type3A = arith.extui %eq3A_177 : i1 to i32
    %cond3A = arith.constant 0 : i32
    %cond3A_178 = arith.cmpi ne, %convert_element_type3A, %cond3A : i32
    scf.if %cond3A_178 {
      "tpu.region"() ({
        %run_scoped3A_277 = tpu.sem_alloc : memref<!tpu.dma_semaphore, #tpu.memory_space<semaphore_mem>>
        %dma_start3A = arith.constant 0 : i32
        %dma_start3A_278 = tpu.memref_slice %arg17[%select_n3A_40, %dma_start3A] : memref<4x4096xi32, #tpu.memory_space<vmem_shared>> -> memref<1x4096xi32, #tpu.memory_space<vmem_shared>>
        %dma_start3A_279 = tpu.memref_squeeze %dma_start3A_278 : memref<1x4096xi32, #tpu.memory_space<vmem_shared>> -> memref<4096xi32, #tpu.memory_space<vmem_shared>>
        %dma_start3A_280 = arith.constant 0 : i32
        %dma_start3A_281 = tpu.memref_slice %arg17[%select_n3A_40, %dma_start3A_280] : memref<4x4096xi32, #tpu.memory_space<vmem_shared>> -> memref<1x4096xi32, #tpu.memory_space<vmem_shared>>
        %dma_start3A_282 = tpu.memref_squeeze %dma_start3A_281 : memref<1x4096xi32, #tpu.memory_space<vmem_shared>> -> memref<4096xi32, #tpu.memory_space<vmem_shared>>
        tpu.enqueue_dma source(%dma_start3A_282 : memref<4096xi32, #tpu.memory_space<vmem_shared>>) target(%arg11 : memref<4096xi32, #tpu.memory_space<vmem>>) target_semaphore(%run_scoped3A_277 : memref<!tpu.dma_semaphore, #tpu.memory_space<semaphore_mem>>)
        %dma_wait3A_283 = arith.constant 0 : i32
        %dma_wait3A_284 = tpu.memref_slice %arg17[%select_n3A_40, %dma_wait3A_283] : memref<4x4096xi32, #tpu.memory_space<vmem_shared>> -> memref<1x4096xi32, #tpu.memory_space<vmem_shared>>
        %dma_wait3A_285 = tpu.memref_squeeze %dma_wait3A_284 : memref<1x4096xi32, #tpu.memory_space<vmem_shared>> -> memref<4096xi32, #tpu.memory_space<vmem_shared>>
        %dma_wait3A_286 = arith.constant 0 : i32
        %dma_wait3A_287 = tpu.memref_slice %arg17[%select_n3A_40, %dma_wait3A_286] : memref<4x4096xi32, #tpu.memory_space<vmem_shared>> -> memref<1x4096xi32, #tpu.memory_space<vmem_shared>>
        %dma_wait3A_288 = tpu.memref_squeeze %dma_wait3A_287 : memref<1x4096xi32, #tpu.memory_space<vmem_shared>> -> memref<4096xi32, #tpu.memory_space<vmem_shared>>
        tpu.wait_dma2 semaphore(%run_scoped3A_277 : memref<!tpu.dma_semaphore, #tpu.memory_space<semaphore_mem>>) src(%dma_wait3A_288 : memref<4096xi32, #tpu.memory_space<vmem_shared>>) dst(%arg11 : memref<4096xi32, #tpu.memory_space<vmem>>)
        tpu.yield
      }) : () -> ()
      "tpu.region"() ({
        %run_scoped3A_277 = tpu.sem_alloc : memref<!tpu.dma_semaphore, #tpu.memory_space<semaphore_mem>>
        %dma_start3A = arith.constant 0 : i32
        %dma_start3A_278 = tpu.memref_slice %arg18[%select_n3A_40, %dma_start3A] : memref<4x4096xi32, #tpu.memory_space<vmem_shared>> -> memref<1x4096xi32, #tpu.memory_space<vmem_shared>>
        %dma_start3A_279 = tpu.memref_squeeze %dma_start3A_278 : memref<1x4096xi32, #tpu.memory_space<vmem_shared>> -> memref<4096xi32, #tpu.memory_space<vmem_shared>>
        %dma_start3A_280 = arith.constant 0 : i32
        %dma_start3A_281 = tpu.memref_slice %arg18[%select_n3A_40, %dma_start3A_280] : memref<4x4096xi32, #tpu.memory_space<vmem_shared>> -> memref<1x4096xi32, #tpu.memory_space<vmem_shared>>
        %dma_start3A_282 = tpu.memref_squeeze %dma_start3A_281 : memref<1x4096xi32, #tpu.memory_space<vmem_shared>> -> memref<4096xi32, #tpu.memory_space<vmem_shared>>
        tpu.enqueue_dma source(%dma_start3A_282 : memref<4096xi32, #tpu.memory_space<vmem_shared>>) target(%arg12 : memref<4096xi32, #tpu.memory_space<vmem>>) target_semaphore(%run_scoped3A_277 : memref<!tpu.dma_semaphore, #tpu.memory_space<semaphore_mem>>)
        %dma_wait3A_283 = arith.constant 0 : i32
        %dma_wait3A_284 = tpu.memref_slice %arg18[%select_n3A_40, %dma_wait3A_283] : memref<4x4096xi32, #tpu.memory_space<vmem_shared>> -> memref<1x4096xi32, #tpu.memory_space<vmem_shared>>
        %dma_wait3A_285 = tpu.memref_squeeze %dma_wait3A_284 : memref<1x4096xi32, #tpu.memory_space<vmem_shared>> -> memref<4096xi32, #tpu.memory_space<vmem_shared>>
        %dma_wait3A_286 = arith.constant 0 : i32
        %dma_wait3A_287 = tpu.memref_slice %arg18[%select_n3A_40, %dma_wait3A_286] : memref<4x4096xi32, #tpu.memory_space<vmem_shared>> -> memref<1x4096xi32, #tpu.memory_space<vmem_shared>>
        %dma_wait3A_288 = tpu.memref_squeeze %dma_wait3A_287 : memref<1x4096xi32, #tpu.memory_space<vmem_shared>> -> memref<4096xi32, #tpu.memory_space<vmem_shared>>
        tpu.wait_dma2 semaphore(%run_scoped3A_277 : memref<!tpu.dma_semaphore, #tpu.memory_space<semaphore_mem>>) src(%dma_wait3A_288 : memref<4096xi32, #tpu.memory_space<vmem_shared>>) dst(%arg12 : memref<4096xi32, #tpu.memory_space<vmem>>)
        tpu.yield
      }) : () -> ()
      %scan3A_179 = arith.constant 0 : i32
      %scan3A_180 = arith.constant 0 : i32
      %scan3A_181 = arith.constant 128 : i32
      %scan3A_182 = arith.addi %scan3A_180, %scan3A_181 : i32
      %scan3A_183 = arith.constant 1 : i32
      %scan3A_184 = scf.for %scan3A_277 = %scan3A_180 to %scan3A_182 step %scan3A_183 iter_args(%scan3A_278 = %scan3A_179) -> (i32)  : i32 {
        %broadcast_in_dim3A_279 = arith.constant 0 : i32
        %broadcast_in_dim3A_280 = vector.broadcast %broadcast_in_dim3A_279 : i32 to vector<16xi32>
        %mul3A_281 = arith.constant 16 : i32
        %mul3A_282 = arith.muli %scan3A_277, %mul3A_281 : i32
        %swap3A = arith.index_cast %mul3A_282 : i32 to index
        %swap3A_283 = tpu.vector_load %arg15[%swap3A] {strides = array<i32>} : memref<2048xi32, #tpu.memory_space<vmem>>, vector<16xi32>,
        tpu.vector_store %arg15[%swap3A], %broadcast_in_dim3A_280 {strides = array<i32>} : memref<2048xi32, #tpu.memory_space<vmem>>, vector<16xi32>,
        %scan3A_284 = arith.constant 0 : i32
        scf.yield %scan3A_284 : i32
      }
      %scan3A_185 = arith.constant 128 : i32
      %broadcast_in_dim3A_186 = arith.constant 1 : i32
      %broadcast_in_dim3A_187 = vector.broadcast %broadcast_in_dim3A_186 : i32 to vector<16xi32>
      %scan3A_188 = arith.constant 2047 : i32
      %scan3A_189 = arith.constant 0 : i32
      %scan3A_190 = arith.constant 0 : i32
      %scan3A_191 = arith.constant 128 : i32
      %scan3A_192 = arith.addi %scan3A_190, %scan3A_191 : i32
      %scan3A_193 = arith.constant 1 : i32
      %scan3A_194 = scf.for %scan3A_277 = %scan3A_190 to %scan3A_192 step %scan3A_193 iter_args(%scan3A_278 = %scan3A_189) -> (i32)  : i32 {
        %mul3A_279 = arith.constant 2 : i32
        %mul3A_280 = arith.muli %scan3A_277, %mul3A_279 : i32
        %add3A_281 = arith.constant 0 : i32
        %add3A_282 = arith.addi %mul3A_280, %add3A_281 : i32
        %mul3A_283 = arith.constant 16 : i32
        %mul3A_284 = arith.muli %add3A_282, %mul3A_283 : i32
        %get3A = arith.index_cast %mul3A_284 : i32 to index
        %get3A_285 = tpu.vector_load %arg11[%get3A] {strides = array<i32>} : memref<4096xi32, #tpu.memory_space<vmem>>, vector<16xi32>,
        %shift_right_logical3A = arith.constant 0 : i32
        %shift_right_logical3A_286 = vector.broadcast %shift_right_logical3A : i32 to vector<16xi32>
        %shift_right_logical3A_287 = arith.shrui %get3A_285, %shift_right_logical3A_286 : vector<16xi32>
        %and3A_288 = vector.broadcast %scan3A_188 : i32 to vector<16xi32>
        %and3A_289 = arith.andi %shift_right_logical3A_287, %and3A_288 : vector<16xi32>
        tpu.vector_store_idx %arg15[%and3A_289], %broadcast_in_dim3A_187 {add = true} : memref<2048xi32, #tpu.memory_space<vmem>>[vector<16xi32>], vector<16xi32>,
        %mul3A_290 = arith.constant 2 : i32
        %mul3A_291 = arith.muli %scan3A_277, %mul3A_290 : i32
        %add3A_292 = arith.constant 1 : i32
        %add3A_293 = arith.addi %mul3A_291, %add3A_292 : i32
        %mul3A_294 = arith.constant 16 : i32
        %mul3A_295 = arith.muli %add3A_293, %mul3A_294 : i32
        %get3A_296 = arith.index_cast %mul3A_295 : i32 to index
        %get3A_297 = tpu.vector_load %arg11[%get3A_296] {strides = array<i32>} : memref<4096xi32, #tpu.memory_space<vmem>>, vector<16xi32>,
        %shift_right_logical3A_298 = arith.constant 0 : i32
        %shift_right_logical3A_299 = vector.broadcast %shift_right_logical3A_298 : i32 to vector<16xi32>
        %shift_right_logical3A_300 = arith.shrui %get3A_297, %shift_right_logical3A_299 : vector<16xi32>
        %and3A_301 = vector.broadcast %scan3A_188 : i32 to vector<16xi32>
        %and3A_302 = arith.andi %shift_right_logical3A_300, %and3A_301 : vector<16xi32>
        tpu.vector_store_idx %arg15[%and3A_302], %broadcast_in_dim3A_187 {add = true} : memref<2048xi32, #tpu.memory_space<vmem>>[vector<16xi32>], vector<16xi32>,
        %scan3A_303 = arith.constant 0 : i32
        scf.yield %scan3A_303 : i32
      }
      %scan3A_195 = arith.constant 128 : i32
      %scan3A_196 = arith.constant 0 : i32
      %scan3A_197 = arith.constant 0 : i32
      %scan3A_198 = arith.constant 128 : i32
      %scan3A_199 = arith.addi %scan3A_197, %scan3A_198 : i32
      %scan3A_200 = arith.constant 1 : i32
      %scan3A_201 = scf.for %scan3A_277 = %scan3A_197 to %scan3A_199 step %scan3A_200 iter_args(%scan3A_278 = %scan3A_196) -> (i32)  : i32 {
        %mul3A_279 = arith.constant 16 : i32
        %mul3A_280 = arith.muli %scan3A_277, %mul3A_279 : i32
        %get3A = arith.index_cast %mul3A_280 : i32 to index
        %get3A_281 = tpu.vector_load %arg15[%get3A] {strides = array<i32>} : memref<2048xi32, #tpu.memory_space<vmem>>, vector<16xi32>,
        %broadcast_in_dim3A_282 = arith.constant true
        %broadcast_in_dim3A_283 = vector.broadcast %broadcast_in_dim3A_282 : i1 to vector<16xi1>
        %masked_cumsum3A = tpu.scan <sum>, %get3A_281 masked %broadcast_in_dim3A_283 : vector<16xi32>, vector<16xi1> -> vector<16xi32>
        %sub3A_284 = arith.subi %masked_cumsum3A, %get3A_281 : vector<16xi32>
        %broadcast_in_dim3A_285 = vector.broadcast %scan3A_278 : i32 to vector<16xi32>
        %add3A_286 = arith.addi %sub3A_284, %broadcast_in_dim3A_285 : vector<16xi32>
        %mul3A_287 = arith.constant 16 : i32
        %mul3A_288 = arith.muli %scan3A_277, %mul3A_287 : i32
        %swap3A = arith.index_cast %mul3A_288 : i32 to index
        %swap3A_289 = tpu.vector_load %arg15[%swap3A] {strides = array<i32>} : memref<2048xi32, #tpu.memory_space<vmem>>, vector<16xi32>,
        tpu.vector_store %arg15[%swap3A], %add3A_286 {strides = array<i32>} : memref<2048xi32, #tpu.memory_space<vmem>>, vector<16xi32>,
        %reduce_max3A = arith.constant true
        %reduce_max3A_290 = vector.broadcast %reduce_max3A : i1 to vector<16xi1>
        %reduce_max3A_291 = arith.constant -2147483648 : i32
        %reduce_max3A_292 = vector.broadcast %reduce_max3A_291 : i32 to vector<16xi32>
        %reduce_max3A_293 = arith.xori %masked_cumsum3A, %reduce_max3A_292 : vector<16xi32>
        %reduce_max3A_294 = tpu.scan <max>, %reduce_max3A_293 masked %reduce_max3A_290 : vector<16xi32>, vector<16xi1> -> vector<16xi32>
        %reduce_max3A_295 = arith.xori %reduce_max3A_294, %reduce_max3A_292 : vector<16xi32>
        %reduce_max3A_296 = vector.extract %reduce_max3A_295[15] : i32 from vector<16xi32>
        %add3A_297 = arith.addi %scan3A_278, %reduce_max3A_296 : i32
        scf.yield %add3A_297 : i32
      }
      %scan3A_202 = arith.constant 128 : i32
      %scan3A_203 = arith.constant 2047 : i32
      %scan3A_204 = arith.constant 0 : i32
      %scan3A_205 = arith.constant 0 : i32
      %scan3A_206 = arith.constant 256 : i32
      %scan3A_207 = arith.addi %scan3A_205, %scan3A_206 : i32
      %scan3A_208 = arith.constant 1 : i32
      %scan3A_209 = scf.for %scan3A_277 = %scan3A_205 to %scan3A_207 step %scan3A_208 iter_args(%scan3A_278 = %scan3A_204) -> (i32)  : i32 {
        %mul3A_279 = arith.constant 16 : i32
        %mul3A_280 = arith.muli %scan3A_277, %mul3A_279 : i32
        %get3A = arith.index_cast %mul3A_280 : i32 to index
        %get3A_281 = tpu.vector_load %arg11[%get3A] {strides = array<i32>} : memref<4096xi32, #tpu.memory_space<vmem>>, vector<16xi32>,
        %mul3A_282 = arith.constant 16 : i32
        %mul3A_283 = arith.muli %scan3A_277, %mul3A_282 : i32
        %get3A_284 = arith.index_cast %mul3A_283 : i32 to index
        %get3A_285 = tpu.vector_load %arg12[%get3A_284] {strides = array<i32>} : memref<4096xi32, #tpu.memory_space<vmem>>, vector<16xi32>,
        %shift_right_logical3A = arith.constant 0 : i32
        %shift_right_logical3A_286 = vector.broadcast %shift_right_logical3A : i32 to vector<16xi32>
        %shift_right_logical3A_287 = arith.shrui %get3A_281, %shift_right_logical3A_286 : vector<16xi32>
        %and3A_288 = vector.broadcast %scan3A_203 : i32 to vector<16xi32>
        %and3A_289 = arith.andi %shift_right_logical3A_287, %and3A_288 : vector<16xi32>
        %iota3A_290 = tpu.iota {dimensions = array<i32: 0>} : vector<16xi32>
        %mul3A_291 = arith.constant 16 : i32
        %mul3A_292 = vector.broadcast %mul3A_291 : i32 to vector<16xi32>
        %mul3A_293 = arith.muli %and3A_289, %mul3A_292 : vector<16xi32>
        %add3A_294 = arith.addi %mul3A_293, %iota3A_290 : vector<16xi32>
        %masked_sort3A = arith.constant dense<true> : vector<16xi1>
        %masked_sort3A_295 = arith.constant -2147483648 : i32
        %masked_sort3A_296 = vector.broadcast %masked_sort3A_295 : i32 to vector<16xi32>
        %masked_sort3A_297 = arith.xori %add3A_294, %masked_sort3A_296 : vector<16xi32>
        %masked_sort3A_298, %masked_sort3A_299, %masked_sort3A_300 = tpu.sort %masked_sort3A_297, %and3A_289 masked %masked_sort3A : (vector<16xi32>, vector<16xi32>, vector<16xi1>) -> (vector<16xi1>, vector<16xi32>, vector<16xi32>)
        %masked_sort3A_301 = arith.xori %masked_sort3A_299, %masked_sort3A_296 : vector<16xi32>
        %shift_right_logical3A_302 = arith.constant 4 : i32
        %shift_right_logical3A_303 = vector.broadcast %shift_right_logical3A_302 : i32 to vector<16xi32>
        %shift_right_logical3A_304 = arith.shrui %masked_sort3A_301, %shift_right_logical3A_303 : vector<16xi32>
        %and3A_305 = arith.constant 15 : i32
        %and3A_306 = vector.broadcast %and3A_305 : i32 to vector<16xi32>
        %and3A_307 = arith.andi %masked_sort3A_301, %and3A_306 : vector<16xi32>
        %iota3A_308 = tpu.iota {dimensions = array<i32: 0>} : vector<16xi32>
        %add3A_309 = arith.constant 1 : i32
        %add3A_310 = vector.broadcast %add3A_309 : i32 to vector<16xi32>
        %add3A_311 = arith.addi %iota3A_308, %add3A_310 : vector<16xi32>
        %min3A = arith.constant 15 : i32
        %min3A_312 = vector.broadcast %min3A : i32 to vector<16xi32>
        %min3A_313 = arith.minsi %add3A_311, %min3A_312 : vector<16xi32>
        %broadcast_in_dim3A_314 = vector.shape_cast %min3A_313 : vector<16xi32> to vector<16x1xi32>
        %gather3A = vector.shape_cast %broadcast_in_dim3A_314 : vector<16x1xi32> to vector<16xi32>
        %gather3A_315 = tpu.dynamic_gather %shift_right_logical3A_304[%gather3A] in [0] : vector<16xi32>, vector<16xi32> -> vector<16xi32>
        %sub3A_316 = arith.constant 1 : i32
        %sub3A_317 = vector.broadcast %sub3A_316 : i32 to vector<16xi32>
        %sub3A_318 = arith.subi %iota3A_308, %sub3A_317 : vector<16xi32>
        %max3A = arith.constant 0 : i32
        %max3A_319 = vector.broadcast %max3A : i32 to vector<16xi32>
        %max3A_320 = arith.maxsi %sub3A_318, %max3A_319 : vector<16xi32>
        %broadcast_in_dim3A_321 = vector.shape_cast %max3A_320 : vector<16xi32> to vector<16x1xi32>
        %gather3A_322 = vector.shape_cast %broadcast_in_dim3A_321 : vector<16x1xi32> to vector<16xi32>
        %gather3A_323 = tpu.dynamic_gather %shift_right_logical3A_304[%gather3A_322] in [0] : vector<16xi32>, vector<16xi32> -> vector<16xi32>
        %eq3A_324 = arith.constant 15 : i32
        %eq3A_325 = vector.broadcast %eq3A_324 : i32 to vector<16xi32>
        %eq3A_326 = arith.cmpi eq, %iota3A_308, %eq3A_325 : vector<16xi32>
        %ne3A_327 = arith.cmpi ne, %shift_right_logical3A_304, %gather3A_315 : vector<16xi32>
        %or3A = arith.ori %eq3A_326, %ne3A_327 : vector<16xi1>
        %eq3A_328 = arith.constant 0 : i32
        %eq3A_329 = vector.broadcast %eq3A_328 : i32 to vector<16xi32>
        %eq3A_330 = arith.cmpi eq, %iota3A_308, %eq3A_329 : vector<16xi32>
        %ne3A_331 = arith.cmpi ne, %shift_right_logical3A_304, %gather3A_323 : vector<16xi32>
        %or3A_332 = arith.ori %eq3A_330, %ne3A_331 : vector<16xi1>
        %jit3A_333 = arith.constant 0 : i32
        %broadcast_in_dim3A_334 = vector.broadcast %jit3A_333 : i32 to vector<16xi32>
        %select_n3A_335 = arith.select %or3A_332, %iota3A_308, %broadcast_in_dim3A_334 : vector<16xi1>, vector<16xi32>
        %broadcast_in_dim3A_336 = arith.constant true
        %broadcast_in_dim3A_337 = vector.broadcast %broadcast_in_dim3A_336 : i1 to vector<16xi1>
        %masked_cummax3A = arith.constant -2147483648 : i32
        %masked_cummax3A_338 = vector.broadcast %masked_cummax3A : i32 to vector<16xi32>
        %masked_cummax3A_339 = arith.xori %select_n3A_335, %masked_cummax3A_338 : vector<16xi32>
        %masked_cummax3A_340 = tpu.scan <max>, %masked_cummax3A_339 masked %broadcast_in_dim3A_337 : vector<16xi32>, vector<16xi1> -> vector<16xi32>
        %masked_cummax3A_341 = arith.xori %masked_cummax3A_340, %masked_cummax3A_338 : vector<16xi32>
        %sub3A_342 = arith.subi %iota3A_308, %masked_cummax3A_341 : vector<16xi32>
        %add3A_343 = arith.constant 1 : i32
        %add3A_344 = vector.broadcast %add3A_343 : i32 to vector<16xi32>
        %add3A_345 = arith.addi %sub3A_342, %add3A_344 : vector<16xi32>
        %gather3A_346 = tpu.vector_load_idx %arg15[%shift_right_logical3A_304] : memref<2048xi32, #tpu.memory_space<vmem>>[vector<16xi32>], vector<16xi32>,
        %add3A_347 = arith.addi %gather3A_346, %sub3A_342 : vector<16xi32>
        %broadcast_in_dim3A_348 = vector.shape_cast %and3A_307 : vector<16xi32> to vector<16x1xi32>
        %gather3A_349 = vector.shape_cast %broadcast_in_dim3A_348 : vector<16x1xi32> to vector<16xi32>
        %gather3A_350 = tpu.dynamic_gather %get3A_281[%gather3A_349] in [0] : vector<16xi32>, vector<16xi32> -> vector<16xi32>
        tpu.vector_store_idx %arg13[%add3A_347], %gather3A_350 : memref<4096xi32, #tpu.memory_space<vmem>>[vector<16xi32>], vector<16xi32>,
        %broadcast_in_dim3A_351 = vector.shape_cast %and3A_307 : vector<16xi32> to vector<16x1xi32>
        %gather3A_352 = vector.shape_cast %broadcast_in_dim3A_351 : vector<16x1xi32> to vector<16xi32>
        %gather3A_353 = tpu.dynamic_gather %get3A_285[%gather3A_352] in [0] : vector<16xi32>, vector<16xi32> -> vector<16xi32>
        tpu.vector_store_idx %arg14[%add3A_347], %gather3A_353 : memref<4096xi32, #tpu.memory_space<vmem>>[vector<16xi32>], vector<16xi32>,
        tpu.vector_store_idx %arg15[%shift_right_logical3A_304], %add3A_345 masked %or3A {add = true} : memref<2048xi32, #tpu.memory_space<vmem>>[vector<16xi32>], vector<16xi32>, vector<16xi1>
        %scan3A_354 = arith.constant 0 : i32
        scf.yield %scan3A_354 : i32
      }
      %scan3A_210 = arith.constant 256 : i32
      %scan3A_211 = arith.constant 0 : i32
      %scan3A_212 = arith.constant 0 : i32
      %scan3A_213 = arith.constant 128 : i32
      %scan3A_214 = arith.addi %scan3A_212, %scan3A_213 : i32
      %scan3A_215 = arith.constant 1 : i32
      %scan3A_216 = scf.for %scan3A_277 = %scan3A_212 to %scan3A_214 step %scan3A_215 iter_args(%scan3A_278 = %scan3A_211) -> (i32)  : i32 {
        %broadcast_in_dim3A_279 = arith.constant 0 : i32
        %broadcast_in_dim3A_280 = vector.broadcast %broadcast_in_dim3A_279 : i32 to vector<16xi32>
        %mul3A_281 = arith.constant 16 : i32
        %mul3A_282 = arith.muli %scan3A_277, %mul3A_281 : i32
        %swap3A = arith.index_cast %mul3A_282 : i32 to index
        %swap3A_283 = tpu.vector_load %arg15[%swap3A] {strides = array<i32>} : memref<2048xi32, #tpu.memory_space<vmem>>, vector<16xi32>,
        tpu.vector_store %arg15[%swap3A], %broadcast_in_dim3A_280 {strides = array<i32>} : memref<2048xi32, #tpu.memory_space<vmem>>, vector<16xi32>,
        %scan3A_284 = arith.constant 0 : i32
        scf.yield %scan3A_284 : i32
      }
      %scan3A_217 = arith.constant 128 : i32
      %broadcast_in_dim3A_218 = arith.constant 1 : i32
      %broadcast_in_dim3A_219 = vector.broadcast %broadcast_in_dim3A_218 : i32 to vector<16xi32>
      %scan3A_220 = arith.constant 2047 : i32
      %scan3A_221 = arith.constant 0 : i32
      %scan3A_222 = arith.constant 0 : i32
      %scan3A_223 = arith.constant 128 : i32
      %scan3A_224 = arith.addi %scan3A_222, %scan3A_223 : i32
      %scan3A_225 = arith.constant 1 : i32
      %scan3A_226 = scf.for %scan3A_277 = %scan3A_222 to %scan3A_224 step %scan3A_225 iter_args(%scan3A_278 = %scan3A_221) -> (i32)  : i32 {
        %mul3A_279 = arith.constant 2 : i32
        %mul3A_280 = arith.muli %scan3A_277, %mul3A_279 : i32
        %add3A_281 = arith.constant 0 : i32
        %add3A_282 = arith.addi %mul3A_280, %add3A_281 : i32
        %mul3A_283 = arith.constant 16 : i32
        %mul3A_284 = arith.muli %add3A_282, %mul3A_283 : i32
        %get3A = arith.index_cast %mul3A_284 : i32 to index
        %get3A_285 = tpu.vector_load %arg13[%get3A] {strides = array<i32>} : memref<4096xi32, #tpu.memory_space<vmem>>, vector<16xi32>,
        %shift_right_logical3A = arith.constant 11 : i32
        %shift_right_logical3A_286 = vector.broadcast %shift_right_logical3A : i32 to vector<16xi32>
        %shift_right_logical3A_287 = arith.shrui %get3A_285, %shift_right_logical3A_286 : vector<16xi32>
        %and3A_288 = vector.broadcast %scan3A_220 : i32 to vector<16xi32>
        %and3A_289 = arith.andi %shift_right_logical3A_287, %and3A_288 : vector<16xi32>
        tpu.vector_store_idx %arg15[%and3A_289], %broadcast_in_dim3A_219 {add = true} : memref<2048xi32, #tpu.memory_space<vmem>>[vector<16xi32>], vector<16xi32>,
        %mul3A_290 = arith.constant 2 : i32
        %mul3A_291 = arith.muli %scan3A_277, %mul3A_290 : i32
        %add3A_292 = arith.constant 1 : i32
        %add3A_293 = arith.addi %mul3A_291, %add3A_292 : i32
        %mul3A_294 = arith.constant 16 : i32
        %mul3A_295 = arith.muli %add3A_293, %mul3A_294 : i32
        %get3A_296 = arith.index_cast %mul3A_295 : i32 to index
        %get3A_297 = tpu.vector_load %arg13[%get3A_296] {strides = array<i32>} : memref<4096xi32, #tpu.memory_space<vmem>>, vector<16xi32>,
        %shift_right_logical3A_298 = arith.constant 11 : i32
        %shift_right_logical3A_299 = vector.broadcast %shift_right_logical3A_298 : i32 to vector<16xi32>
        %shift_right_logical3A_300 = arith.shrui %get3A_297, %shift_right_logical3A_299 : vector<16xi32>
        %and3A_301 = vector.broadcast %scan3A_220 : i32 to vector<16xi32>
        %and3A_302 = arith.andi %shift_right_logical3A_300, %and3A_301 : vector<16xi32>
        tpu.vector_store_idx %arg15[%and3A_302], %broadcast_in_dim3A_219 {add = true} : memref<2048xi32, #tpu.memory_space<vmem>>[vector<16xi32>], vector<16xi32>,
        %scan3A_303 = arith.constant 0 : i32
        scf.yield %scan3A_303 : i32
      }
      %scan3A_227 = arith.constant 128 : i32
      %scan3A_228 = arith.constant 0 : i32
      %scan3A_229 = arith.constant 0 : i32
      %scan3A_230 = arith.constant 128 : i32
      %scan3A_231 = arith.addi %scan3A_229, %scan3A_230 : i32
      %scan3A_232 = arith.constant 1 : i32
      %scan3A_233 = scf.for %scan3A_277 = %scan3A_229 to %scan3A_231 step %scan3A_232 iter_args(%scan3A_278 = %scan3A_228) -> (i32)  : i32 {
        %mul3A_279 = arith.constant 16 : i32
        %mul3A_280 = arith.muli %scan3A_277, %mul3A_279 : i32
        %get3A = arith.index_cast %mul3A_280 : i32 to index
        %get3A_281 = tpu.vector_load %arg15[%get3A] {strides = array<i32>} : memref<2048xi32, #tpu.memory_space<vmem>>, vector<16xi32>,
        %broadcast_in_dim3A_282 = arith.constant true
        %broadcast_in_dim3A_283 = vector.broadcast %broadcast_in_dim3A_282 : i1 to vector<16xi1>
        %masked_cumsum3A = tpu.scan <sum>, %get3A_281 masked %broadcast_in_dim3A_283 : vector<16xi32>, vector<16xi1> -> vector<16xi32>
        %sub3A_284 = arith.subi %masked_cumsum3A, %get3A_281 : vector<16xi32>
        %broadcast_in_dim3A_285 = vector.broadcast %scan3A_278 : i32 to vector<16xi32>
        %add3A_286 = arith.addi %sub3A_284, %broadcast_in_dim3A_285 : vector<16xi32>
        %mul3A_287 = arith.constant 16 : i32
        %mul3A_288 = arith.muli %scan3A_277, %mul3A_287 : i32
        %swap3A = arith.index_cast %mul3A_288 : i32 to index
        %swap3A_289 = tpu.vector_load %arg15[%swap3A] {strides = array<i32>} : memref<2048xi32, #tpu.memory_space<vmem>>, vector<16xi32>,
        tpu.vector_store %arg15[%swap3A], %add3A_286 {strides = array<i32>} : memref<2048xi32, #tpu.memory_space<vmem>>, vector<16xi32>,
        %reduce_max3A = arith.constant true
        %reduce_max3A_290 = vector.broadcast %reduce_max3A : i1 to vector<16xi1>
        %reduce_max3A_291 = arith.constant -2147483648 : i32
        %reduce_max3A_292 = vector.broadcast %reduce_max3A_291 : i32 to vector<16xi32>
        %reduce_max3A_293 = arith.xori %masked_cumsum3A, %reduce_max3A_292 : vector<16xi32>
        %reduce_max3A_294 = tpu.scan <max>, %reduce_max3A_293 masked %reduce_max3A_290 : vector<16xi32>, vector<16xi1> -> vector<16xi32>
        %reduce_max3A_295 = arith.xori %reduce_max3A_294, %reduce_max3A_292 : vector<16xi32>
        %reduce_max3A_296 = vector.extract %reduce_max3A_295[15] : i32 from vector<16xi32>
        %add3A_297 = arith.addi %scan3A_278, %reduce_max3A_296 : i32
        scf.yield %add3A_297 : i32
      }
      %scan3A_234 = arith.constant 128 : i32
      %scan3A_235 = arith.constant 2047 : i32
      %scan3A_236 = arith.constant 0 : i32
      %scan3A_237 = arith.constant 0 : i32
      %scan3A_238 = arith.constant 256 : i32
      %scan3A_239 = arith.addi %scan3A_237, %scan3A_238 : i32
      %scan3A_240 = arith.constant 1 : i32
      %scan3A_241 = scf.for %scan3A_277 = %scan3A_237 to %scan3A_239 step %scan3A_240 iter_args(%scan3A_278 = %scan3A_236) -> (i32)  : i32 {
        %mul3A_279 = arith.constant 16 : i32
        %mul3A_280 = arith.muli %scan3A_277, %mul3A_279 : i32
        %get3A = arith.index_cast %mul3A_280 : i32 to index
        %get3A_281 = tpu.vector_load %arg13[%get3A] {strides = array<i32>} : memref<4096xi32, #tpu.memory_space<vmem>>, vector<16xi32>,
        %mul3A_282 = arith.constant 16 : i32
        %mul3A_283 = arith.muli %scan3A_277, %mul3A_282 : i32
        %get3A_284 = arith.index_cast %mul3A_283 : i32 to index
        %get3A_285 = tpu.vector_load %arg14[%get3A_284] {strides = array<i32>} : memref<4096xi32, #tpu.memory_space<vmem>>, vector<16xi32>,
        %shift_right_logical3A = arith.constant 11 : i32
        %shift_right_logical3A_286 = vector.broadcast %shift_right_logical3A : i32 to vector<16xi32>
        %shift_right_logical3A_287 = arith.shrui %get3A_281, %shift_right_logical3A_286 : vector<16xi32>
        %and3A_288 = vector.broadcast %scan3A_235 : i32 to vector<16xi32>
        %and3A_289 = arith.andi %shift_right_logical3A_287, %and3A_288 : vector<16xi32>
        %iota3A_290 = tpu.iota {dimensions = array<i32: 0>} : vector<16xi32>
        %mul3A_291 = arith.constant 16 : i32
        %mul3A_292 = vector.broadcast %mul3A_291 : i32 to vector<16xi32>
        %mul3A_293 = arith.muli %and3A_289, %mul3A_292 : vector<16xi32>
        %add3A_294 = arith.addi %mul3A_293, %iota3A_290 : vector<16xi32>
        %masked_sort3A = arith.constant dense<true> : vector<16xi1>
        %masked_sort3A_295 = arith.constant -2147483648 : i32
        %masked_sort3A_296 = vector.broadcast %masked_sort3A_295 : i32 to vector<16xi32>
        %masked_sort3A_297 = arith.xori %add3A_294, %masked_sort3A_296 : vector<16xi32>
        %masked_sort3A_298, %masked_sort3A_299, %masked_sort3A_300 = tpu.sort %masked_sort3A_297, %and3A_289 masked %masked_sort3A : (vector<16xi32>, vector<16xi32>, vector<16xi1>) -> (vector<16xi1>, vector<16xi32>, vector<16xi32>)
        %masked_sort3A_301 = arith.xori %masked_sort3A_299, %masked_sort3A_296 : vector<16xi32>
        %shift_right_logical3A_302 = arith.constant 4 : i32
        %shift_right_logical3A_303 = vector.broadcast %shift_right_logical3A_302 : i32 to vector<16xi32>
        %shift_right_logical3A_304 = arith.shrui %masked_sort3A_301, %shift_right_logical3A_303 : vector<16xi32>
        %and3A_305 = arith.constant 15 : i32
        %and3A_306 = vector.broadcast %and3A_305 : i32 to vector<16xi32>
        %and3A_307 = arith.andi %masked_sort3A_301, %and3A_306 : vector<16xi32>
        %iota3A_308 = tpu.iota {dimensions = array<i32: 0>} : vector<16xi32>
        %add3A_309 = arith.constant 1 : i32
        %add3A_310 = vector.broadcast %add3A_309 : i32 to vector<16xi32>
        %add3A_311 = arith.addi %iota3A_308, %add3A_310 : vector<16xi32>
        %min3A = arith.constant 15 : i32
        %min3A_312 = vector.broadcast %min3A : i32 to vector<16xi32>
        %min3A_313 = arith.minsi %add3A_311, %min3A_312 : vector<16xi32>
        %broadcast_in_dim3A_314 = vector.shape_cast %min3A_313 : vector<16xi32> to vector<16x1xi32>
        %gather3A = vector.shape_cast %broadcast_in_dim3A_314 : vector<16x1xi32> to vector<16xi32>
        %gather3A_315 = tpu.dynamic_gather %shift_right_logical3A_304[%gather3A] in [0] : vector<16xi32>, vector<16xi32> -> vector<16xi32>
        %sub3A_316 = arith.constant 1 : i32
        %sub3A_317 = vector.broadcast %sub3A_316 : i32 to vector<16xi32>
        %sub3A_318 = arith.subi %iota3A_308, %sub3A_317 : vector<16xi32>
        %max3A = arith.constant 0 : i32
        %max3A_319 = vector.broadcast %max3A : i32 to vector<16xi32>
        %max3A_320 = arith.maxsi %sub3A_318, %max3A_319 : vector<16xi32>
        %broadcast_in_dim3A_321 = vector.shape_cast %max3A_320 : vector<16xi32> to vector<16x1xi32>
        %gather3A_322 = vector.shape_cast %broadcast_in_dim3A_321 : vector<16x1xi32> to vector<16xi32>
        %gather3A_323 = tpu.dynamic_gather %shift_right_logical3A_304[%gather3A_322] in [0] : vector<16xi32>, vector<16xi32> -> vector<16xi32>
        %eq3A_324 = arith.constant 15 : i32
        %eq3A_325 = vector.broadcast %eq3A_324 : i32 to vector<16xi32>
        %eq3A_326 = arith.cmpi eq, %iota3A_308, %eq3A_325 : vector<16xi32>
        %ne3A_327 = arith.cmpi ne, %shift_right_logical3A_304, %gather3A_315 : vector<16xi32>
        %or3A = arith.ori %eq3A_326, %ne3A_327 : vector<16xi1>
        %eq3A_328 = arith.constant 0 : i32
        %eq3A_329 = vector.broadcast %eq3A_328 : i32 to vector<16xi32>
        %eq3A_330 = arith.cmpi eq, %iota3A_308, %eq3A_329 : vector<16xi32>
        %ne3A_331 = arith.cmpi ne, %shift_right_logical3A_304, %gather3A_323 : vector<16xi32>
        %or3A_332 = arith.ori %eq3A_330, %ne3A_331 : vector<16xi1>
        %jit3A_333 = arith.constant 0 : i32
        %broadcast_in_dim3A_334 = vector.broadcast %jit3A_333 : i32 to vector<16xi32>
        %select_n3A_335 = arith.select %or3A_332, %iota3A_308, %broadcast_in_dim3A_334 : vector<16xi1>, vector<16xi32>
        %broadcast_in_dim3A_336 = arith.constant true
        %broadcast_in_dim3A_337 = vector.broadcast %broadcast_in_dim3A_336 : i1 to vector<16xi1>
        %masked_cummax3A = arith.constant -2147483648 : i32
        %masked_cummax3A_338 = vector.broadcast %masked_cummax3A : i32 to vector<16xi32>
        %masked_cummax3A_339 = arith.xori %select_n3A_335, %masked_cummax3A_338 : vector<16xi32>
        %masked_cummax3A_340 = tpu.scan <max>, %masked_cummax3A_339 masked %broadcast_in_dim3A_337 : vector<16xi32>, vector<16xi1> -> vector<16xi32>
        %masked_cummax3A_341 = arith.xori %masked_cummax3A_340, %masked_cummax3A_338 : vector<16xi32>
        %sub3A_342 = arith.subi %iota3A_308, %masked_cummax3A_341 : vector<16xi32>
        %add3A_343 = arith.constant 1 : i32
        %add3A_344 = vector.broadcast %add3A_343 : i32 to vector<16xi32>
        %add3A_345 = arith.addi %sub3A_342, %add3A_344 : vector<16xi32>
        %gather3A_346 = tpu.vector_load_idx %arg15[%shift_right_logical3A_304] : memref<2048xi32, #tpu.memory_space<vmem>>[vector<16xi32>], vector<16xi32>,
        %add3A_347 = arith.addi %gather3A_346, %sub3A_342 : vector<16xi32>
        %broadcast_in_dim3A_348 = vector.shape_cast %and3A_307 : vector<16xi32> to vector<16x1xi32>
        %gather3A_349 = vector.shape_cast %broadcast_in_dim3A_348 : vector<16x1xi32> to vector<16xi32>
        %gather3A_350 = tpu.dynamic_gather %get3A_281[%gather3A_349] in [0] : vector<16xi32>, vector<16xi32> -> vector<16xi32>
        tpu.vector_store_idx %arg11[%add3A_347], %gather3A_350 : memref<4096xi32, #tpu.memory_space<vmem>>[vector<16xi32>], vector<16xi32>,
        %broadcast_in_dim3A_351 = vector.shape_cast %and3A_307 : vector<16xi32> to vector<16x1xi32>
        %gather3A_352 = vector.shape_cast %broadcast_in_dim3A_351 : vector<16x1xi32> to vector<16xi32>
        %gather3A_353 = tpu.dynamic_gather %get3A_285[%gather3A_352] in [0] : vector<16xi32>, vector<16xi32> -> vector<16xi32>
        tpu.vector_store_idx %arg12[%add3A_347], %gather3A_353 : memref<4096xi32, #tpu.memory_space<vmem>>[vector<16xi32>], vector<16xi32>,
        tpu.vector_store_idx %arg15[%shift_right_logical3A_304], %add3A_345 masked %or3A {add = true} : memref<2048xi32, #tpu.memory_space<vmem>>[vector<16xi32>], vector<16xi32>, vector<16xi1>
        %scan3A_354 = arith.constant 0 : i32
        scf.yield %scan3A_354 : i32
      }
      %scan3A_242 = arith.constant 256 : i32
      %scan3A_243 = arith.constant 0 : i32
      %scan3A_244 = arith.constant 0 : i32
      %scan3A_245 = arith.constant 128 : i32
      %scan3A_246 = arith.addi %scan3A_244, %scan3A_245 : i32
      %scan3A_247 = arith.constant 1 : i32
      %scan3A_248 = scf.for %scan3A_277 = %scan3A_244 to %scan3A_246 step %scan3A_247 iter_args(%scan3A_278 = %scan3A_243) -> (i32)  : i32 {
        %broadcast_in_dim3A_279 = arith.constant 0 : i32
        %broadcast_in_dim3A_280 = vector.broadcast %broadcast_in_dim3A_279 : i32 to vector<16xi32>
        %mul3A_281 = arith.constant 16 : i32
        %mul3A_282 = arith.muli %scan3A_277, %mul3A_281 : i32
        %swap3A = arith.index_cast %mul3A_282 : i32 to index
        %swap3A_283 = tpu.vector_load %arg15[%swap3A] {strides = array<i32>} : memref<2048xi32, #tpu.memory_space<vmem>>, vector<16xi32>,
        tpu.vector_store %arg15[%swap3A], %broadcast_in_dim3A_280 {strides = array<i32>} : memref<2048xi32, #tpu.memory_space<vmem>>, vector<16xi32>,
        %scan3A_284 = arith.constant 0 : i32
        scf.yield %scan3A_284 : i32
      }
      %scan3A_249 = arith.constant 128 : i32
      %broadcast_in_dim3A_250 = arith.constant 1 : i32
      %broadcast_in_dim3A_251 = vector.broadcast %broadcast_in_dim3A_250 : i32 to vector<16xi32>
      %scan3A_252 = arith.constant 1023 : i32
      %scan3A_253 = arith.constant 0 : i32
      %scan3A_254 = arith.constant 0 : i32
      %scan3A_255 = arith.constant 128 : i32
      %scan3A_256 = arith.addi %scan3A_254, %scan3A_255 : i32
      %scan3A_257 = arith.constant 1 : i32
      %scan3A_258 = scf.for %scan3A_277 = %scan3A_254 to %scan3A_256 step %scan3A_257 iter_args(%scan3A_278 = %scan3A_253) -> (i32)  : i32 {
        %mul3A_279 = arith.constant 2 : i32
        %mul3A_280 = arith.muli %scan3A_277, %mul3A_279 : i32
        %add3A_281 = arith.constant 0 : i32
        %add3A_282 = arith.addi %mul3A_280, %add3A_281 : i32
        %mul3A_283 = arith.constant 16 : i32
        %mul3A_284 = arith.muli %add3A_282, %mul3A_283 : i32
        %get3A = arith.index_cast %mul3A_284 : i32 to index
        %get3A_285 = tpu.vector_load %arg11[%get3A] {strides = array<i32>} : memref<4096xi32, #tpu.memory_space<vmem>>, vector<16xi32>,
        %shift_right_logical3A = arith.constant 22 : i32
        %shift_right_logical3A_286 = vector.broadcast %shift_right_logical3A : i32 to vector<16xi32>
        %shift_right_logical3A_287 = arith.shrui %get3A_285, %shift_right_logical3A_286 : vector<16xi32>
        %and3A_288 = vector.broadcast %scan3A_252 : i32 to vector<16xi32>
        %and3A_289 = arith.andi %shift_right_logical3A_287, %and3A_288 : vector<16xi32>
        tpu.vector_store_idx %arg15[%and3A_289], %broadcast_in_dim3A_251 {add = true} : memref<2048xi32, #tpu.memory_space<vmem>>[vector<16xi32>], vector<16xi32>,
        %mul3A_290 = arith.constant 2 : i32
        %mul3A_291 = arith.muli %scan3A_277, %mul3A_290 : i32
        %add3A_292 = arith.constant 1 : i32
        %add3A_293 = arith.addi %mul3A_291, %add3A_292 : i32
        %mul3A_294 = arith.constant 16 : i32
        %mul3A_295 = arith.muli %add3A_293, %mul3A_294 : i32
        %get3A_296 = arith.index_cast %mul3A_295 : i32 to index
        %get3A_297 = tpu.vector_load %arg11[%get3A_296] {strides = array<i32>} : memref<4096xi32, #tpu.memory_space<vmem>>, vector<16xi32>,
        %shift_right_logical3A_298 = arith.constant 22 : i32
        %shift_right_logical3A_299 = vector.broadcast %shift_right_logical3A_298 : i32 to vector<16xi32>
        %shift_right_logical3A_300 = arith.shrui %get3A_297, %shift_right_logical3A_299 : vector<16xi32>
        %and3A_301 = vector.broadcast %scan3A_252 : i32 to vector<16xi32>
        %and3A_302 = arith.andi %shift_right_logical3A_300, %and3A_301 : vector<16xi32>
        tpu.vector_store_idx %arg15[%and3A_302], %broadcast_in_dim3A_251 {add = true} : memref<2048xi32, #tpu.memory_space<vmem>>[vector<16xi32>], vector<16xi32>,
        %scan3A_303 = arith.constant 0 : i32
        scf.yield %scan3A_303 : i32
      }
      %scan3A_259 = arith.constant 128 : i32
      %scan3A_260 = arith.constant 0 : i32
      %scan3A_261 = arith.constant 0 : i32
      %scan3A_262 = arith.constant 128 : i32
      %scan3A_263 = arith.addi %scan3A_261, %scan3A_262 : i32
      %scan3A_264 = arith.constant 1 : i32
      %scan3A_265 = scf.for %scan3A_277 = %scan3A_261 to %scan3A_263 step %scan3A_264 iter_args(%scan3A_278 = %scan3A_260) -> (i32)  : i32 {
        %mul3A_279 = arith.constant 16 : i32
        %mul3A_280 = arith.muli %scan3A_277, %mul3A_279 : i32
        %get3A = arith.index_cast %mul3A_280 : i32 to index
        %get3A_281 = tpu.vector_load %arg15[%get3A] {strides = array<i32>} : memref<2048xi32, #tpu.memory_space<vmem>>, vector<16xi32>,
        %broadcast_in_dim3A_282 = arith.constant true
        %broadcast_in_dim3A_283 = vector.broadcast %broadcast_in_dim3A_282 : i1 to vector<16xi1>
        %masked_cumsum3A = tpu.scan <sum>, %get3A_281 masked %broadcast_in_dim3A_283 : vector<16xi32>, vector<16xi1> -> vector<16xi32>
        %sub3A_284 = arith.subi %masked_cumsum3A, %get3A_281 : vector<16xi32>
        %broadcast_in_dim3A_285 = vector.broadcast %scan3A_278 : i32 to vector<16xi32>
        %add3A_286 = arith.addi %sub3A_284, %broadcast_in_dim3A_285 : vector<16xi32>
        %mul3A_287 = arith.constant 16 : i32
        %mul3A_288 = arith.muli %scan3A_277, %mul3A_287 : i32
        %swap3A = arith.index_cast %mul3A_288 : i32 to index
        %swap3A_289 = tpu.vector_load %arg15[%swap3A] {strides = array<i32>} : memref<2048xi32, #tpu.memory_space<vmem>>, vector<16xi32>,
        tpu.vector_store %arg15[%swap3A], %add3A_286 {strides = array<i32>} : memref<2048xi32, #tpu.memory_space<vmem>>, vector<16xi32>,
        %reduce_max3A = arith.constant true
        %reduce_max3A_290 = vector.broadcast %reduce_max3A : i1 to vector<16xi1>
        %reduce_max3A_291 = arith.constant -2147483648 : i32
        %reduce_max3A_292 = vector.broadcast %reduce_max3A_291 : i32 to vector<16xi32>
        %reduce_max3A_293 = arith.xori %masked_cumsum3A, %reduce_max3A_292 : vector<16xi32>
        %reduce_max3A_294 = tpu.scan <max>, %reduce_max3A_293 masked %reduce_max3A_290 : vector<16xi32>, vector<16xi1> -> vector<16xi32>
        %reduce_max3A_295 = arith.xori %reduce_max3A_294, %reduce_max3A_292 : vector<16xi32>
        %reduce_max3A_296 = vector.extract %reduce_max3A_295[15] : i32 from vector<16xi32>
        %add3A_297 = arith.addi %scan3A_278, %reduce_max3A_296 : i32
        scf.yield %add3A_297 : i32
      }
      %scan3A_266 = arith.constant 128 : i32
      %scan3A_267 = arith.constant 1023 : i32
      %scan3A_268 = arith.constant 0 : i32
      %scan3A_269 = arith.constant 0 : i32
      %scan3A_270 = arith.constant 256 : i32
      %scan3A_271 = arith.addi %scan3A_269, %scan3A_270 : i32
      %scan3A_272 = arith.constant 1 : i32
      %scan3A_273 = scf.for %scan3A_277 = %scan3A_269 to %scan3A_271 step %scan3A_272 iter_args(%scan3A_278 = %scan3A_268) -> (i32)  : i32 {
        %mul3A_279 = arith.constant 16 : i32
        %mul3A_280 = arith.muli %scan3A_277, %mul3A_279 : i32
        %get3A = arith.index_cast %mul3A_280 : i32 to index
        %get3A_281 = tpu.vector_load %arg11[%get3A] {strides = array<i32>} : memref<4096xi32, #tpu.memory_space<vmem>>, vector<16xi32>,
        %mul3A_282 = arith.constant 16 : i32
        %mul3A_283 = arith.muli %scan3A_277, %mul3A_282 : i32
        %get3A_284 = arith.index_cast %mul3A_283 : i32 to index
        %get3A_285 = tpu.vector_load %arg12[%get3A_284] {strides = array<i32>} : memref<4096xi32, #tpu.memory_space<vmem>>, vector<16xi32>,
        %shift_right_logical3A = arith.constant 22 : i32
        %shift_right_logical3A_286 = vector.broadcast %shift_right_logical3A : i32 to vector<16xi32>
        %shift_right_logical3A_287 = arith.shrui %get3A_281, %shift_right_logical3A_286 : vector<16xi32>
        %and3A_288 = vector.broadcast %scan3A_267 : i32 to vector<16xi32>
        %and3A_289 = arith.andi %shift_right_logical3A_287, %and3A_288 : vector<16xi32>
        %iota3A_290 = tpu.iota {dimensions = array<i32: 0>} : vector<16xi32>
        %mul3A_291 = arith.constant 16 : i32
        %mul3A_292 = vector.broadcast %mul3A_291 : i32 to vector<16xi32>
        %mul3A_293 = arith.muli %and3A_289, %mul3A_292 : vector<16xi32>
        %add3A_294 = arith.addi %mul3A_293, %iota3A_290 : vector<16xi32>
        %masked_sort3A = arith.constant dense<true> : vector<16xi1>
        %masked_sort3A_295 = arith.constant -2147483648 : i32
        %masked_sort3A_296 = vector.broadcast %masked_sort3A_295 : i32 to vector<16xi32>
        %masked_sort3A_297 = arith.xori %add3A_294, %masked_sort3A_296 : vector<16xi32>
        %masked_sort3A_298, %masked_sort3A_299, %masked_sort3A_300 = tpu.sort %masked_sort3A_297, %and3A_289 masked %masked_sort3A : (vector<16xi32>, vector<16xi32>, vector<16xi1>) -> (vector<16xi1>, vector<16xi32>, vector<16xi32>)
        %masked_sort3A_301 = arith.xori %masked_sort3A_299, %masked_sort3A_296 : vector<16xi32>
        %shift_right_logical3A_302 = arith.constant 4 : i32
        %shift_right_logical3A_303 = vector.broadcast %shift_right_logical3A_302 : i32 to vector<16xi32>
        %shift_right_logical3A_304 = arith.shrui %masked_sort3A_301, %shift_right_logical3A_303 : vector<16xi32>
        %and3A_305 = arith.constant 15 : i32
        %and3A_306 = vector.broadcast %and3A_305 : i32 to vector<16xi32>
        %and3A_307 = arith.andi %masked_sort3A_301, %and3A_306 : vector<16xi32>
        %iota3A_308 = tpu.iota {dimensions = array<i32: 0>} : vector<16xi32>
        %add3A_309 = arith.constant 1 : i32
        %add3A_310 = vector.broadcast %add3A_309 : i32 to vector<16xi32>
        %add3A_311 = arith.addi %iota3A_308, %add3A_310 : vector<16xi32>
        %min3A = arith.constant 15 : i32
        %min3A_312 = vector.broadcast %min3A : i32 to vector<16xi32>
        %min3A_313 = arith.minsi %add3A_311, %min3A_312 : vector<16xi32>
        %broadcast_in_dim3A_314 = vector.shape_cast %min3A_313 : vector<16xi32> to vector<16x1xi32>
        %gather3A = vector.shape_cast %broadcast_in_dim3A_314 : vector<16x1xi32> to vector<16xi32>
        %gather3A_315 = tpu.dynamic_gather %shift_right_logical3A_304[%gather3A] in [0] : vector<16xi32>, vector<16xi32> -> vector<16xi32>
        %sub3A_316 = arith.constant 1 : i32
        %sub3A_317 = vector.broadcast %sub3A_316 : i32 to vector<16xi32>
        %sub3A_318 = arith.subi %iota3A_308, %sub3A_317 : vector<16xi32>
        %max3A = arith.constant 0 : i32
        %max3A_319 = vector.broadcast %max3A : i32 to vector<16xi32>
        %max3A_320 = arith.maxsi %sub3A_318, %max3A_319 : vector<16xi32>
        %broadcast_in_dim3A_321 = vector.shape_cast %max3A_320 : vector<16xi32> to vector<16x1xi32>
        %gather3A_322 = vector.shape_cast %broadcast_in_dim3A_321 : vector<16x1xi32> to vector<16xi32>
        %gather3A_323 = tpu.dynamic_gather %shift_right_logical3A_304[%gather3A_322] in [0] : vector<16xi32>, vector<16xi32> -> vector<16xi32>
        %eq3A_324 = arith.constant 15 : i32
        %eq3A_325 = vector.broadcast %eq3A_324 : i32 to vector<16xi32>
        %eq3A_326 = arith.cmpi eq, %iota3A_308, %eq3A_325 : vector<16xi32>
        %ne3A_327 = arith.cmpi ne, %shift_right_logical3A_304, %gather3A_315 : vector<16xi32>
        %or3A = arith.ori %eq3A_326, %ne3A_327 : vector<16xi1>
        %eq3A_328 = arith.constant 0 : i32
        %eq3A_329 = vector.broadcast %eq3A_328 : i32 to vector<16xi32>
        %eq3A_330 = arith.cmpi eq, %iota3A_308, %eq3A_329 : vector<16xi32>
        %ne3A_331 = arith.cmpi ne, %shift_right_logical3A_304, %gather3A_323 : vector<16xi32>
        %or3A_332 = arith.ori %eq3A_330, %ne3A_331 : vector<16xi1>
        %jit3A_333 = arith.constant 0 : i32
        %broadcast_in_dim3A_334 = vector.broadcast %jit3A_333 : i32 to vector<16xi32>
        %select_n3A_335 = arith.select %or3A_332, %iota3A_308, %broadcast_in_dim3A_334 : vector<16xi1>, vector<16xi32>
        %broadcast_in_dim3A_336 = arith.constant true
        %broadcast_in_dim3A_337 = vector.broadcast %broadcast_in_dim3A_336 : i1 to vector<16xi1>
        %masked_cummax3A = arith.constant -2147483648 : i32
        %masked_cummax3A_338 = vector.broadcast %masked_cummax3A : i32 to vector<16xi32>
        %masked_cummax3A_339 = arith.xori %select_n3A_335, %masked_cummax3A_338 : vector<16xi32>
        %masked_cummax3A_340 = tpu.scan <max>, %masked_cummax3A_339 masked %broadcast_in_dim3A_337 : vector<16xi32>, vector<16xi1> -> vector<16xi32>
        %masked_cummax3A_341 = arith.xori %masked_cummax3A_340, %masked_cummax3A_338 : vector<16xi32>
        %sub3A_342 = arith.subi %iota3A_308, %masked_cummax3A_341 : vector<16xi32>
        %add3A_343 = arith.constant 1 : i32
        %add3A_344 = vector.broadcast %add3A_343 : i32 to vector<16xi32>
        %add3A_345 = arith.addi %sub3A_342, %add3A_344 : vector<16xi32>
        %gather3A_346 = tpu.vector_load_idx %arg15[%shift_right_logical3A_304] : memref<2048xi32, #tpu.memory_space<vmem>>[vector<16xi32>], vector<16xi32>,
        %add3A_347 = arith.addi %gather3A_346, %sub3A_342 : vector<16xi32>
        %broadcast_in_dim3A_348 = vector.shape_cast %and3A_307 : vector<16xi32> to vector<16x1xi32>
        %gather3A_349 = vector.shape_cast %broadcast_in_dim3A_348 : vector<16x1xi32> to vector<16xi32>
        %gather3A_350 = tpu.dynamic_gather %get3A_281[%gather3A_349] in [0] : vector<16xi32>, vector<16xi32> -> vector<16xi32>
        tpu.vector_store_idx %arg13[%add3A_347], %gather3A_350 : memref<4096xi32, #tpu.memory_space<vmem>>[vector<16xi32>], vector<16xi32>,
        %broadcast_in_dim3A_351 = vector.shape_cast %and3A_307 : vector<16xi32> to vector<16x1xi32>
        %gather3A_352 = vector.shape_cast %broadcast_in_dim3A_351 : vector<16x1xi32> to vector<16xi32>
        %gather3A_353 = tpu.dynamic_gather %get3A_285[%gather3A_352] in [0] : vector<16xi32>, vector<16xi32> -> vector<16xi32>
        tpu.vector_store_idx %arg14[%add3A_347], %gather3A_353 : memref<4096xi32, #tpu.memory_space<vmem>>[vector<16xi32>], vector<16xi32>,
        tpu.vector_store_idx %arg15[%shift_right_logical3A_304], %add3A_345 masked %or3A {add = true} : memref<2048xi32, #tpu.memory_space<vmem>>[vector<16xi32>], vector<16xi32>, vector<16xi1>
        %scan3A_354 = arith.constant 0 : i32
        scf.yield %scan3A_354 : i32
      }
      %scan3A_274 = arith.constant 256 : i32
      %mul3A_275 = arith.constant 2048 : i32
      %mul3A_276 = arith.muli %select_n3A, %mul3A_275 : i32
      "tpu.region"() ({
        %run_scoped3A_277 = tpu.sem_alloc : memref<!tpu.dma_semaphore, #tpu.memory_space<semaphore_mem>>
        %dma_start3A = arith.constant 0 : i32
        %dma_start3A_278 = tpu.memref_slice %arg14[%dma_start3A] : memref<4096xi32, #tpu.memory_space<vmem>> -> memref<2048xi32, #tpu.memory_space<vmem>>
        %dma_start3A_279 = tpu.memref_slice %arg3[%mul3A_276] : memref<16384xi32, #tpu.memory_space<hbm>> -> memref<2048xi32, #tpu.memory_space<hbm>>
        %dma_start3A_280 = tpu.memref_slice %arg3[%mul3A_276] : memref<16384xi32, #tpu.memory_space<hbm>> -> memref<2048xi32, #tpu.memory_space<hbm>>
        %dma_start3A_281 = arith.constant 0 : i32
        %dma_start3A_282 = tpu.memref_slice %arg14[%dma_start3A_281] : memref<4096xi32, #tpu.memory_space<vmem>> -> memref<2048xi32, #tpu.memory_space<vmem>>
        tpu.enqueue_dma source(%dma_start3A_282 : memref<2048xi32, #tpu.memory_space<vmem>>) target(%dma_start3A_280 : memref<2048xi32, #tpu.memory_space<hbm>>) target_semaphore(%run_scoped3A_277 : memref<!tpu.dma_semaphore, #tpu.memory_space<semaphore_mem>>)
        %dma_wait3A_283 = arith.constant 0 : i32
        %dma_wait3A_284 = tpu.memref_slice %arg14[%dma_wait3A_283] : memref<4096xi32, #tpu.memory_space<vmem>> -> memref<2048xi32, #tpu.memory_space<vmem>>
        %dma_wait3A_285 = tpu.memref_slice %arg3[%mul3A_276] : memref<16384xi32, #tpu.memory_space<hbm>> -> memref<2048xi32, #tpu.memory_space<hbm>>
        %dma_wait3A_286 = tpu.memref_slice %arg3[%mul3A_276] : memref<16384xi32, #tpu.memory_space<hbm>> -> memref<2048xi32, #tpu.memory_space<hbm>>
        %dma_wait3A_287 = arith.constant 0 : i32
        %dma_wait3A_288 = tpu.memref_slice %arg14[%dma_wait3A_287] : memref<4096xi32, #tpu.memory_space<vmem>> -> memref<2048xi32, #tpu.memory_space<vmem>>
        tpu.wait_dma2 semaphore(%run_scoped3A_277 : memref<!tpu.dma_semaphore, #tpu.memory_space<semaphore_mem>>) src(%dma_wait3A_288 : memref<2048xi32, #tpu.memory_space<vmem>>) dst(%dma_wait3A_286 : memref<2048xi32, #tpu.memory_space<hbm>>)
        tpu.yield
      }) : () -> ()
    } else {
    }
    return
  }
}

#map = affine_map<(d0, d1) -> (0, 0)>
#map1 = affine_map<(d0, d1) -> (0)>
module attributes {stable_mosaic.version = 14 : i64} {
  func.func @_gather_kernel(%arg0: i32, %arg1: i32, %arg2: memref<400000x128xf32, #tpu.memory_space<hbm>>, %arg3: memref<16384xi32, #tpu.memory_space<hbm>>, %arg4: memref<16384x128xf32, #tpu.memory_space<hbm>>, %arg5: memref<512xi32, #tpu.memory_space<vmem>>, %arg6: memref<4x128xi32, #tpu.memory_space<vmem>>, %arg7: memref<512x128xf32, #tpu.memory_space<vmem>>, %arg8: memref<!tpu.dma_semaphore, #tpu.memory_space<semaphore_mem>>) attributes {dimension_semantics = [#tpu.dimension_semantics<core_parallel>, #tpu.dimension_semantics<subcore_parallel>], iteration_bounds = array<i64: 2, 16>, scalar_prefetch = 0 : i64, scratch_operands = 4 : i64, tpu.core_type = #tpu.core_type<sc_vector_subcore>, window_params = [{transform_indices = #map}, {transform_indices = #map1}, {transform_indices = #map}]} {
    %mul3A = arith.constant 16 : i32
    %mul3A_0 = arith.muli %arg0, %mul3A : i32
    %add3A = arith.addi %mul3A_0, %arg1 : i32
    %jit3A = arith.constant 4 : i32
    %div3A = arith.divsi %add3A, %jit3A : i32
    %sign3A = arith.constant 0 : i32
    %sign3A_1 = arith.cmpi sgt, %add3A, %sign3A : i32
    %sign3A_2 = arith.extui %sign3A_1 : i1 to i32
    %sign3A_3 = arith.constant 0 : i32
    %sign3A_4 = arith.cmpi slt, %add3A, %sign3A_3 : i32
    %sign3A_5 = arith.extui %sign3A_4 : i1 to i32
    %sign3A_6 = arith.subi %sign3A_2, %sign3A_5 : i32
    %sign3A_7 = arith.constant 0 : i32
    %sign3A_8 = arith.cmpi sgt, %jit3A, %sign3A_7 : i32
    %sign3A_9 = arith.extui %sign3A_8 : i1 to i32
    %sign3A_10 = arith.constant 0 : i32
    %sign3A_11 = arith.cmpi slt, %jit3A, %sign3A_10 : i32
    %sign3A_12 = arith.extui %sign3A_11 : i1 to i32
    %sign3A_13 = arith.subi %sign3A_9, %sign3A_12 : i32
    %ne3A = arith.cmpi ne, %sign3A_6, %sign3A_13 : i32
    %rem3A = arith.remsi %add3A, %jit3A : i32
    %ne3A_14 = arith.constant 0 : i32
    %ne3A_15 = arith.cmpi ne, %rem3A, %ne3A_14 : i32
    %and3A = arith.andi %ne3A, %ne3A_15 : i1
    %sub3A = arith.constant 1 : i32
    %sub3A_16 = arith.subi %div3A, %sub3A : i32
    %select_n3A = arith.select %and3A, %sub3A_16, %div3A : i32
    %mul3A_17 = arith.constant 512 : i32
    %mul3A_18 = arith.muli %add3A, %mul3A_17 : i32
    "tpu.region"() ({
      %run_scoped3A = tpu.sem_alloc : memref<!tpu.dma_semaphore, #tpu.memory_space<semaphore_mem>>
      %dma_start3A_320 = tpu.memref_slice %arg3[%mul3A_18] : memref<16384xi32, #tpu.memory_space<hbm>> -> memref<512xi32, #tpu.memory_space<hbm>>
      %dma_start3A_321 = tpu.memref_slice %arg3[%mul3A_18] : memref<16384xi32, #tpu.memory_space<hbm>> -> memref<512xi32, #tpu.memory_space<hbm>>
      tpu.enqueue_dma source(%dma_start3A_321 : memref<512xi32, #tpu.memory_space<hbm>>) target(%arg5 : memref<512xi32, #tpu.memory_space<vmem>>) target_semaphore(%run_scoped3A : memref<!tpu.dma_semaphore, #tpu.memory_space<semaphore_mem>>)
      %dma_wait3A_322 = tpu.memref_slice %arg3[%mul3A_18] : memref<16384xi32, #tpu.memory_space<hbm>> -> memref<512xi32, #tpu.memory_space<hbm>>
      %dma_wait3A_323 = tpu.memref_slice %arg3[%mul3A_18] : memref<16384xi32, #tpu.memory_space<hbm>> -> memref<512xi32, #tpu.memory_space<hbm>>
      tpu.wait_dma2 semaphore(%run_scoped3A : memref<!tpu.dma_semaphore, #tpu.memory_space<semaphore_mem>>) src(%dma_wait3A_323 : memref<512xi32, #tpu.memory_space<hbm>>) dst(%arg5 : memref<512xi32, #tpu.memory_space<vmem>>)
      tpu.yield
    }) : () -> ()
    %mul3A_19 = arith.constant 50000 : i32
    %mul3A_20 = arith.muli %select_n3A, %mul3A_19 : i32
    %get3A = arith.constant 0 : index
    %get3A_21 = tpu.vector_load %arg5[%get3A] {strides = array<i32>} : memref<512xi32, #tpu.memory_space<vmem>>, vector<16xi32>,
    %broadcast_in_dim3A = vector.broadcast %mul3A_20 : i32 to vector<16xi32>
    %add3A_22 = arith.addi %get3A_21, %broadcast_in_dim3A : vector<16xi32>
    %swap3A = arith.constant 0 : i32
    %swap3A_23 = arith.index_cast %swap3A : i32 to index
    %swap3A_24 = arith.constant 0 : index
    %swap3A_25 = tpu.vector_load %arg6[%swap3A_23, %swap3A_24] {strides = array<i32>} : memref<4x128xi32, #tpu.memory_space<vmem>>, vector<16xi32>,
    tpu.vector_store %arg6[%swap3A_23, %swap3A_24], %add3A_22 {strides = array<i32>} : memref<4x128xi32, #tpu.memory_space<vmem>>, vector<16xi32>,
    %get3A_26 = arith.constant 16 : index
    %get3A_27 = tpu.vector_load %arg5[%get3A_26] {strides = array<i32>} : memref<512xi32, #tpu.memory_space<vmem>>, vector<16xi32>,
    %broadcast_in_dim3A_28 = vector.broadcast %mul3A_20 : i32 to vector<16xi32>
    %add3A_29 = arith.addi %get3A_27, %broadcast_in_dim3A_28 : vector<16xi32>
    %swap3A_30 = arith.constant 0 : i32
    %swap3A_31 = arith.index_cast %swap3A_30 : i32 to index
    %swap3A_32 = arith.constant 16 : index
    %swap3A_33 = tpu.vector_load %arg6[%swap3A_31, %swap3A_32] {strides = array<i32>} : memref<4x128xi32, #tpu.memory_space<vmem>>, vector<16xi32>,
    tpu.vector_store %arg6[%swap3A_31, %swap3A_32], %add3A_29 {strides = array<i32>} : memref<4x128xi32, #tpu.memory_space<vmem>>, vector<16xi32>,
    %get3A_34 = arith.constant 32 : index
    %get3A_35 = tpu.vector_load %arg5[%get3A_34] {strides = array<i32>} : memref<512xi32, #tpu.memory_space<vmem>>, vector<16xi32>,
    %broadcast_in_dim3A_36 = vector.broadcast %mul3A_20 : i32 to vector<16xi32>
    %add3A_37 = arith.addi %get3A_35, %broadcast_in_dim3A_36 : vector<16xi32>
    %swap3A_38 = arith.constant 0 : i32
    %swap3A_39 = arith.index_cast %swap3A_38 : i32 to index
    %swap3A_40 = arith.constant 32 : index
    %swap3A_41 = tpu.vector_load %arg6[%swap3A_39, %swap3A_40] {strides = array<i32>} : memref<4x128xi32, #tpu.memory_space<vmem>>, vector<16xi32>,
    tpu.vector_store %arg6[%swap3A_39, %swap3A_40], %add3A_37 {strides = array<i32>} : memref<4x128xi32, #tpu.memory_space<vmem>>, vector<16xi32>,
    %get3A_42 = arith.constant 48 : index
    %get3A_43 = tpu.vector_load %arg5[%get3A_42] {strides = array<i32>} : memref<512xi32, #tpu.memory_space<vmem>>, vector<16xi32>,
    %broadcast_in_dim3A_44 = vector.broadcast %mul3A_20 : i32 to vector<16xi32>
    %add3A_45 = arith.addi %get3A_43, %broadcast_in_dim3A_44 : vector<16xi32>
    %swap3A_46 = arith.constant 0 : i32
    %swap3A_47 = arith.index_cast %swap3A_46 : i32 to index
    %swap3A_48 = arith.constant 48 : index
    %swap3A_49 = tpu.vector_load %arg6[%swap3A_47, %swap3A_48] {strides = array<i32>} : memref<4x128xi32, #tpu.memory_space<vmem>>, vector<16xi32>,
    tpu.vector_store %arg6[%swap3A_47, %swap3A_48], %add3A_45 {strides = array<i32>} : memref<4x128xi32, #tpu.memory_space<vmem>>, vector<16xi32>,
    %get3A_50 = arith.constant 64 : index
    %get3A_51 = tpu.vector_load %arg5[%get3A_50] {strides = array<i32>} : memref<512xi32, #tpu.memory_space<vmem>>, vector<16xi32>,
    %broadcast_in_dim3A_52 = vector.broadcast %mul3A_20 : i32 to vector<16xi32>
    %add3A_53 = arith.addi %get3A_51, %broadcast_in_dim3A_52 : vector<16xi32>
    %swap3A_54 = arith.constant 0 : i32
    %swap3A_55 = arith.index_cast %swap3A_54 : i32 to index
    %swap3A_56 = arith.constant 64 : index
    %swap3A_57 = tpu.vector_load %arg6[%swap3A_55, %swap3A_56] {strides = array<i32>} : memref<4x128xi32, #tpu.memory_space<vmem>>, vector<16xi32>,
    tpu.vector_store %arg6[%swap3A_55, %swap3A_56], %add3A_53 {strides = array<i32>} : memref<4x128xi32, #tpu.memory_space<vmem>>, vector<16xi32>,
    %get3A_58 = arith.constant 80 : index
    %get3A_59 = tpu.vector_load %arg5[%get3A_58] {strides = array<i32>} : memref<512xi32, #tpu.memory_space<vmem>>, vector<16xi32>,
    %broadcast_in_dim3A_60 = vector.broadcast %mul3A_20 : i32 to vector<16xi32>
    %add3A_61 = arith.addi %get3A_59, %broadcast_in_dim3A_60 : vector<16xi32>
    %swap3A_62 = arith.constant 0 : i32
    %swap3A_63 = arith.index_cast %swap3A_62 : i32 to index
    %swap3A_64 = arith.constant 80 : index
    %swap3A_65 = tpu.vector_load %arg6[%swap3A_63, %swap3A_64] {strides = array<i32>} : memref<4x128xi32, #tpu.memory_space<vmem>>, vector<16xi32>,
    tpu.vector_store %arg6[%swap3A_63, %swap3A_64], %add3A_61 {strides = array<i32>} : memref<4x128xi32, #tpu.memory_space<vmem>>, vector<16xi32>,
    %get3A_66 = arith.constant 96 : index
    %get3A_67 = tpu.vector_load %arg5[%get3A_66] {strides = array<i32>} : memref<512xi32, #tpu.memory_space<vmem>>, vector<16xi32>,
    %broadcast_in_dim3A_68 = vector.broadcast %mul3A_20 : i32 to vector<16xi32>
    %add3A_69 = arith.addi %get3A_67, %broadcast_in_dim3A_68 : vector<16xi32>
    %swap3A_70 = arith.constant 0 : i32
    %swap3A_71 = arith.index_cast %swap3A_70 : i32 to index
    %swap3A_72 = arith.constant 96 : index
    %swap3A_73 = tpu.vector_load %arg6[%swap3A_71, %swap3A_72] {strides = array<i32>} : memref<4x128xi32, #tpu.memory_space<vmem>>, vector<16xi32>,
    tpu.vector_store %arg6[%swap3A_71, %swap3A_72], %add3A_69 {strides = array<i32>} : memref<4x128xi32, #tpu.memory_space<vmem>>, vector<16xi32>,
    %get3A_74 = arith.constant 112 : index
    %get3A_75 = tpu.vector_load %arg5[%get3A_74] {strides = array<i32>} : memref<512xi32, #tpu.memory_space<vmem>>, vector<16xi32>,
    %broadcast_in_dim3A_76 = vector.broadcast %mul3A_20 : i32 to vector<16xi32>
    %add3A_77 = arith.addi %get3A_75, %broadcast_in_dim3A_76 : vector<16xi32>
    %swap3A_78 = arith.constant 0 : i32
    %swap3A_79 = arith.index_cast %swap3A_78 : i32 to index
    %swap3A_80 = arith.constant 112 : index
    %swap3A_81 = tpu.vector_load %arg6[%swap3A_79, %swap3A_80] {strides = array<i32>} : memref<4x128xi32, #tpu.memory_space<vmem>>, vector<16xi32>,
    tpu.vector_store %arg6[%swap3A_79, %swap3A_80], %add3A_77 {strides = array<i32>} : memref<4x128xi32, #tpu.memory_space<vmem>>, vector<16xi32>,
    %get3A_82 = arith.constant 128 : index
    %get3A_83 = tpu.vector_load %arg5[%get3A_82] {strides = array<i32>} : memref<512xi32, #tpu.memory_space<vmem>>, vector<16xi32>,
    %broadcast_in_dim3A_84 = vector.broadcast %mul3A_20 : i32 to vector<16xi32>
    %add3A_85 = arith.addi %get3A_83, %broadcast_in_dim3A_84 : vector<16xi32>
    %swap3A_86 = arith.constant 1 : i32
    %swap3A_87 = arith.index_cast %swap3A_86 : i32 to index
    %swap3A_88 = arith.constant 0 : index
    %swap3A_89 = tpu.vector_load %arg6[%swap3A_87, %swap3A_88] {strides = array<i32>} : memref<4x128xi32, #tpu.memory_space<vmem>>, vector<16xi32>,
    tpu.vector_store %arg6[%swap3A_87, %swap3A_88], %add3A_85 {strides = array<i32>} : memref<4x128xi32, #tpu.memory_space<vmem>>, vector<16xi32>,
    %get3A_90 = arith.constant 144 : index
    %get3A_91 = tpu.vector_load %arg5[%get3A_90] {strides = array<i32>} : memref<512xi32, #tpu.memory_space<vmem>>, vector<16xi32>,
    %broadcast_in_dim3A_92 = vector.broadcast %mul3A_20 : i32 to vector<16xi32>
    %add3A_93 = arith.addi %get3A_91, %broadcast_in_dim3A_92 : vector<16xi32>
    %swap3A_94 = arith.constant 1 : i32
    %swap3A_95 = arith.index_cast %swap3A_94 : i32 to index
    %swap3A_96 = arith.constant 16 : index
    %swap3A_97 = tpu.vector_load %arg6[%swap3A_95, %swap3A_96] {strides = array<i32>} : memref<4x128xi32, #tpu.memory_space<vmem>>, vector<16xi32>,
    tpu.vector_store %arg6[%swap3A_95, %swap3A_96], %add3A_93 {strides = array<i32>} : memref<4x128xi32, #tpu.memory_space<vmem>>, vector<16xi32>,
    %get3A_98 = arith.constant 160 : index
    %get3A_99 = tpu.vector_load %arg5[%get3A_98] {strides = array<i32>} : memref<512xi32, #tpu.memory_space<vmem>>, vector<16xi32>,
    %broadcast_in_dim3A_100 = vector.broadcast %mul3A_20 : i32 to vector<16xi32>
    %add3A_101 = arith.addi %get3A_99, %broadcast_in_dim3A_100 : vector<16xi32>
    %swap3A_102 = arith.constant 1 : i32
    %swap3A_103 = arith.index_cast %swap3A_102 : i32 to index
    %swap3A_104 = arith.constant 32 : index
    %swap3A_105 = tpu.vector_load %arg6[%swap3A_103, %swap3A_104] {strides = array<i32>} : memref<4x128xi32, #tpu.memory_space<vmem>>, vector<16xi32>,
    tpu.vector_store %arg6[%swap3A_103, %swap3A_104], %add3A_101 {strides = array<i32>} : memref<4x128xi32, #tpu.memory_space<vmem>>, vector<16xi32>,
    %get3A_106 = arith.constant 176 : index
    %get3A_107 = tpu.vector_load %arg5[%get3A_106] {strides = array<i32>} : memref<512xi32, #tpu.memory_space<vmem>>, vector<16xi32>,
    %broadcast_in_dim3A_108 = vector.broadcast %mul3A_20 : i32 to vector<16xi32>
    %add3A_109 = arith.addi %get3A_107, %broadcast_in_dim3A_108 : vector<16xi32>
    %swap3A_110 = arith.constant 1 : i32
    %swap3A_111 = arith.index_cast %swap3A_110 : i32 to index
    %swap3A_112 = arith.constant 48 : index
    %swap3A_113 = tpu.vector_load %arg6[%swap3A_111, %swap3A_112] {strides = array<i32>} : memref<4x128xi32, #tpu.memory_space<vmem>>, vector<16xi32>,
    tpu.vector_store %arg6[%swap3A_111, %swap3A_112], %add3A_109 {strides = array<i32>} : memref<4x128xi32, #tpu.memory_space<vmem>>, vector<16xi32>,
    %get3A_114 = arith.constant 192 : index
    %get3A_115 = tpu.vector_load %arg5[%get3A_114] {strides = array<i32>} : memref<512xi32, #tpu.memory_space<vmem>>, vector<16xi32>,
    %broadcast_in_dim3A_116 = vector.broadcast %mul3A_20 : i32 to vector<16xi32>
    %add3A_117 = arith.addi %get3A_115, %broadcast_in_dim3A_116 : vector<16xi32>
    %swap3A_118 = arith.constant 1 : i32
    %swap3A_119 = arith.index_cast %swap3A_118 : i32 to index
    %swap3A_120 = arith.constant 64 : index
    %swap3A_121 = tpu.vector_load %arg6[%swap3A_119, %swap3A_120] {strides = array<i32>} : memref<4x128xi32, #tpu.memory_space<vmem>>, vector<16xi32>,
    tpu.vector_store %arg6[%swap3A_119, %swap3A_120], %add3A_117 {strides = array<i32>} : memref<4x128xi32, #tpu.memory_space<vmem>>, vector<16xi32>,
    %get3A_122 = arith.constant 208 : index
    %get3A_123 = tpu.vector_load %arg5[%get3A_122] {strides = array<i32>} : memref<512xi32, #tpu.memory_space<vmem>>, vector<16xi32>,
    %broadcast_in_dim3A_124 = vector.broadcast %mul3A_20 : i32 to vector<16xi32>
    %add3A_125 = arith.addi %get3A_123, %broadcast_in_dim3A_124 : vector<16xi32>
    %swap3A_126 = arith.constant 1 : i32
    %swap3A_127 = arith.index_cast %swap3A_126 : i32 to index
    %swap3A_128 = arith.constant 80 : index
    %swap3A_129 = tpu.vector_load %arg6[%swap3A_127, %swap3A_128] {strides = array<i32>} : memref<4x128xi32, #tpu.memory_space<vmem>>, vector<16xi32>,
    tpu.vector_store %arg6[%swap3A_127, %swap3A_128], %add3A_125 {strides = array<i32>} : memref<4x128xi32, #tpu.memory_space<vmem>>, vector<16xi32>,
    %get3A_130 = arith.constant 224 : index
    %get3A_131 = tpu.vector_load %arg5[%get3A_130] {strides = array<i32>} : memref<512xi32, #tpu.memory_space<vmem>>, vector<16xi32>,
    %broadcast_in_dim3A_132 = vector.broadcast %mul3A_20 : i32 to vector<16xi32>
    %add3A_133 = arith.addi %get3A_131, %broadcast_in_dim3A_132 : vector<16xi32>
    %swap3A_134 = arith.constant 1 : i32
    %swap3A_135 = arith.index_cast %swap3A_134 : i32 to index
    %swap3A_136 = arith.constant 96 : index
    %swap3A_137 = tpu.vector_load %arg6[%swap3A_135, %swap3A_136] {strides = array<i32>} : memref<4x128xi32, #tpu.memory_space<vmem>>, vector<16xi32>,
    tpu.vector_store %arg6[%swap3A_135, %swap3A_136], %add3A_133 {strides = array<i32>} : memref<4x128xi32, #tpu.memory_space<vmem>>, vector<16xi32>,
    %get3A_138 = arith.constant 240 : index
    %get3A_139 = tpu.vector_load %arg5[%get3A_138] {strides = array<i32>} : memref<512xi32, #tpu.memory_space<vmem>>, vector<16xi32>,
    %broadcast_in_dim3A_140 = vector.broadcast %mul3A_20 : i32 to vector<16xi32>
    %add3A_141 = arith.addi %get3A_139, %broadcast_in_dim3A_140 : vector<16xi32>
    %swap3A_142 = arith.constant 1 : i32
    %swap3A_143 = arith.index_cast %swap3A_142 : i32 to index
    %swap3A_144 = arith.constant 112 : index
    %swap3A_145 = tpu.vector_load %arg6[%swap3A_143, %swap3A_144] {strides = array<i32>} : memref<4x128xi32, #tpu.memory_space<vmem>>, vector<16xi32>,
    tpu.vector_store %arg6[%swap3A_143, %swap3A_144], %add3A_141 {strides = array<i32>} : memref<4x128xi32, #tpu.memory_space<vmem>>, vector<16xi32>,
    %get3A_146 = arith.constant 256 : index
    %get3A_147 = tpu.vector_load %arg5[%get3A_146] {strides = array<i32>} : memref<512xi32, #tpu.memory_space<vmem>>, vector<16xi32>,
    %broadcast_in_dim3A_148 = vector.broadcast %mul3A_20 : i32 to vector<16xi32>
    %add3A_149 = arith.addi %get3A_147, %broadcast_in_dim3A_148 : vector<16xi32>
    %swap3A_150 = arith.constant 2 : i32
    %swap3A_151 = arith.index_cast %swap3A_150 : i32 to index
    %swap3A_152 = arith.constant 0 : index
    %swap3A_153 = tpu.vector_load %arg6[%swap3A_151, %swap3A_152] {strides = array<i32>} : memref<4x128xi32, #tpu.memory_space<vmem>>, vector<16xi32>,
    tpu.vector_store %arg6[%swap3A_151, %swap3A_152], %add3A_149 {strides = array<i32>} : memref<4x128xi32, #tpu.memory_space<vmem>>, vector<16xi32>,
    %get3A_154 = arith.constant 272 : index
    %get3A_155 = tpu.vector_load %arg5[%get3A_154] {strides = array<i32>} : memref<512xi32, #tpu.memory_space<vmem>>, vector<16xi32>,
    %broadcast_in_dim3A_156 = vector.broadcast %mul3A_20 : i32 to vector<16xi32>
    %add3A_157 = arith.addi %get3A_155, %broadcast_in_dim3A_156 : vector<16xi32>
    %swap3A_158 = arith.constant 2 : i32
    %swap3A_159 = arith.index_cast %swap3A_158 : i32 to index
    %swap3A_160 = arith.constant 16 : index
    %swap3A_161 = tpu.vector_load %arg6[%swap3A_159, %swap3A_160] {strides = array<i32>} : memref<4x128xi32, #tpu.memory_space<vmem>>, vector<16xi32>,
    tpu.vector_store %arg6[%swap3A_159, %swap3A_160], %add3A_157 {strides = array<i32>} : memref<4x128xi32, #tpu.memory_space<vmem>>, vector<16xi32>,
    %get3A_162 = arith.constant 288 : index
    %get3A_163 = tpu.vector_load %arg5[%get3A_162] {strides = array<i32>} : memref<512xi32, #tpu.memory_space<vmem>>, vector<16xi32>,
    %broadcast_in_dim3A_164 = vector.broadcast %mul3A_20 : i32 to vector<16xi32>
    %add3A_165 = arith.addi %get3A_163, %broadcast_in_dim3A_164 : vector<16xi32>
    %swap3A_166 = arith.constant 2 : i32
    %swap3A_167 = arith.index_cast %swap3A_166 : i32 to index
    %swap3A_168 = arith.constant 32 : index
    %swap3A_169 = tpu.vector_load %arg6[%swap3A_167, %swap3A_168] {strides = array<i32>} : memref<4x128xi32, #tpu.memory_space<vmem>>, vector<16xi32>,
    tpu.vector_store %arg6[%swap3A_167, %swap3A_168], %add3A_165 {strides = array<i32>} : memref<4x128xi32, #tpu.memory_space<vmem>>, vector<16xi32>,
    %get3A_170 = arith.constant 304 : index
    %get3A_171 = tpu.vector_load %arg5[%get3A_170] {strides = array<i32>} : memref<512xi32, #tpu.memory_space<vmem>>, vector<16xi32>,
    %broadcast_in_dim3A_172 = vector.broadcast %mul3A_20 : i32 to vector<16xi32>
    %add3A_173 = arith.addi %get3A_171, %broadcast_in_dim3A_172 : vector<16xi32>
    %swap3A_174 = arith.constant 2 : i32
    %swap3A_175 = arith.index_cast %swap3A_174 : i32 to index
    %swap3A_176 = arith.constant 48 : index
    %swap3A_177 = tpu.vector_load %arg6[%swap3A_175, %swap3A_176] {strides = array<i32>} : memref<4x128xi32, #tpu.memory_space<vmem>>, vector<16xi32>,
    tpu.vector_store %arg6[%swap3A_175, %swap3A_176], %add3A_173 {strides = array<i32>} : memref<4x128xi32, #tpu.memory_space<vmem>>, vector<16xi32>,
    %get3A_178 = arith.constant 320 : index
    %get3A_179 = tpu.vector_load %arg5[%get3A_178] {strides = array<i32>} : memref<512xi32, #tpu.memory_space<vmem>>, vector<16xi32>,
    %broadcast_in_dim3A_180 = vector.broadcast %mul3A_20 : i32 to vector<16xi32>
    %add3A_181 = arith.addi %get3A_179, %broadcast_in_dim3A_180 : vector<16xi32>
    %swap3A_182 = arith.constant 2 : i32
    %swap3A_183 = arith.index_cast %swap3A_182 : i32 to index
    %swap3A_184 = arith.constant 64 : index
    %swap3A_185 = tpu.vector_load %arg6[%swap3A_183, %swap3A_184] {strides = array<i32>} : memref<4x128xi32, #tpu.memory_space<vmem>>, vector<16xi32>,
    tpu.vector_store %arg6[%swap3A_183, %swap3A_184], %add3A_181 {strides = array<i32>} : memref<4x128xi32, #tpu.memory_space<vmem>>, vector<16xi32>,
    %get3A_186 = arith.constant 336 : index
    %get3A_187 = tpu.vector_load %arg5[%get3A_186] {strides = array<i32>} : memref<512xi32, #tpu.memory_space<vmem>>, vector<16xi32>,
    %broadcast_in_dim3A_188 = vector.broadcast %mul3A_20 : i32 to vector<16xi32>
    %add3A_189 = arith.addi %get3A_187, %broadcast_in_dim3A_188 : vector<16xi32>
    %swap3A_190 = arith.constant 2 : i32
    %swap3A_191 = arith.index_cast %swap3A_190 : i32 to index
    %swap3A_192 = arith.constant 80 : index
    %swap3A_193 = tpu.vector_load %arg6[%swap3A_191, %swap3A_192] {strides = array<i32>} : memref<4x128xi32, #tpu.memory_space<vmem>>, vector<16xi32>,
    tpu.vector_store %arg6[%swap3A_191, %swap3A_192], %add3A_189 {strides = array<i32>} : memref<4x128xi32, #tpu.memory_space<vmem>>, vector<16xi32>,
    %get3A_194 = arith.constant 352 : index
    %get3A_195 = tpu.vector_load %arg5[%get3A_194] {strides = array<i32>} : memref<512xi32, #tpu.memory_space<vmem>>, vector<16xi32>,
    %broadcast_in_dim3A_196 = vector.broadcast %mul3A_20 : i32 to vector<16xi32>
    %add3A_197 = arith.addi %get3A_195, %broadcast_in_dim3A_196 : vector<16xi32>
    %swap3A_198 = arith.constant 2 : i32
    %swap3A_199 = arith.index_cast %swap3A_198 : i32 to index
    %swap3A_200 = arith.constant 96 : index
    %swap3A_201 = tpu.vector_load %arg6[%swap3A_199, %swap3A_200] {strides = array<i32>} : memref<4x128xi32, #tpu.memory_space<vmem>>, vector<16xi32>,
    tpu.vector_store %arg6[%swap3A_199, %swap3A_200], %add3A_197 {strides = array<i32>} : memref<4x128xi32, #tpu.memory_space<vmem>>, vector<16xi32>,
    %get3A_202 = arith.constant 368 : index
    %get3A_203 = tpu.vector_load %arg5[%get3A_202] {strides = array<i32>} : memref<512xi32, #tpu.memory_space<vmem>>, vector<16xi32>,
    %broadcast_in_dim3A_204 = vector.broadcast %mul3A_20 : i32 to vector<16xi32>
    %add3A_205 = arith.addi %get3A_203, %broadcast_in_dim3A_204 : vector<16xi32>
    %swap3A_206 = arith.constant 2 : i32
    %swap3A_207 = arith.index_cast %swap3A_206 : i32 to index
    %swap3A_208 = arith.constant 112 : index
    %swap3A_209 = tpu.vector_load %arg6[%swap3A_207, %swap3A_208] {strides = array<i32>} : memref<4x128xi32, #tpu.memory_space<vmem>>, vector<16xi32>,
    tpu.vector_store %arg6[%swap3A_207, %swap3A_208], %add3A_205 {strides = array<i32>} : memref<4x128xi32, #tpu.memory_space<vmem>>, vector<16xi32>,
    %get3A_210 = arith.constant 384 : index
    %get3A_211 = tpu.vector_load %arg5[%get3A_210] {strides = array<i32>} : memref<512xi32, #tpu.memory_space<vmem>>, vector<16xi32>,
    %broadcast_in_dim3A_212 = vector.broadcast %mul3A_20 : i32 to vector<16xi32>
    %add3A_213 = arith.addi %get3A_211, %broadcast_in_dim3A_212 : vector<16xi32>
    %swap3A_214 = arith.constant 3 : i32
    %swap3A_215 = arith.index_cast %swap3A_214 : i32 to index
    %swap3A_216 = arith.constant 0 : index
    %swap3A_217 = tpu.vector_load %arg6[%swap3A_215, %swap3A_216] {strides = array<i32>} : memref<4x128xi32, #tpu.memory_space<vmem>>, vector<16xi32>,
    tpu.vector_store %arg6[%swap3A_215, %swap3A_216], %add3A_213 {strides = array<i32>} : memref<4x128xi32, #tpu.memory_space<vmem>>, vector<16xi32>,
    %get3A_218 = arith.constant 400 : index
    %get3A_219 = tpu.vector_load %arg5[%get3A_218] {strides = array<i32>} : memref<512xi32, #tpu.memory_space<vmem>>, vector<16xi32>,
    %broadcast_in_dim3A_220 = vector.broadcast %mul3A_20 : i32 to vector<16xi32>
    %add3A_221 = arith.addi %get3A_219, %broadcast_in_dim3A_220 : vector<16xi32>
    %swap3A_222 = arith.constant 3 : i32
    %swap3A_223 = arith.index_cast %swap3A_222 : i32 to index
    %swap3A_224 = arith.constant 16 : index
    %swap3A_225 = tpu.vector_load %arg6[%swap3A_223, %swap3A_224] {strides = array<i32>} : memref<4x128xi32, #tpu.memory_space<vmem>>, vector<16xi32>,
    tpu.vector_store %arg6[%swap3A_223, %swap3A_224], %add3A_221 {strides = array<i32>} : memref<4x128xi32, #tpu.memory_space<vmem>>, vector<16xi32>,
    %get3A_226 = arith.constant 416 : index
    %get3A_227 = tpu.vector_load %arg5[%get3A_226] {strides = array<i32>} : memref<512xi32, #tpu.memory_space<vmem>>, vector<16xi32>,
    %broadcast_in_dim3A_228 = vector.broadcast %mul3A_20 : i32 to vector<16xi32>
    %add3A_229 = arith.addi %get3A_227, %broadcast_in_dim3A_228 : vector<16xi32>
    %swap3A_230 = arith.constant 3 : i32
    %swap3A_231 = arith.index_cast %swap3A_230 : i32 to index
    %swap3A_232 = arith.constant 32 : index
    %swap3A_233 = tpu.vector_load %arg6[%swap3A_231, %swap3A_232] {strides = array<i32>} : memref<4x128xi32, #tpu.memory_space<vmem>>, vector<16xi32>,
    tpu.vector_store %arg6[%swap3A_231, %swap3A_232], %add3A_229 {strides = array<i32>} : memref<4x128xi32, #tpu.memory_space<vmem>>, vector<16xi32>,
    %get3A_234 = arith.constant 432 : index
    %get3A_235 = tpu.vector_load %arg5[%get3A_234] {strides = array<i32>} : memref<512xi32, #tpu.memory_space<vmem>>, vector<16xi32>,
    %broadcast_in_dim3A_236 = vector.broadcast %mul3A_20 : i32 to vector<16xi32>
    %add3A_237 = arith.addi %get3A_235, %broadcast_in_dim3A_236 : vector<16xi32>
    %swap3A_238 = arith.constant 3 : i32
    %swap3A_239 = arith.index_cast %swap3A_238 : i32 to index
    %swap3A_240 = arith.constant 48 : index
    %swap3A_241 = tpu.vector_load %arg6[%swap3A_239, %swap3A_240] {strides = array<i32>} : memref<4x128xi32, #tpu.memory_space<vmem>>, vector<16xi32>,
    tpu.vector_store %arg6[%swap3A_239, %swap3A_240], %add3A_237 {strides = array<i32>} : memref<4x128xi32, #tpu.memory_space<vmem>>, vector<16xi32>,
    %get3A_242 = arith.constant 448 : index
    %get3A_243 = tpu.vector_load %arg5[%get3A_242] {strides = array<i32>} : memref<512xi32, #tpu.memory_space<vmem>>, vector<16xi32>,
    %broadcast_in_dim3A_244 = vector.broadcast %mul3A_20 : i32 to vector<16xi32>
    %add3A_245 = arith.addi %get3A_243, %broadcast_in_dim3A_244 : vector<16xi32>
    %swap3A_246 = arith.constant 3 : i32
    %swap3A_247 = arith.index_cast %swap3A_246 : i32 to index
    %swap3A_248 = arith.constant 64 : index
    %swap3A_249 = tpu.vector_load %arg6[%swap3A_247, %swap3A_248] {strides = array<i32>} : memref<4x128xi32, #tpu.memory_space<vmem>>, vector<16xi32>,
    tpu.vector_store %arg6[%swap3A_247, %swap3A_248], %add3A_245 {strides = array<i32>} : memref<4x128xi32, #tpu.memory_space<vmem>>, vector<16xi32>,
    %get3A_250 = arith.constant 464 : index
    %get3A_251 = tpu.vector_load %arg5[%get3A_250] {strides = array<i32>} : memref<512xi32, #tpu.memory_space<vmem>>, vector<16xi32>,
    %broadcast_in_dim3A_252 = vector.broadcast %mul3A_20 : i32 to vector<16xi32>
    %add3A_253 = arith.addi %get3A_251, %broadcast_in_dim3A_252 : vector<16xi32>
    %swap3A_254 = arith.constant 3 : i32
    %swap3A_255 = arith.index_cast %swap3A_254 : i32 to index
    %swap3A_256 = arith.constant 80 : index
    %swap3A_257 = tpu.vector_load %arg6[%swap3A_255, %swap3A_256] {strides = array<i32>} : memref<4x128xi32, #tpu.memory_space<vmem>>, vector<16xi32>,
    tpu.vector_store %arg6[%swap3A_255, %swap3A_256], %add3A_253 {strides = array<i32>} : memref<4x128xi32, #tpu.memory_space<vmem>>, vector<16xi32>,
    %get3A_258 = arith.constant 480 : index
    %get3A_259 = tpu.vector_load %arg5[%get3A_258] {strides = array<i32>} : memref<512xi32, #tpu.memory_space<vmem>>, vector<16xi32>,
    %broadcast_in_dim3A_260 = vector.broadcast %mul3A_20 : i32 to vector<16xi32>
    %add3A_261 = arith.addi %get3A_259, %broadcast_in_dim3A_260 : vector<16xi32>
    %swap3A_262 = arith.constant 3 : i32
    %swap3A_263 = arith.index_cast %swap3A_262 : i32 to index
    %swap3A_264 = arith.constant 96 : index
    %swap3A_265 = tpu.vector_load %arg6[%swap3A_263, %swap3A_264] {strides = array<i32>} : memref<4x128xi32, #tpu.memory_space<vmem>>, vector<16xi32>,
    tpu.vector_store %arg6[%swap3A_263, %swap3A_264], %add3A_261 {strides = array<i32>} : memref<4x128xi32, #tpu.memory_space<vmem>>, vector<16xi32>,
    %get3A_266 = arith.constant 496 : index
    %get3A_267 = tpu.vector_load %arg5[%get3A_266] {strides = array<i32>} : memref<512xi32, #tpu.memory_space<vmem>>, vector<16xi32>,
    %broadcast_in_dim3A_268 = vector.broadcast %mul3A_20 : i32 to vector<16xi32>
    %add3A_269 = arith.addi %get3A_267, %broadcast_in_dim3A_268 : vector<16xi32>
    %swap3A_270 = arith.constant 3 : i32
    %swap3A_271 = arith.index_cast %swap3A_270 : i32 to index
    %swap3A_272 = arith.constant 112 : index
    %swap3A_273 = tpu.vector_load %arg6[%swap3A_271, %swap3A_272] {strides = array<i32>} : memref<4x128xi32, #tpu.memory_space<vmem>>, vector<16xi32>,
    tpu.vector_store %arg6[%swap3A_271, %swap3A_272], %add3A_269 {strides = array<i32>} : memref<4x128xi32, #tpu.memory_space<vmem>>, vector<16xi32>,
    %dma_start3A = arith.constant 0 : i32
    %dma_start3A_274 = arith.constant 0 : i32
    %dma_start3A_275 = arith.constant 0 : i32
    %dma_start3A_276 = tpu.memref_slice %arg7[%dma_start3A_274, %dma_start3A_275] : memref<512x128xf32, #tpu.memory_space<vmem>> -> memref<128x128xf32, #tpu.memory_space<vmem>>
    %dma_start3A_277 = arith.constant 0 : i32
    %dma_start3A_278 = tpu.memref_slice %arg6[%dma_start3A, %dma_start3A_277] : memref<4x128xi32, #tpu.memory_space<vmem>> -> memref<1x128xi32, #tpu.memory_space<vmem>>
    %dma_start3A_279 = tpu.memref_squeeze %dma_start3A_278 : memref<1x128xi32, #tpu.memory_space<vmem>> -> memref<128xi32, #tpu.memory_space<vmem>>
    %dma_start3A_280 = arith.constant 0 : i32
    %dma_start3A_281 = arith.constant 0 : i32
    %dma_start3A_282 = tpu.memref_slice %arg2[%dma_start3A_280, %dma_start3A_281] : memref<400000x128xf32, #tpu.memory_space<hbm>> -> memref<400000x128xf32, #tpu.memory_space<hbm>>
    tpu.enqueue_indirect_dma source(%dma_start3A_282 : memref<400000x128xf32, #tpu.memory_space<hbm>>) target(%dma_start3A_276 : memref<128x128xf32, #tpu.memory_space<vmem>>) offsets(%dma_start3A_279 : memref<128xi32, #tpu.memory_space<vmem>>) semaphore(%arg8 : memref<!tpu.dma_semaphore, #tpu.memory_space<semaphore_mem>>)
    %dma_start3A_283 = arith.constant 1 : i32
    %dma_start3A_284 = arith.constant 128 : i32
    %dma_start3A_285 = arith.constant 0 : i32
    %dma_start3A_286 = tpu.memref_slice %arg7[%dma_start3A_284, %dma_start3A_285] : memref<512x128xf32, #tpu.memory_space<vmem>> -> memref<128x128xf32, #tpu.memory_space<vmem>>
    %dma_start3A_287 = arith.constant 0 : i32
    %dma_start3A_288 = tpu.memref_slice %arg6[%dma_start3A_283, %dma_start3A_287] : memref<4x128xi32, #tpu.memory_space<vmem>> -> memref<1x128xi32, #tpu.memory_space<vmem>>
    %dma_start3A_289 = tpu.memref_squeeze %dma_start3A_288 : memref<1x128xi32, #tpu.memory_space<vmem>> -> memref<128xi32, #tpu.memory_space<vmem>>
    %dma_start3A_290 = arith.constant 0 : i32
    %dma_start3A_291 = arith.constant 0 : i32
    %dma_start3A_292 = tpu.memref_slice %arg2[%dma_start3A_290, %dma_start3A_291] : memref<400000x128xf32, #tpu.memory_space<hbm>> -> memref<400000x128xf32, #tpu.memory_space<hbm>>
    tpu.enqueue_indirect_dma source(%dma_start3A_292 : memref<400000x128xf32, #tpu.memory_space<hbm>>) target(%dma_start3A_286 : memref<128x128xf32, #tpu.memory_space<vmem>>) offsets(%dma_start3A_289 : memref<128xi32, #tpu.memory_space<vmem>>) semaphore(%arg8 : memref<!tpu.dma_semaphore, #tpu.memory_space<semaphore_mem>>)
    %dma_start3A_293 = arith.constant 2 : i32
    %dma_start3A_294 = arith.constant 256 : i32
    %dma_start3A_295 = arith.constant 0 : i32
    %dma_start3A_296 = tpu.memref_slice %arg7[%dma_start3A_294, %dma_start3A_295] : memref<512x128xf32, #tpu.memory_space<vmem>> -> memref<128x128xf32, #tpu.memory_space<vmem>>
    %dma_start3A_297 = arith.constant 0 : i32
    %dma_start3A_298 = tpu.memref_slice %arg6[%dma_start3A_293, %dma_start3A_297] : memref<4x128xi32, #tpu.memory_space<vmem>> -> memref<1x128xi32, #tpu.memory_space<vmem>>
    %dma_start3A_299 = tpu.memref_squeeze %dma_start3A_298 : memref<1x128xi32, #tpu.memory_space<vmem>> -> memref<128xi32, #tpu.memory_space<vmem>>
    %dma_start3A_300 = arith.constant 0 : i32
    %dma_start3A_301 = arith.constant 0 : i32
    %dma_start3A_302 = tpu.memref_slice %arg2[%dma_start3A_300, %dma_start3A_301] : memref<400000x128xf32, #tpu.memory_space<hbm>> -> memref<400000x128xf32, #tpu.memory_space<hbm>>
    tpu.enqueue_indirect_dma source(%dma_start3A_302 : memref<400000x128xf32, #tpu.memory_space<hbm>>) target(%dma_start3A_296 : memref<128x128xf32, #tpu.memory_space<vmem>>) offsets(%dma_start3A_299 : memref<128xi32, #tpu.memory_space<vmem>>) semaphore(%arg8 : memref<!tpu.dma_semaphore, #tpu.memory_space<semaphore_mem>>)
    %dma_start3A_303 = arith.constant 3 : i32
    %dma_start3A_304 = arith.constant 384 : i32
    %dma_start3A_305 = arith.constant 0 : i32
    %dma_start3A_306 = tpu.memref_slice %arg7[%dma_start3A_304, %dma_start3A_305] : memref<512x128xf32, #tpu.memory_space<vmem>> -> memref<128x128xf32, #tpu.memory_space<vmem>>
    %dma_start3A_307 = arith.constant 0 : i32
    %dma_start3A_308 = tpu.memref_slice %arg6[%dma_start3A_303, %dma_start3A_307] : memref<4x128xi32, #tpu.memory_space<vmem>> -> memref<1x128xi32, #tpu.memory_space<vmem>>
    %dma_start3A_309 = tpu.memref_squeeze %dma_start3A_308 : memref<1x128xi32, #tpu.memory_space<vmem>> -> memref<128xi32, #tpu.memory_space<vmem>>
    %dma_start3A_310 = arith.constant 0 : i32
    %dma_start3A_311 = arith.constant 0 : i32
    %dma_start3A_312 = tpu.memref_slice %arg2[%dma_start3A_310, %dma_start3A_311] : memref<400000x128xf32, #tpu.memory_space<hbm>> -> memref<400000x128xf32, #tpu.memory_space<hbm>>
    tpu.enqueue_indirect_dma source(%dma_start3A_312 : memref<400000x128xf32, #tpu.memory_space<hbm>>) target(%dma_start3A_306 : memref<128x128xf32, #tpu.memory_space<vmem>>) offsets(%dma_start3A_309 : memref<128xi32, #tpu.memory_space<vmem>>) semaphore(%arg8 : memref<!tpu.dma_semaphore, #tpu.memory_space<semaphore_mem>>)
    %dma_wait3A = arith.constant 0 : i32
    %dma_wait3A_313 = arith.constant 0 : i32
    %dma_wait3A_314 = tpu.memref_slice %arg2[%dma_wait3A, %dma_wait3A_313] : memref<400000x128xf32, #tpu.memory_space<hbm>> -> memref<512x128xf32, #tpu.memory_space<hbm>>
    %dma_wait3A_315 = arith.constant 0 : i32
    %dma_wait3A_316 = arith.constant 0 : i32
    %dma_wait3A_317 = tpu.memref_slice %arg2[%dma_wait3A_315, %dma_wait3A_316] : memref<400000x128xf32, #tpu.memory_space<hbm>> -> memref<512x128xf32, #tpu.memory_space<hbm>>
    tpu.wait_dma2 semaphore(%arg8 : memref<!tpu.dma_semaphore, #tpu.memory_space<semaphore_mem>>) src(%dma_wait3A_317 : memref<512x128xf32, #tpu.memory_space<hbm>>) dst(%arg7 : memref<512x128xf32, #tpu.memory_space<vmem>>)
    %mul3A_318 = arith.constant 512 : i32
    %mul3A_319 = arith.muli %add3A, %mul3A_318 : i32
    "tpu.region"() ({
      %run_scoped3A = tpu.sem_alloc : memref<!tpu.dma_semaphore, #tpu.memory_space<semaphore_mem>>
      %dma_start3A_320 = arith.constant 0 : i32
      %dma_start3A_321 = tpu.memref_slice %arg4[%mul3A_319, %dma_start3A_320] : memref<16384x128xf32, #tpu.memory_space<hbm>> -> memref<512x128xf32, #tpu.memory_space<hbm>>
      %dma_start3A_322 = arith.constant 0 : i32
      %dma_start3A_323 = tpu.memref_slice %arg4[%mul3A_319, %dma_start3A_322] : memref<16384x128xf32, #tpu.memory_space<hbm>> -> memref<512x128xf32, #tpu.memory_space<hbm>>
      tpu.enqueue_dma source(%arg7 : memref<512x128xf32, #tpu.memory_space<vmem>>) target(%dma_start3A_323 : memref<512x128xf32, #tpu.memory_space<hbm>>) target_semaphore(%run_scoped3A : memref<!tpu.dma_semaphore, #tpu.memory_space<semaphore_mem>>)
      %dma_wait3A_324 = arith.constant 0 : i32
      %dma_wait3A_325 = tpu.memref_slice %arg4[%mul3A_319, %dma_wait3A_324] : memref<16384x128xf32, #tpu.memory_space<hbm>> -> memref<512x128xf32, #tpu.memory_space<hbm>>
      %dma_wait3A_326 = arith.constant 0 : i32
      %dma_wait3A_327 = tpu.memref_slice %arg4[%mul3A_319, %dma_wait3A_326] : memref<16384x128xf32, #tpu.memory_space<hbm>> -> memref<512x128xf32, #tpu.memory_space<hbm>>
      tpu.wait_dma2 semaphore(%run_scoped3A : memref<!tpu.dma_semaphore, #tpu.memory_space<semaphore_mem>>) src(%arg7 : memref<512x128xf32, #tpu.memory_space<vmem>>) dst(%dma_wait3A_327 : memref<512x128xf32, #tpu.memory_space<hbm>>)
      tpu.yield
    }) : () -> ()
    return
  }
}

</mosaic_0001>

<sc_bundles>
// kernel: kernel.4.cloned.1.call-start
scs
__scs_entry_jumppad:
0x0: {  	(pc) =	sbr.rel $0x88, $3  }
0x1: {  	(tag) =	ssettag $0x0;
	lr =	simm.s32 $0x1  }
0x2: {  	[smem:$0x3FA0] =	sst lr;
	_ =	strace $0xD0000000  }
0x3: {  	_ = 	snop  }
0x4: {  	_ = 	snop  }
0x5: {  	_ = 	snop  }
0x6: {  	_ = 	snop  }
0x7: {  	_ = 	snop  }
__scs_overlays_trampoline_lowered:
0x8: {  	[smem:$0x3FAF] =	sst s0  }
0x9: {  	[smem:$0x3FB0] =	sst s1  }
0xa: {  	[smem:$0x3FB1] =	sst s2  }
0xb: {  	[smem:$0x3FB2] =	sst s3  }
0xc: {  	[smem:$0x3FB3] =	sst s4  }
0xd: {  	[smem:$0x3FB4] =	sst s5  }
0xe: {  	[smem:$0x3FB5] =	sst s6  }
0xf: {  	[smem:$0x3FB6] =	sst s7  }
0x10: {  	[smem:$0x3FB7] =	sst s8  }
0x11: {  	[smem:$0x3FB8] =	sst s9;
	s0 =	simm.s32 @!p0 $0x0  }
0x12: {  	s1 =	sld [smem:$0x3F9E];
	s0 =	simm.s32 @p0 $0x1  }
0x13: {  	[smem:$0x3FB9] =	sst s0;
	s0 =	simm.s32 @!p1 $0x0  }
0x14: {  	s2 =	sld [smem:$0x3F9D];
	s0 =	simm.s32 @p1 $0x1  }
0x15: {  	[smem:$0x3FBA] =	sst s0;
	s0 =	simm.s32 @!p2 $0x0  }
0x16: {  	s3 =	sld [smem:$0x3FDB];
	s0 =	simm.s32 @p2 $0x1  }
0x17: {  	s4 =	simm.s32 $0x1BF5;
	[smem:$0x3FBC] =	sst s0  }
0x18: {  	s0 =	sld [smem:$0x3F9F];
	_ =	swait.ge [sflag:s4], $0x0  }
0x19: {  	s7 =	sld [smem:$0x3FA0]  }
0x1a: {  	s8 =	sadd.s32 $0xFFFFE003, lr  }
0x1b: {  	s9 =	sadd.s32 $0xFFFFFEF7, lr;
	s5 =	simm.s32 $0xFFFFFFFF;
	p2 =	slt.u32 s8, $0xFFFFF086  }
0x1c: {  	p1 =	slt.u32 s9, $0xF7A;
	s5 =	simm.s32 @!p2 $0x0  }
0x1d: {  	s5 =	simm.s32 @p1 $0x1;
	p0 =	seq.s32 s7, s2  }
0x1e: {  	s7 =	smul.u32 @!p0 $0xF7A, s2;
	p2 =	seq.s32 @!p0 s5, $0x0  }
0x1f: {  	s9 =	smul.u32 $0xF7A, s1;
	s8 =	simm.s32 @!p0 $0x1BF5;
	p2 =	por !p2, p0  }
0x20: {  	[sflag:s8] =	ssyncset.s32 @!p0 $0xFFFFF086;
	s6 =	sadd.s32 @!p0 s3, s7;
	s7 =	simm.s32 @!p0 $0x108  }
0x21: {  	s3 =	sadd.s32 s3, s9;
	s6 =	sadd.s32 @!p0 $0x88, s6;
	s7 =	simm.s32 @p2 $0x1082  }
0x22: {  	[simem:s7], [sflag:s8] =	dma.local @!p0 [hbm:s6], $0xF7A  }
0x23: {  	s9 =	sor.u32 $0xD0000000, s2;
	s6 =	simm.s32 $0x108;
	_ =	swait.ge @!p0 [sflag:s8], $0x0  }
0x24: {  	s3 =	sadd.s32 $0x88, s3;
	s6 =	simm.s32 @!p1 $0x1082;
	[sflag:s4] =	ssyncset.s32 $0xFFFFF086  }
0x25: {  	[simem:s6], [sflag:s4] =	dma.local [hbm:s3], $0xF7A  }
0x26: {  	[smem:$0x3FA0] =	sst s1;
	(tag) =	ssettag s2;
	_ =	strace s9  }
0x27: {  	s1 =	sld [smem:$0x3FB0]  }
0x28: {  	s2 =	sld [smem:$0x3FB1]  }
0x29: {  	s4 =	sld [smem:$0x3FB3]  }
0x2a: {  	p0 =	seq.s32 s5, $0x0;
	s5 =	sld [smem:$0x3FB4]  }
0x2b: {  	s6 =	sld [smem:$0x3FB5]  }
0x2c: {  	s7 =	sld [smem:$0x3FB6]  }
0x2d: {  	s3 =	simm.s32 $0x108;
	s8 =	sld [smem:$0x3FB7]  }
0x2e: {  	s3 =	simm.s32 @!p0 $0x1082;
	s9 =	sld [smem:$0x3FB8]  }
0x2f: {  	lr =	sadd.s32 s0, s3;
	s0 =	sld [smem:$0x3FAF]  }
0x30: {  	s3 =	sld [smem:$0x3FB2]  }
0x31: {  	[smem:$0x3FBB] =	sst s10  }
0x32: {  	s10 =	sld [smem:$0x3FB9];
	_ =	sdelay $0x3  }
0x33: {  	p0 =	seq.s32 s10, $0x1;
	s10 =	sld [smem:$0x3FBB];
	_ =	sdelay $0x3  }
0x34: {  	[smem:$0x3FBB] =	sst s10  }
0x35: {  	s10 =	sld [smem:$0x3FBA];
	_ =	sdelay $0x3  }
0x36: {  	p1 =	seq.s32 s10, $0x1;
	s10 =	sld [smem:$0x3FBB];
	_ =	sdelay $0x3  }
0x37: {  	[smem:$0x3FBB] =	sst s10  }
0x38: {  	s10 =	sld [smem:$0x3FBC]  }
0x39: {  	_ = 	snop;
	(pc) =	sbr.ind lr, $3  }
0x3a: {  	_ = 	snop  }
0x3b: {  	_ = 	snop  }
0x3c: {  	p2 =	seq.s32 s10, $0x1;
	s10 =	sld [smem:$0x3FBB]  }
0x3d: {  	_ =	shalt  }
0x3e: {  	_ =	shalt  }
0x3f: {  	_ =	shalt  }
0x40: {  	_ =	shalt  }
0x41: {  	_ =	shalt  }
0x42: {  	_ =	shalt  }
0x43: {  	_ =	shalt  }
0x44: {  	_ =	shalt  }
0x45: {  	_ =	shalt  }
0x46: {  	_ =	shalt  }
0x47: {  	_ =	shalt  }
0x48: {  	_ =	shalt  }
0x49: {  	_ =	shalt  }
0x4a: {  	_ =	shalt  }
0x4b: {  	_ =	shalt  }
0x4c: {  	_ =	shalt  }
0x4d: {  	_ =	shalt  }
0x4e: {  	_ =	shalt  }
0x4f: {  	_ =	shalt  }
0x50: {  	_ =	shalt  }
0x51: {  	_ =	shalt  }
0x52: {  	_ =	shalt  }
0x53: {  	_ =	shalt  }
0x54: {  	_ =	shalt  }
0x55: {  	_ =	shalt  }
0x56: {  	_ =	shalt  }
0x57: {  	_ =	shalt  }
0x58: {  	_ =	shalt  }
0x59: {  	_ =	shalt  }
0x5a: {  	_ =	shalt  }
0x5b: {  	_ =	shalt  }
0x5c: {  	_ =	shalt  }
0x5d: {  	_ =	shalt  }
0x5e: {  	_ =	shalt  }
0x5f: {  	_ =	shalt  }
0x60: {  	_ =	shalt  }
0x61: {  	_ =	shalt  }
0x62: {  	_ =	shalt  }
0x63: {  	_ =	shalt  }
0x64: {  	_ =	shalt  }
0x65: {  	_ =	shalt  }
0x66: {  	_ =	shalt  }
0x67: {  	_ =	shalt  }
0x68: {  	_ =	shalt  }
0x69: {  	_ =	shalt  }
0x6a: {  	_ =	shalt  }
0x6b: {  	_ =	shalt  }
0x6c: {  	_ =	shalt  }
0x6d: {  	_ =	shalt  }
0x6e: {  	_ =	shalt  }
0x6f: {  	_ =	shalt  }
0x70: {  	_ =	shalt  }
0x71: {  	_ =	shalt  }
0x72: {  	_ =	shalt  }
0x73: {  	_ =	shalt  }
0x74: {  	_ =	shalt  }
0x75: {  	_ =	shalt  }
0x76: {  	_ =	shalt  }
0x77: {  	_ =	shalt  }
0x78: {  	_ =	shalt  }
0x79: {  	_ =	shalt  }
0x7a: {  	_ =	shalt  }
0x7b: {  	_ =	shalt  }
0x7c: {  	_ =	shalt  }
0x7d: {  	_ =	shalt  }
0x7e: {  	_ =	shalt  }
0x7f: {  	_ =	shalt  }
0x80: {  	_ =	shalt  }
0x81: {  	_ =	shalt  }
0x82: {  	_ =	shalt  }
0x83: {  	_ =	shalt  }
0x84: {  	_ =	shalt  }
0x85: {  	_ =	shalt  }
0x86: {  	_ =	shalt  }
0x87: {  	_ =	shalt  }
.Lfunc_end0:
.L_simem_size_0:
called_computation_lowered:
.L_overlay_start_0:
0x88: {  	s2 =	sld [smem:$0x3FD9]  }
0x89: {  	s3 =	sld [smem:$0x3FFE];
	_ =	sdelay $0x1  }
0x8a: {  	s1 =	srdreg.scid  }
0x8b: {  	s0 =	sand.u32 $0x1, s1  }
0x8c: {  	s17 =	sshll.u32 s0, $0xA;
	s2 =	sadd.s32 s3, s2  }
0x8d: {  	s2 =	sadd.s32 s2, s17  }
0x8e: {  	[smem:$0x3FC7] =	sst s2  }
0x8f: {  	_ = 	snop  }
0x90: {  	s2 =	sld [smem:$0x3FC9];
	(tm) =	ssettm $0x1  }
0x91: {  	s18 =	sld [smem:$0x3FFB];
	_ =	sdelay $0x3  }
0x92: {  	_ =	strace s18  }
0x93: {  	s3 =	sld [smem:$0x3FFC];
	_ =	sdelay $0x3  }
0x94: {  	_ =	strace s3  }
0x95: {  	s3 =	sld [smem:$0x3FFD];
	_ =	sdelay $0x3  }
0x96: {  	_ =	strace s3  }
0x97: {  	_ =	strace $0x8FFFFFFF  }
0x98: {  	s19 =	sld [smem:$0x3FDB];
	_ =	sdelay $0x1  }
0x99: {  	s4 =	simm.s32 $_scs_section_size  }
0x9a: {  	s5 =	simm.s32 $_size__tile_overlayer_lowered;
	s6 =	simm.s32 $_tile_overlayer_lowered  }
0x9b: {  	s22 =	simm.s32 $0x1BFF;
	s21 =	sshll.u32 s6, $0x1;
	s3 =	sadd.s32 s4, s19  }
0x9c: {  	s7 =	simm.s32 $0x0;
	s20 =	sshll.u32 s5, $0x1;
	s5 =	sadd.s32 s21, s3  }
0x9d: {  	[timem:s7], [sflag:s22] =	dma.local [hbm:s5], s20  }
0x9e: {  	_ =	swait.ge [sflag:s22], s20  }
0x9f: {  	s4 =	ssub.s32 $0x0, s20;
	[sflag:s22] =	ssyncset.done $0x0  }
0xa0: {  	[sflag:s22] =	ssyncadd.s32 s4;
	_ =	sdelay $0x1  }
0xa1: {  	s23 =	simm.s32 $0x1B8B  }
0xa2: {  	_ =	swait.ge [sflag:s23], $0x1  }
0xa3: {  	[sflag:s23] =	ssyncset.done $0x0  }
0xa4: {  	s25 =	simm.s32 $0x1B8E;
	s24 =	sld [smem:$0x3FFE];
	[sflag:s23] =	ssyncadd.s32 $0xFFFFFFFF  }
0xa5: {  	s26 =	simm.s32 $execute0_lowered;
	[smem:$0x3FD2] =	sst s25  }
0xa6: {  	s5 =	sshll.u32 s26, $0x1;
	_ =	strace $0x80000046;
	[dreg:$0x1] =	wrdreg $0xFFFFFFFF  }
0xa7: {  	s28 =	simm.s32 $_size_execute0_lowered;
	s3 =	sadd.s32 s3, s5;
	[dreg:$0x0] =	wrdreg $0x0  }
0xa8: {  	s5 =	sshll.u32 s28, $0x1;
	[dreg:$0x2] =	wrdreg s3  }
0xa9: {  	[dreg:$0x3] =	wrdreg s5  }
0xaa: {  	[dreg:$0x4] =	wrdreg $0xC0  }
0xab: {  	_ =	task [dreg:s7], $0x5FFFF  }
0xac: {  	[dreg:$0x1] =	wrdreg $0xFFFFFFFF  }
0xad: {  	[dreg:$0x0] =	wrdreg $0x60  }
0xae: {  	[dreg:$0x2] =	wrdreg s2  }
0xaf: {  	[dreg:$0x3] =	wrdreg s24  }
0xb0: {  	[dreg:$0x4] =	wrdreg $0xE8000  }
0xb1: {  	[dreg:$0x5] =	wrdreg $0xE9000  }
0xb2: {  	[dreg:$0x6] =	wrdreg $0xED000  }
0xb3: {  	[dreg:$0x7] =	wrdreg $0x9  }
0xb4: {  	_ =	task.clear_ibuf [dreg:s7], $0x8FFFF;
	_ =	strace $0x90000046  }
0xb5: {  	s29 =	simm.s32 $0x9;
	_ =	strace $0x80000048  }
0xb6: {  	_ =	swait.ge [sflag:s29], $0x1  }
0xb7: {  	[sflag:s29] =	ssyncadd.s32 $0xFFFFFFFF  }
0xb8: {  	_ =	strace $0x90000048  }
0xb9: {  	_ =	sfence  }
0xba: {  	s30 =	sld [smem:$0x0];
	_ =	sdelay $0x2  }
0xbb: {  	s31 =	sshll.u32 s1, $0xD;
	s1 =	sshrl.u32 s1, $0x2  }
0xbc: {  	s3 =	sand.u32 $0x4000, s31;
	s1 =	sadd.s32 s1, s30  }
0xbd: {  	s0 =	sor.u32 s3, s0;
	s1 =	sshll.u32 s1, $0x11  }
0xbe: {  	s0 =	sor.u32 s1, s0  }
0xbf: {  	s0 =	sadd.s32 $0x8F2B, s0  }
0xc0: {  	[sflag:s0] =	ssyncadd.remote.s32 $0x1  }
0xc1: {  	_ =	sfence.sel $0xFFFF  }
0xc2: {  	[dreg:$0x0] =	wrdreg $0xFFFFFFFF;
	(pc) =	sbr.abs _section_cstart, $3  }
0xc3: {  	[dreg:$0x1] =	wrdreg $0xFFFFFFFF  }
0xc4: {  	_ =	task.clear_ibuf [dreg:s7], $0x2FFFF;
	_ =	strace $0x9FFFFFFF  }
0xc5: {  	(tm) =	ssettm $0x7FFFFFFF  }
tec
execute0_lowered:
.L_overlay_start_1:
0x0: {  	(tag) =	ssettag $0x1  }
0x1: {  	s1 =	rddreg [dreg:$0x0]  }
0x2: {  	s2 =	rddreg [dreg:$0x1]  }
0x3: {  	s0 =	srdreg.scid;
	s6 =	rddreg [dreg:$0x2]  }
0x4: {  	s7 =	stileid.u32;
	s11 =	rddreg [dreg:$0x3]  }
0x5: {  	s12 =	rddreg [dreg:$0x4];
	s4 =	simm.s32 $0x1;
	s5 =	simm.s32 $0x0  }
0x6: {  	s13 =	simm.s32 $0x30C8;
	s21 =	simm.s32 $0x80;
	s22 =	simm.s32 $0x9300  }
0x7: {  	s23 =	simm.s32 $0x200;
	s24 =	simm.s32 $0x2;
	s30 =	simm.s32 $0x9400  }
0x8: {  	s31 =	simm.s32 $0x9600;
	s0 =	sand.u32 $0x1, s0;
	s9 =	sand.u32 $0x3, s7  }
0x9: {  	[smem:$0x7FF] =	sst s5;
	s10 =	sshrl.u32 s7, $0x2;
	s3 =	sshll.u32 s0, $0x4  }
0xa: {  	p0 =	sne.s32 s9, $0x0;
	_ =	strace $0x80000047;
	s0 =	ssub.s32 $0x2, s0  }
0xb: {  	s28 =	sshll.u32 s9, $0x7;
	s15 =	sshll.u32 s9, $0xC;
	s16 =	sshll.u32 s10, $0x7  }
0xc: {  	s3 =	sor.u32 s7, s3;
	s26 =	sshrl.u32 s0, $0x1;
	s7 =	sshll.u32 s10, $0xA  }
0xd: {  	s15 =	sor.u32 s16, s15;
	s29 =	sadd.s32 s16, s12;
	p1 =	seq.s32 s3, $0x0  }
0xe: {  	s3 =	sshrl.u32 s3, $0x2;
	s0 =	ssub.s32 s0, s26;
	s6 =	sadd.s32 s7, s6  }
0xf: {  	s17 =	sadd.s32 s15, s11;
	s15 =	sadd.s32 s15, s12;
	[dreg:$0x9] =	wrdreg s29  }
0x10: {  	s11 =	sadd.s32 s16, s11;
	p1 =	por !p0, !p1;
	[dreg:$0x6] =	wrdreg s17  }
0x11: {  	s7 =	sadd.s32 s28, s6;
	s8 =	sadd.s32 $0x80, s6;
	[dreg:$0x7] =	wrdreg s15  }
0x12: {  	s10 =	sadd.s32 $0x180, s6;
	[dreg:$0x8] =	wrdreg s11;
	s0 =	smax.u32 s0, $0x1  }
0x13: {  	s17 =	sadd.s32 $0x200, s6;
	s18 =	sadd.s32 $0x280, s6;
	s19 =	sadd.s32 $0x300, s6  }
0x14: {  	v0 =	vlaneseq.u32;
	v4 =	vimm.s32 $0xFFEDCBA9;
	v5 =	vimm.s32 $0xEDCBA987;
	s20 =	sadd.s32 $0x380, s6;
	s15 =	simm.s32 $0xA000;
	p1 =	por !p1, !p1  }
0x15: {  	v8 =	vimm.s32 $0x65432100;
	vm0 =	vcmask $0x3F3C;
	v3 =	vmul.u32 $0xFFFFFFFF, v0;
	s11 =	simm.s32 $0x0;
	[dreg:$0xb] =	wrdreg s0;
	s4 =	simm.s32 @!p1 $0x0  }
0x16: {  	v6 =	vunpack.c.l.s4.s8 v4;
	v4 =	vimm.s32 $0x87654321;
	v9 =	vunpack.c.l.s4.s8 v5;
	s0 =	simm.s32 $0x9780;
	p1 =	seq.s32 s9, $0x3;
	s3 =	ssub.s32 s3, s4  }
0x17: {  	v5 =	vimm.s32 $0x1;
	v8 =	vunpack.c.l.s4.s8 v8;
	v7 =	vunpack.c.l.s4.s8 v4;
	s4 =	simm.s32 $0x1;
	s25 =	sshll.u32 s3, $0x8;
	s3 =	smul.u32 $0xC350, s3  }
.Ltmp0:
0x18: {  	v4 =	vimm.s32 $0x0;
	v10 =	vunpack.c.0.s8.s32 v6;
	v12 =	vunpack.c.0.s8.s32 v9;
	s13 =	simm.s32 @!p1 $0x30D8;
	s5 =	sand.u32 $0x1FFFFF00, s25;
	(pc) =	sbr.rel .LBB2_1-.Ltmp0, $4  }
0x19: {  	v6 =	vimm.s32 $0xFFFFFFFF;
	v13 =	vunpack.c.0.s8.s32 v8;
	v11 =	vunpack.c.0.s8.s32 v7;
	s14 =	sadd.s32 $0xFFFFFFFF, s13;
	s2 =	sadd.s32 s5, s2;
	s5 =	smul.u32 $0x30D8, s9  }
0x1a: {  	v9 =	vor.u32 $0x80000000, v0;
	v3 =	vadd.s32 s13, v3;
	s13 =	simm.s32 $0xB000;
	v1 =	vmov s14;
	s14 =	simm.s32 $0xE000;
	s25 =	simm.s32 $0xD000  }
0x1b: {  	v7 =	vimm.s32 $0x7FFFFFFF;
	v8 =	vcombine.low v11, v10;
	v10 =	vand.u32 $0xF, v12;
	s9 =	sadd.s32 $0x100, s6;
	s2 =	sadd.s32 $0x800, s2;
	s3 =	sadd.s32 s5, s3  }
0x1c: {  	v11 =	vadd.s32 $0x1, v0;
	v10 =	vcombine.low v13, v10;
	[dreg:$0xa] =	wrdreg s2;
	s2 =	simm.s32 $0x9580;
	v2 =	vmov s3;
	s3 =	simm.s32 $0xC000  }
.LBB2_44:
0x1d: {  	_ =	sdelay $0x4  }
0x1e: {  	s12 =	sshra.s32 s12, $0x2;
	[tilespmem:v12+s14+$0x0] =	vst.idx.add.s32.msk vm1, v13  }
0x1f: {  	v12 =	vld [tilespmem:s12+$0xA000];
	_ =	sdelay $0x4  }
0x20: {  	v58 =	vshrl.u32 v12, $0x16  }
0x21: {  	v14 =	vshll.u32 v58, $0x4  }
0x22: {  	v14 =	vor.u32 v9, v14  }
0x23: {  	(xrf1) =	vsort.ascd.msk.u32 $0xffff, v14, v58;
	_ =	sdelay $0xd  }
0x24: {  	v13, _, _ =	vpop (xrf1)  }
0x25: {  	v59 =	vshrl.u32 v13, $0x4  }
0x26: {  	v15 =	vxor.u32 $0x8000000, v59  }
0x27: {  	v16 =	vperm.xlane v15, v10  }
0x28: {  	v14 =	vand.u32 $0x7F, v59;
	v17 =	vand.u32 $0xFFFFF80, v15  }
0x29: {  	v14 =	vor.u32 v14, v17;
	vm1 =	veq.s32 v15, v16  }
0x2a: {  	v16 =	vsel vm1, $0x80000000, v9  }
0x2b: {  	(xrf0) =	vmax.scan.msk.u32 $0xffff, v16;
	_ =	sdelay $0x2  }
0x2c: {  	v60 =	vld.idx.msk [tilespmem:v14+s14+$0x0], $0xffff;
	_ =	sdelay $0x2  }
0x2d: {  	v61, _, _ =	vpop (xrf0)  }
0x2e: {  	v18 =	vperm.xlane v15, v8;
	v17 =	vxor.u32 $0x80000000, v61  }
0x2f: {  	v19 =	vld [tilespmem:s12+$0xB000];
	v16 =	vsub.s32 v60, v17  }
0x30: {  	vm1 =	vne.s32 v15, v18;
	v62 =	vadd.s32 v0, v16  }
0x31: {  	vm1 =	vmor vm1, vm0  }
0x32: {  	v13 =	vand.u32 $0xF, v13  }
0x33: {  	v12 =	vperm.xlane v12, v13  }
0x34: {  	v13 =	vperm.xlane v19, v13  }
0x35: {  	[tilespmem:v62+s3+$0x0] =	vst.idx.msk $0xffff, v12  }
0x36: {  	v63 =	vsub.s32 v11, v17;
	[tilespmem:v62+s25+$0x0] =	vst.idx.msk $0xffff, v13  }
0x37: {  	s29 =	simm.s32 $0x0;
	s16 =	rddreg [dreg:$0xa];
	[tilespmem:v14+s14+$0x0] =	vst.idx.add.s32.msk vm1, v63  }
0x38: {  	[hbm4b:s16+s29] =	stream.linear.scatter [tilespmem:s25], [sflag:$0x2], $0x800, $0x38;
	[tilespmem:$0xF100] =	vst v63  }
0x39: {  	_ =	swait.ge [sflag:s24], $0x800  }
0x3a: {  	[sflag:s24] =	ssyncset.done $0x0  }
0x3b: {  	[sflag:s24] =	ssyncadd.s32 $0xFFFFF800  }
.LBB2_45:
0x3c: {  	s11 =	sadd.s32 $0x1, s11;
	s12 =	rddreg [dreg:$0xb]  }
0x3d: {  	p1 =	sne.s32 s11, s12  }
.Ltmp1:
0x3e: {  	_ = 	snop;
	(pc) =	sbr.rel @!p1 .LBB2_46-.Ltmp1, $1  }
0x3f: {  	_ =	sdelay $0x3  }
.LBB2_1:
0x40: {  	s12 =	simm.s32 $0x0  }
0x41: {  	v12 =	vor.u32 s12, v0  }
0x42: {  	vm1 =	vlt.s32 v12, v1  }
0x43: {  	v12 =	vsel vm1, v12, v1  }
0x44: {  	v12 =	vadd.s32 v2, v12  }
0x45: {  	v12 =	vshll.u32 v12, $0x7  }
0x46: {  	s16 =	simm.s32 $0x10;
	s12 =	simm.s32 $0x3100;
	v12 =	vor.u32 $0x7F, v12  }
.LBB2_2:
0x47: {  	v13 =	vor.u32 s16, v0;
	p1 =	sne.s32 s16, $0x30F0;
	s16 =	sadd.s32 $0x10, s16;
	[tilespmem:s12+$0x0] =	vst v12  }
.Ltmp2:
0x48: {  	vm1 =	vlt.s32 v13, v1;
	(pc) =	sbr.rel @p1 .LBB2_2-.Ltmp2, $4  }
0x49: {  	v12 =	vsel vm1, v13, v1  }
0x4a: {  	v12 =	vadd.s32 v2, v12  }
0x4b: {  	v12 =	vshll.u32 v12, $0x7  }
0x4c: {  	s12 =	sadd.s32 $0x10, s12;
	v12 =	vor.u32 $0x7F, v12  }
0x4d: {  	[tilespmem:s12+$0x0] =	vst v12;
	s12 =	simm.s32 $0x200;
	s16 =	simm.s32 $0x0;
	s26 =	simm.s32 $0x3100  }
.LBB2_4:
0x4e: {  	[tilespmem:s16], [sflag:$0x1] =	stream.indirect.gather [hbm4b:s1+s21], $0x1, s26, s21, $0xb8;
	[tilespmem:$0xF100] =	vst v63  }
0x4f: {  	s16 =	smov.u32 s12;
	p1 =	sne.s32 s12, $0xC200  }
.Ltmp3:
0x50: {  	s12 =	sadd.s32 $0x200, s12;
	(pc) =	sbr.rel @p1 .LBB2_4-.Ltmp3, $3  }
0x51: {  	_ =	sdelay $0x1  }
0x52: {  	s16 =	sshra.s32 s16, $0x2  }
0x53: {  	s26 =	sadd.s32 $0x3100, s16  }
0x54: {  	[tilespmem:s16], [sflag:$0x1] =	stream.indirect.gather [hbm4b:s1+s21], $0x1, s26, s21, $0xb8;
	[tilespmem:$0xF100] =	vst v63  }
0x55: {  	_ =	swait.ge [sflag:s4], $0x3100  }
0x56: {  	[sflag:s4] =	ssyncset.done $0x0  }
0x57: {  	[sflag:s4] =	ssyncadd.s32 $0xFFFFCF00  }
0x58: {  	[tilespmem:$0x9300] =	vst v4  }
0x59: {  	[tilespmem:$0x9310] =	vst v4  }
0x5a: {  	[tilespmem:$0x9320] =	vst v4  }
0x5b: {  	[tilespmem:$0x9330] =	vst v4  }
0x5c: {  	[tilespmem:$0x9340] =	vst v4  }
0x5d: {  	[tilespmem:$0x9350] =	vst v4  }
0x5e: {  	[tilespmem:$0x9360] =	vst v4  }
0x5f: {  	[tilespmem:$0x9370] =	vst v4  }
0x60: {  	[tilespmem:$0x9380] =	vst v4  }
0x61: {  	[tilespmem:$0x9390] =	vst v4  }
0x62: {  	[tilespmem:$0x93A0] =	vst v4  }
0x63: {  	[tilespmem:$0x93B0] =	vst v4  }
0x64: {  	[tilespmem:$0x93C0] =	vst v4  }
0x65: {  	[tilespmem:$0x93D0] =	vst v4  }
0x66: {  	[tilespmem:$0x93E0] =	vst v4  }
0x67: {  	s12 =	simm.s32 $0x10;
	s16 =	simm.s32 $0x6210;
	s26 =	simm.s32 $0x10;
	[tilespmem:$0x93F0] =	vst v4  }
.LBB2_6:
0x68: {  	v12 =	vld [tilespmem:s12+$0xFFFFFFF0];
	_ =	sdelay $0x4  }
0x69: {  	s28 =	sadd.s32 $0xFFFFFFF0, s26;
	v13 =	vshra.s32 v12, $0x1F  }
0x6a: {  	v14 =	vmov s28;
	v13 =	vor.u32 $0x80000000, v13  }
0x6b: {  	vm1 =	vlt.u32 v14, v3;
	v12 =	vxor.u32 v12, v13  }
0x6c: {  	v12 =	vnsel vm1, $0xFFFFFFFF, v12  }
0x6d: {  	v60 =	vshrl.u32 v12, $0x18;
	_ =	sdelay $0x3  }
0x6e: {  	[tilespmem:s16+$0xFFFFFFF0] =	vst v12  }
0x6f: {  	[tilespmem:v60+s22+$0x0] =	vst.idx.add.s32.msk $0xffff, v5  }
0x70: {  	v12 =	vld [tilespmem:s12+$0x0];
	_ =	sdelay $0x4  }
0x71: {  	v61 =	vshra.s32 v12, $0x1F  }
0x72: {  	v62 =	vmov s26;
	v13 =	vor.u32 $0x80000000, v61  }
0x73: {  	vm1 =	vlt.u32 v62, v3;
	v12 =	vxor.u32 v12, v13  }
0x74: {  	v12 =	vnsel vm1, $0xFFFFFFFF, v12  }
0x75: {  	p1 =	sne.s32 s26, $0x30D0;
	v63 =	vshrl.u32 v12, $0x18  }
.Ltmp4:
0x76: {  	_ = 	snop;
	(pc) =	sbr.rel @p1 .LBB2_6-.Ltmp4, $3  }
0x77: {  	_ =	sdelay $0x1  }
0x78: {  	[tilespmem:s16+$0x0] =	vst v12  }
0x79: {  	s26 =	sadd.s32 $0x20, s26;
	s12 =	sadd.s32 $0x20, s12;
	s16 =	sadd.s32 $0x20, s16;
	[tilespmem:v63+s22+$0x0] =	vst.idx.add.s32.msk $0xffff, v5  }
0x7a: {  	[spmem:s7] =	stream.strided.scatter [tilespmem:s22], [sflag:$0x2], $0x100, s23, s21, $0x38;
	[tilespmem:$0xF100] =	vst v63  }
0x7b: {  	_ =	swait.ge [sflag:s24], $0x100  }
0x7c: {  	[sflag:s24] =	ssyncset.done $0x0  }
0x7d: {  	[sflag:s24] =	ssyncadd.s32 $0xFFFFFF00  }
0x7e: {  	[bflag:$0x0] =	sbarrier.arrive $0xFFFF  }
0x7f: {  	[tilespmem:s30], [sflag:$0x2] =	stream.linear.gather [spmem:s6], $0x80, $0x38;
	[tilespmem:$0xF100] =	vst v63  }
0x80: {  	_ = 	snop  }
0x81: {  	[tilespmem:s31], [sflag:$0x2] =	stream.linear.gather [spmem:s17], $0x80, $0x38;
	[tilespmem:$0xF100] =	vst v63  }
0x82: {  	_ =	swait.ge [sflag:s24], $0x100  }
0x83: {  	[sflag:s24] =	ssyncset.done $0x0  }
0x84: {  	s12 =	simm.s32 $0x9480;
	[sflag:s24] =	ssyncadd.s32 $0xFFFFFF00  }
0x85: {  	[tilespmem:s12], [sflag:$0x2] =	stream.linear.gather [spmem:s8], $0x80, $0x38;
	[tilespmem:$0xF100] =	vst v63  }
0x86: {  	s16 =	simm.s32 $0x9680  }
0x87: {  	[tilespmem:s16], [sflag:$0x2] =	stream.linear.gather [spmem:s18], $0x80, $0x38;
	[tilespmem:$0xF100] =	vst v63  }
0x88: {  	_ =	swait.ge [sflag:s24], $0x100  }
0x89: {  	[sflag:s24] =	ssyncset.done $0x0  }
0x8a: {  	s26 =	simm.s32 $0x9500;
	[sflag:s24] =	ssyncadd.s32 $0xFFFFFF00  }
0x8b: {  	[tilespmem:s26], [sflag:$0x2] =	stream.linear.gather [spmem:s9], $0x80, $0x38;
	[tilespmem:$0xF100] =	vst v63  }
0x8c: {  	s30 =	simm.s32 $0x9700  }
0x8d: {  	[tilespmem:s30], [sflag:$0x2] =	stream.linear.gather [spmem:s19], $0x80, $0x38;
	[tilespmem:$0xF100] =	vst v63  }
0x8e: {  	_ =	swait.ge [sflag:s24], $0x100  }
0x8f: {  	[sflag:s24] =	ssyncset.done $0x0  }
0x90: {  	[sflag:s24] =	ssyncadd.s32 $0xFFFFFF00  }
0x91: {  	[tilespmem:s2], [sflag:$0x2] =	stream.linear.gather [spmem:s10], $0x80, $0x38;
	[tilespmem:$0xF100] =	vst v63  }
0x92: {  	_ = 	snop  }
0x93: {  	[tilespmem:s0], [sflag:$0x2] =	stream.linear.gather [spmem:s20], $0x80, $0x38;
	[tilespmem:$0xF100] =	vst v63  }
0x94: {  	s12 =	simm.s32 $0x0;
	_ =	swait.ge [sflag:s24], $0x100  }
0x95: {  	s16 =	sand.u32 $0x70, s12;
	s26 =	sand.u32 $0x200, s12;
	[sflag:s24] =	ssyncset.done $0x0  }
0x96: {  	s16 =	sor.u32 s16, s26;
	[sflag:s24] =	ssyncadd.s32 $0xFFFFFF00  }
0x97: {  	v12 =	vld [tilespmem:s16+$0x9400]  }
0x98: {  	v13 =	vld [tilespmem:s16+$0x9480]  }
0x99: {  	v14 =	vld [tilespmem:s16+$0x9500]  }
0x9a: {  	v15 =	vld [tilespmem:s16+$0x9580];
	_ =	sdelay $0x2  }
0x9b: {  	v12 =	vadd.s32 v12, v13  }
0x9c: {  	v12 =	vadd.s32 v14, v12  }
0x9d: {  	v12 =	vadd.s32 v15, v12  }
0x9e: {  	(xrf0) =	vadd.scan.msk.s32 $0xffff, v12;
	_ =	sdelay $0x5  }
0x9f: {  	v12, _, _ =	vpop (xrf0)  }
0xa0: {  	v12 =	vadd.s32 s12, v12  }
0xa1: {  	v13 =	vxor.u32 $0x80000000, v12;
	vm1 =	vlt.s32 v12, $0x800  }
0xa2: {  	(xrf0) =	vmax.scan.msk.u32 $0xffff, v13;
	v12 =	vsel vm1, $0x1, v4  }
0xa3: {  	(xrf0) =	vadd.scan.msk.s32 $0xffff, v12;
	_ =	sdelay $0x3  }
0xa4: {  	s31 =	simm.s32 $0x10;
	s26 =	simm.s32 $0x40  }
0xa5: {  	s28 =	simm.s32 $0x20;
	s29 =	sand.u32 $0x200, s26;
	s16 =	sand.u32 $0x70, s31;
	v12, _, _ =	vpop (xrf0)  }
.LBB2_8:
0xa6: {  	p1 =	sne.s32 s28, $0xF0;
	s16 =	sor.u32 s16, s29;
	v13, _, _ =	vpop (xrf0);
	(v2sf) =	vpush v12, $0xF  }
0xa7: {  	v12 =	vld [tilespmem:s16+$0x9400];
	(v2sf) =	vpush v13, $0xF  }
0xa8: {  	v13 =	vld [tilespmem:s16+$0x9480]  }
0xa9: {  	v14 =	vld [tilespmem:s16+$0x9500]  }
0xaa: {  	v15 =	vld [tilespmem:s16+$0x9580];
	_ =	sdelay $0x2  }
0xab: {  	v12 =	vadd.s32 v12, v13  }
0xac: {  	v12 =	vadd.s32 v14, v12  }
0xad: {  	v12 =	vadd.s32 v15, v12  }
0xae: {  	(xrf0) =	vadd.scan.msk.s32 $0xffff, v12;
	_ =	sdelay $0x4  }
0xaf: {  	s16 =	spop (v2sf)  }
0xb0: {  	v12, _, _ =	vpop (xrf0);
	s16 =	sxor.u32 $0x80000000, s16;
	s29 =	spop (v2sf)  }
0xb1: {  	v12 =	vadd.s32 s16, v12;
	s12 =	sadd.s32 s12, s29  }
0xb2: {  	vm1 =	vlt.s32 v12, $0x800;
	v12 =	vxor.u32 $0x80000000, v12  }
0xb3: {  	v13 =	vsel vm1, $0x1, v4;
	(xrf0) =	vmax.scan.msk.u32 $0xffff, v12  }
0xb4: {  	(xrf0) =	vadd.scan.msk.s32 $0xffff, v13  }
.Ltmp5:
0xb5: {  	(pc) =	sbr.rel @p1 .LBB2_8-.Ltmp5, $3  }
0xb6: {  	_ =	sdelay $0x1  }
0xb7: {  	s26 =	sadd.s32 $0x40, s26  }
0xb8: {  	s16 =	sand.u32 $0x70, s28;
	s29 =	sand.u32 $0x200, s26;
	s28 =	sadd.s32 $0x10, s28;
	v12, _, _ =	vpop (xrf0)  }
0xb9: {  	s16 =	sor.u32 s16, s29;
	(v2sf) =	vpush v12, $0xF  }
0xba: {  	v12 =	vld [tilespmem:s16+$0x9400]  }
0xbb: {  	v13 =	vld [tilespmem:s16+$0x9480]  }
0xbc: {  	v14 =	vld [tilespmem:s16+$0x9500]  }
0xbd: {  	v15 =	vld [tilespmem:s16+$0x9580];
	_ =	sdelay $0x2  }
0xbe: {  	v12 =	vadd.s32 v12, v13  }
0xbf: {  	v12 =	vadd.s32 v14, v12  }
0xc0: {  	v12 =	vadd.s32 v15, v12  }
0xc1: {  	(xrf0) =	vadd.scan.msk.s32 $0xffff, v12;
	_ =	sdelay $0x4  }
0xc2: {  	v12, _, _ =	vpop (xrf0);
	s30 =	spop (v2sf)  }
0xc3: {  	v13, _, _ =	vpop (xrf0);
	s16 =	sxor.u32 $0x80000000, s30  }
0xc4: {  	v13 =	vadd.s32 s16, v13  }
0xc5: {  	vm1 =	vlt.s32 v13, $0x800;
	v13 =	vxor.u32 $0x80000000, v13  }
0xc6: {  	v14 =	vsel vm1, $0x1, v4;
	(xrf0) =	vmax.scan.msk.u32 $0xffff, v13  }
0xc7: {  	(xrf0) =	vadd.scan.msk.s32 $0xffff, v14;
	_ =	sdelay $0x4  }
0xc8: {  	(v2sf) =	vpush v12, $0xF;
	v12, _, _ =	vpop (xrf0)  }
0xc9: {  	v13, _, _ =	vpop (xrf0);
	(v2sf) =	vpush v12, $0xF  }
0xca: {  	(v2sf) =	vpush v13, $0xF;
	_ =	sdelay $0xc  }
0xcb: {  	s31 =	spop (v2sf)  }
0xcc: {  	s26 =	spop (v2sf)  }
0xcd: {  	s12 =	sadd.s32 s12, s31;
	s26 =	spop (v2sf)  }
0xce: {  	s12 =	sadd.s32 s12, s26  }
0xcf: {  	v12 =	vmov s12;
	s12 =	simm.s32 $0x0  }
0xd0: {  	s29 =	sand.u32 $0x70, s12;
	s26 =	sand.u32 $0x200, s12  }
0xd1: {  	s16 =	sor.u32 s29, s26  }
0xd2: {  	v13 =	vld [tilespmem:s16+$0x9400]  }
0xd3: {  	s28 =	simm.s32 $0x40;
	s26 =	simm.s32 $0x10;
	v14 =	vld [tilespmem:s16+$0x9480]  }
0xd4: {  	s28 =	sand.u32 $0x200, s28;
	v15 =	vld [tilespmem:s16+$0x9500];
	s30 =	sand.u32 $0x70, s26  }
0xd5: {  	v16 =	vld [tilespmem:s16+$0x9580];
	s16 =	sor.u32 s30, s28  }
0xd6: {  	v17 =	vld [tilespmem:s16+$0x9400]  }
0xd7: {  	v18 =	vld [tilespmem:s16+$0x9480]  }
0xd8: {  	s31 =	simm.s32 $0x80;
	s28 =	simm.s32 $0x20;
	v13 =	vadd.s32 v13, v14;
	v14 =	vld [tilespmem:s16+$0x9500]  }
0xd9: {  	s29 =	sand.u32 $0x200, s31;
	s30 =	sand.u32 $0x70, s28;
	v19 =	vld [tilespmem:s16+$0x9580];
	v13 =	vadd.s32 v15, v13;
	v15 =	vor.u32 s12, v0  }
0xda: {  	s16 =	sor.u32 s30, s29;
	s29 =	simm.s32 $0x30;
	s30 =	simm.s32 $0xC0;
	v13 =	vadd.s32 v16, v13;
	vm1 =	vlt.s32 v15, v12  }
0xdb: {  	s31 =	sand.u32 $0x70, s29;
	s30 =	sand.u32 $0x200, s30;
	v15 =	vld [tilespmem:s16+$0x9400];
	v13 =	vnsel vm1, $0x0, v13  }
0xdc: {  	v16 =	vld [tilespmem:s16+$0x9480];
	s30 =	sor.u32 s31, s30;
	(xrf0) =	vadd.scan.msk.s32 $0xffff, v13;
	v13 =	vadd.s32 v17, v18;
	v18 =	vor.u32 s26, v0  }
0xdd: {  	v13 =	vadd.s32 v14, v13;
	vm1 =	vlt.s32 v18, v12;
	v18 =	vld [tilespmem:s30+$0x9400]  }
0xde: {  	v13 =	vadd.s32 v19, v13;
	v19 =	vld [tilespmem:s30+$0x9480]  }
0xdf: {  	v20 =	vld [tilespmem:s30+$0x9500]  }
0xe0: {  	v13 =	vnsel vm1, $0x0, v13  }
0xe1: {  	(xrf0) =	vadd.scan.msk.s32 $0xffff, v13  }
0xe2: {  	v21 =	vld [tilespmem:s30+$0x9580]  }
0xe3: {  	v17 =	vld [tilespmem:s16+$0x9500];
	v13 =	vadd.s32 v15, v16;
	v16 =	vadd.s32 v18, v19  }
0xe4: {  	v14 =	vld [tilespmem:s16+$0x9580];
	v16 =	vadd.s32 v20, v16;
	_ =	sdelay $0x1  }
0xe5: {  	v15, _, _ =	vpop (xrf0)  }
0xe6: {  	(v2sf) =	vpush v15, $0xF;
	v19 =	vadd.s32 v21, v16;
	v16, _, _ =	vpop (xrf0)  }
0xe7: {  	v13 =	vadd.s32 v17, v13;
	(v2sf) =	vpush v16, $0xF  }
0xe8: {  	v15 =	vadd.s32 v14, v13;
	v14 =	vor.u32 s28, v0  }
0xe9: {  	s26 =	simm.s32 $0x40;
	s16 =	simm.s32 $0x100;
	vm1 =	vlt.s32 v14, v12  }
0xea: {  	s31 =	sand.u32 $0x70, s26;
	s16 =	sand.u32 $0x200, s16;
	v18 =	vnsel vm1, $0x0, v15  }
0xeb: {  	s16 =	sor.u32 s31, s16;
	(xrf0) =	vadd.scan.msk.s32 $0xffff, v18  }
0xec: {  	v13 =	vld [tilespmem:s16+$0x9400]  }
0xed: {  	v17 =	vor.u32 s29, v0;
	v14 =	vld [tilespmem:s16+$0x9480]  }
0xee: {  	vm1 =	vlt.s32 v17, v12;
	v15 =	vld [tilespmem:s16+$0x9500]  }
0xef: {  	s28 =	simm.s32 $0x50;
	v17 =	vnsel vm1, $0x0, v19;
	v16 =	vld [tilespmem:s16+$0x9580];
	s16 =	simm.s32 $0x140  }
.LBB2_10:
0xf0: {  	s29 =	sand.u32 $0x70, s28  }
0xf1: {  	s30 =	sand.u32 $0x200, s16;
	(xrf0) =	vadd.scan.msk.s32 $0xffff, v17;
	v17, _, _ =	vpop (xrf0);
	s31 =	smov.u32 s28;
	p1 =	seq.s32 s28, $0xF0  }
.Ltmp6:
0xf2: {  	s28 =	sadd.s32 $0x10, s28;
	s29 =	sor.u32 s29, s30;
	(v2sf) =	vpush v17, $0xF;
	(pc) =	sbr.rel @!p1 .LBB2_10-.Ltmp6, $4  }
0xf3: {  	v17 =	vadd.s32 v13, v14;
	v13 =	vld [tilespmem:s29+$0x9400]  }
0xf4: {  	v18 =	vor.u32 s26, v0;
	s26 =	smov.u32 s31;
	v14 =	vld [tilespmem:s29+$0x9480];
	v17 =	vadd.s32 v15, v17  }
0xf5: {  	vm1 =	vlt.s32 v18, v12;
	v15 =	vld [tilespmem:s29+$0x9500];
	v17 =	vadd.s32 v16, v17;
	s30 =	spop (v2sf)  }
0xf6: {  	s16 =	sadd.s32 $0x40, s16;
	v16 =	vld [tilespmem:s29+$0x9580];
	v17 =	vnsel vm1, $0x0, v17;
	s12 =	sadd.s32 s12, s30  }
0xf7: {  	_ =	sdelay $0x1  }
0xf8: {  	v13 =	vadd.s32 v13, v14  }
0xf9: {  	v14 =	vor.u32 s26, v0;
	v13 =	vadd.s32 v15, v13  }
0xfa: {  	vm1 =	vlt.s32 v14, v12;
	v13 =	vadd.s32 v16, v13  }
0xfb: {  	(xrf0) =	vadd.scan.msk.s32 $0xffff, v17;
	v13 =	vnsel vm1, $0x0, v13  }
0xfc: {  	(xrf0) =	vadd.scan.msk.s32 $0xffff, v13;
	_ =	sdelay $0x3  }
0xfd: {  	v13, _, _ =	vpop (xrf0)  }
0xfe: {  	(v2sf) =	vpush v13, $0xF;
	v13, _, _ =	vpop (xrf0)  }
0xff: {  	(v2sf) =	vpush v13, $0xF;
	v13, _, _ =	vpop (xrf0)  }
0x100: {  	(v2sf) =	vpush v13, $0xF  }
0x101: {  	[tilespmem:$0x9300] =	vst v4  }
0x102: {  	[tilespmem:$0x9310] =	vst v4  }
0x103: {  	[tilespmem:$0x9320] =	vst v4  }
0x104: {  	[tilespmem:$0x9330] =	vst v4  }
0x105: {  	[tilespmem:$0x9340] =	vst v4  }
0x106: {  	[tilespmem:$0x9350] =	vst v4  }
0x107: {  	[tilespmem:$0x9360] =	vst v4  }
0x108: {  	[tilespmem:$0x9370] =	vst v4  }
0x109: {  	[tilespmem:$0x9380] =	vst v4  }
0x10a: {  	[tilespmem:$0x9390] =	vst v4  }
0x10b: {  	s16 =	spop (v2sf);
	[tilespmem:$0x93A0] =	vst v4  }
0x10c: {  	[tilespmem:$0x93B0] =	vst v4;
	s12 =	sadd.s32 s12, s16;
	s29 =	spop (v2sf)  }
0x10d: {  	[tilespmem:$0x93C0] =	vst v4;
	s12 =	sadd.s32 s12, s29;
	s26 =	spop (v2sf)  }
0x10e: {  	[tilespmem:$0x93D0] =	vst v4;
	s12 =	sadd.s32 s12, s26;
	s28 =	spop (v2sf)  }
0x10f: {  	s30 =	simm.s32 $0x9400;
	[tilespmem:$0x93E0] =	vst v4;
	s12 =	sadd.s32 s12, s28;
	s29 =	spop (v2sf)  }
0x110: {  	s31 =	simm.s32 $0x9600;
	[tilespmem:$0x93F0] =	vst v4;
	s26 =	sadd.s32 s12, s29;
	s12 =	simm.s32 $0x0  }
.LBB2_12:
0x111: {  	s16 =	sshra.s32 s12, $0x2  }
0x112: {  	v13 =	vld [tilespmem:s16+$0x6200];
	_ =	sdelay $0x4  }
0x113: {  	v14 =	vshrl.u32 v13, $0x18  }
0x114: {  	v13 =	vshrl.u32 v13, $0x10;
	vm1 =	veq.s32 v14, v12  }
0x115: {  	v13 =	vand.u32 $0xFF, v13;
	_ =	sdelay $0x4  }
0x116: {  	[tilespmem:v13+s22+$0x0] =	vst.idx.add.s32.msk vm1, v5  }
0x117: {  	v13 =	vld [tilespmem:s16+$0x6210];
	_ =	sdelay $0x4  }
0x118: {  	v14 =	vshrl.u32 v13, $0x18  }
0x119: {  	v13 =	vshrl.u32 v13, $0x10;
	vm1 =	veq.s32 v14, v12  }
0x11a: {  	p1 =	sne.s32 s12, $0xC300;
	v13 =	vand.u32 $0xFF, v13  }
.Ltmp7:
0x11b: {  	_ = 	snop;
	(pc) =	sbr.rel @p1 .LBB2_12-.Ltmp7, $2  }
0x11c: {  	_ =	sdelay $0x2  }
0x11d: {  	s12 =	sadd.s32 $0x80, s12;
	[tilespmem:v13+s22+$0x0] =	vst.idx.add.s32.msk vm1, v5  }
0x11e: {  	[bflag:$0x0] =	sbarrier.arrive $0xFFFF  }
0x11f: {  	[spmem:s7] =	stream.strided.scatter [tilespmem:s22], [sflag:$0x2], $0x100, s23, s21, $0x38;
	[tilespmem:$0xF100] =	vst v63  }
0x120: {  	_ =	swait.ge [sflag:s24], $0x100  }
0x121: {  	[sflag:s24] =	ssyncset.done $0x0  }
0x122: {  	[sflag:s24] =	ssyncadd.s32 $0xFFFFFF00  }
0x123: {  	[bflag:$0x0] =	sbarrier.arrive $0xFFFF  }
0x124: {  	[tilespmem:s30], [sflag:$0x2] =	stream.linear.gather [spmem:s6], $0x80, $0x38;
	[tilespmem:$0xF100] =	vst v63  }
0x125: {  	_ = 	snop  }
0x126: {  	[tilespmem:s31], [sflag:$0x2] =	stream.linear.gather [spmem:s17], $0x80, $0x38;
	[tilespmem:$0xF100] =	vst v63  }
0x127: {  	_ =	swait.ge [sflag:s24], $0x100  }
0x128: {  	[sflag:s24] =	ssyncset.done $0x0  }
0x129: {  	s12 =	simm.s32 $0x9480;
	[sflag:s24] =	ssyncadd.s32 $0xFFFFFF00  }
0x12a: {  	[tilespmem:s12], [sflag:$0x2] =	stream.linear.gather [spmem:s8], $0x80, $0x38;
	[tilespmem:$0xF100] =	vst v63  }
0x12b: {  	s16 =	simm.s32 $0x9680  }
0x12c: {  	[tilespmem:s16], [sflag:$0x2] =	stream.linear.gather [spmem:s18], $0x80, $0x38;
	[tilespmem:$0xF100] =	vst v63  }
0x12d: {  	_ =	swait.ge [sflag:s24], $0x100  }
0x12e: {  	[sflag:s24] =	ssyncset.done $0x0  }
0x12f: {  	s16 =	simm.s32 $0x9500;
	[sflag:s24] =	ssyncadd.s32 $0xFFFFFF00  }
0x130: {  	[tilespmem:s16], [sflag:$0x2] =	stream.linear.gather [spmem:s9], $0x80, $0x38;
	[tilespmem:$0xF100] =	vst v63  }
0x131: {  	s16 =	simm.s32 $0x9700  }
0x132: {  	[tilespmem:s16], [sflag:$0x2] =	stream.linear.gather [spmem:s19], $0x80, $0x38;
	[tilespmem:$0xF100] =	vst v63  }
0x133: {  	_ =	swait.ge [sflag:s24], $0x100  }
0x134: {  	[sflag:s24] =	ssyncset.done $0x0  }
0x135: {  	[sflag:s24] =	ssyncadd.s32 $0xFFFFFF00  }
0x136: {  	[tilespmem:s2], [sflag:$0x2] =	stream.linear.gather [spmem:s10], $0x80, $0x38;
	[tilespmem:$0xF100] =	vst v63  }
0x137: {  	_ = 	snop  }
0x138: {  	[tilespmem:s0], [sflag:$0x2] =	stream.linear.gather [spmem:s20], $0x80, $0x38;
	[tilespmem:$0xF100] =	vst v63  }
0x139: {  	s12 =	simm.s32 $0x0;
	_ =	swait.ge [sflag:s24], $0x100  }
0x13a: {  	s28 =	sand.u32 $0x200, s12;
	s16 =	sand.u32 $0x70, s12;
	[sflag:s24] =	ssyncset.done $0x0  }
0x13b: {  	s16 =	sor.u32 s16, s28;
	[sflag:s24] =	ssyncadd.s32 $0xFFFFFF00  }
0x13c: {  	v13 =	vld [tilespmem:s16+$0x9400]  }
0x13d: {  	v14 =	vld [tilespmem:s16+$0x9480]  }
0x13e: {  	v15 =	vld [tilespmem:s16+$0x9500]  }
0x13f: {  	v16 =	vld [tilespmem:s16+$0x9580];
	_ =	sdelay $0x2  }
0x140: {  	v13 =	vadd.s32 v13, v14  }
0x141: {  	v13 =	vadd.s32 v15, v13  }
0x142: {  	v13 =	vadd.s32 v16, v13  }
0x143: {  	(xrf0) =	vadd.scan.msk.s32 $0xffff, v13;
	_ =	sdelay $0x5  }
0x144: {  	v13, _, _ =	vpop (xrf0)  }
0x145: {  	v14 =	vadd.s32 s12, v13  }
0x146: {  	s26 =	ssub.s32 $0x800, s26;
	v13 =	vxor.u32 $0x80000000, v14  }
0x147: {  	(xrf0) =	vmax.scan.msk.u32 $0xffff, v13;
	v13 =	vmov s26  }
0x148: {  	vm1 =	vlt.s32 v14, v13  }
0x149: {  	v14 =	vsel vm1, $0x1, v4  }
0x14a: {  	(xrf0) =	vadd.scan.msk.s32 $0xffff, v14;
	_ =	sdelay $0x3  }
0x14b: {  	s16 =	simm.s32 $0x10;
	s26 =	simm.s32 $0x40  }
0x14c: {  	s28 =	simm.s32 $0x20;
	s16 =	sand.u32 $0x70, s16;
	s29 =	sand.u32 $0x200, s26;
	v14, _, _ =	vpop (xrf0)  }
.LBB2_14:
0x14d: {  	p1 =	sne.s32 s28, $0xF0;
	s16 =	sor.u32 s16, s29;
	v15, _, _ =	vpop (xrf0);
	(v2sf) =	vpush v14, $0xF  }
0x14e: {  	v14 =	vld [tilespmem:s16+$0x9400];
	(v2sf) =	vpush v15, $0xF  }
0x14f: {  	v15 =	vld [tilespmem:s16+$0x9480]  }
0x150: {  	v16 =	vld [tilespmem:s16+$0x9500]  }
0x151: {  	v17 =	vld [tilespmem:s16+$0x9580];
	_ =	sdelay $0x2  }
0x152: {  	v14 =	vadd.s32 v14, v15  }
0x153: {  	v14 =	vadd.s32 v16, v14  }
0x154: {  	v14 =	vadd.s32 v17, v14  }
0x155: {  	(xrf0) =	vadd.scan.msk.s32 $0xffff, v14;
	_ =	sdelay $0x4  }
0x156: {  	s16 =	spop (v2sf)  }
0x157: {  	v14, _, _ =	vpop (xrf0);
	s16 =	sxor.u32 $0x80000000, s16;
	s29 =	spop (v2sf)  }
0x158: {  	v14 =	vadd.s32 s16, v14;
	s12 =	sadd.s32 s12, s29  }
0x159: {  	vm1 =	vlt.s32 v14, v13;
	v14 =	vxor.u32 $0x80000000, v14  }
0x15a: {  	v15 =	vsel vm1, $0x1, v4;
	(xrf0) =	vmax.scan.msk.u32 $0xffff, v14  }
0x15b: {  	(xrf0) =	vadd.scan.msk.s32 $0xffff, v15  }
.Ltmp8:
0x15c: {  	(pc) =	sbr.rel @p1 .LBB2_14-.Ltmp8, $3  }
0x15d: {  	_ =	sdelay $0x1  }
0x15e: {  	s26 =	sadd.s32 $0x40, s26  }
0x15f: {  	s16 =	sand.u32 $0x70, s28;
	s29 =	sand.u32 $0x200, s26;
	s28 =	sadd.s32 $0x10, s28;
	v14, _, _ =	vpop (xrf0)  }
0x160: {  	s16 =	sor.u32 s16, s29;
	(v2sf) =	vpush v14, $0xF  }
0x161: {  	v14 =	vld [tilespmem:s16+$0x9400]  }
0x162: {  	v15 =	vld [tilespmem:s16+$0x9480]  }
0x163: {  	v16 =	vld [tilespmem:s16+$0x9500]  }
0x164: {  	v17 =	vld [tilespmem:s16+$0x9580];
	_ =	sdelay $0x2  }
0x165: {  	v14 =	vadd.s32 v14, v15  }
0x166: {  	v14 =	vadd.s32 v16, v14  }
0x167: {  	v14 =	vadd.s32 v17, v14  }
0x168: {  	(xrf0) =	vadd.scan.msk.s32 $0xffff, v14;
	_ =	sdelay $0x4  }
0x169: {  	v14, _, _ =	vpop (xrf0);
	s26 =	spop (v2sf)  }
0x16a: {  	v15, _, _ =	vpop (xrf0);
	s16 =	sxor.u32 $0x80000000, s26  }
0x16b: {  	v15 =	vadd.s32 s16, v15  }
0x16c: {  	vm1 =	vlt.s32 v15, v13;
	v13 =	vxor.u32 $0x80000000, v15  }
0x16d: {  	v15 =	vsel vm1, $0x1, v4;
	(xrf0) =	vmax.scan.msk.u32 $0xffff, v13  }
0x16e: {  	(xrf0) =	vadd.scan.msk.s32 $0xffff, v15;
	_ =	sdelay $0x4  }
0x16f: {  	(v2sf) =	vpush v14, $0xF;
	v13, _, _ =	vpop (xrf0)  }
0x170: {  	v14, _, _ =	vpop (xrf0);
	(v2sf) =	vpush v13, $0xF  }
0x171: {  	(v2sf) =	vpush v14, $0xF;
	_ =	sdelay $0xc  }
0x172: {  	s28 =	spop (v2sf)  }
0x173: {  	s26 =	spop (v2sf)  }
0x174: {  	s12 =	sadd.s32 s12, s28;
	s29 =	spop (v2sf)  }
0x175: {  	s16 =	simm.s32 $0x40;
	s26 =	simm.s32 $0x0;
	s12 =	sadd.s32 s12, s29  }
.LBB2_16:
0x176: {  	p1 =	sne.s32 s16, $0xFC0;
	[tilespmem:s26+$0x9800] =	vst v6;
	s28 =	smov.u32 s16;
	s16 =	sadd.s32 $0x40, s16  }
.Ltmp9:
0x177: {  	[tilespmem:s26+$0x9C00] =	vst v7;
	(pc) =	sbr.rel @p1 .LBB2_16-.Ltmp9, $2  }
0x178: {  	_ =	sdelay $0x2  }
0x179: {  	s26 =	sshra.s32 s28, $0x2  }
0x17a: {  	[tilespmem:s26+$0x9800] =	vst v6  }
0x17b: {  	[tilespmem:s26+$0x9C00] =	vst v7;
	s16 =	simm.s32 $0x0  }
0x17c: {  	v14 =	vld [tilespmem:s16+$0x6200];
	_ =	sdelay $0x4  }
0x17d: {  	v15 =	vshrl.u32 v14, $0x10  }
0x17e: {  	v13 =	vmov s12;
	v16 =	vshrl.u32 v14, $0x18;
	v15 =	vand.u32 $0xFF, v15  }
0x17f: {  	vm1 =	veq.s32 v16, v12;
	vm2 =	vle.s32 v15, v13  }
0x180: {  	vm3 =	vlt.s32 v16, v12;
	vm1 =	vmand vm1, vm2  }
0x181: {  	vm1 =	vmor vm3, vm1  }
0x182: {  	v15 =	vmpcnt.ones.xlane vm1;
	_ =	sdelay $0x1  }
0x183: {  	v15 =	vxor.u32 $0x80000000, v15  }
0x184: {  	(xrf0) =	vmax.scan.msk.u32 $0xffff, v15;
	_ =	sdelay $0x1  }
0x185: {  	p2 =	por $0x0, $0x0  }
0x186: {  	v15 =	vlaneseq.u32 @!p2;
	_ =	sdelay $0x1  }
0x187: {  	s12 =	simm.s32 $0x0  }
0x188: {  	s26 =	simm.s32 $0x40;
	s28 =	smov.u32 s5;
	[tilespmem:s12+$0x9800] =	vst.msk @!p2 vm1, v14;
	v14 =	vadd.s32 @!p2 s5, v15;
	v15, _, _ =	vpop (xrf0)  }
.LBB2_18:
0x189: {  	s16 =	sshra.s32 s26, $0x2;
	s26 =	sadd.s32 $0x40, s26;
	[tilespmem:s12+$0x9C00] =	vst.msk @!p2 vm1, v14;
	(v2sf) =	vpush v15, $0xF  }
0x18a: {  	v14 =	vld [tilespmem:s16+$0x6200];
	p1 =	sne.s32 s26, $0xC380;
	_ =	sdelay $0x4  }
0x18b: {  	v15 =	vshrl.u32 v14, $0x10  }
0x18c: {  	v16 =	vshrl.u32 v14, $0x18;
	v15 =	vand.u32 $0xFF, v15  }
0x18d: {  	vm1 =	veq.s32 v16, v12;
	vm2 =	vle.s32 v15, v13  }
0x18e: {  	vm3 =	vlt.s32 v16, v12;
	vm1 =	vmand vm1, vm2  }
0x18f: {  	vm1 =	vmor vm3, vm1  }
0x190: {  	v15 =	vmpcnt.ones.xlane vm1;
	_ =	sdelay $0x1  }
0x191: {  	v15 =	vxor.u32 $0x80000000, v15  }
0x192: {  	(xrf0) =	vmax.scan.msk.u32 $0xffff, v15  }
0x193: {  	s16 =	spop (v2sf)  }
.Ltmp10:
0x194: {  	s12 =	sadd.s32 s16, s12;
	(pc) =	sbr.rel @p1 .LBB2_18-.Ltmp10, $4  }
0x195: {  	s12 =	sadd.s32 $0x80000000, s12  }
0x196: {  	p2 =	sgt.s32 s12, $0x3F0  }
0x197: {  	s28 =	sadd.s32 $0x10, s28;
	v16 =	vlaneseq.u32 @!p2;
	[tilespmem:s12+$0x9800] =	vst.msk @!p2 vm1, v14  }
0x198: {  	v14 =	vadd.s32 @!p2 s28, v16;
	v15, _, _ =	vpop (xrf0)  }
0x199: {  	(v2sf) =	vpush v15, $0xF;
	_ =	sdelay $0xc  }
0x19a: {  	[tilespmem:s12+$0x9C00] =	vst.msk @!p2 vm1, v14;
	s12 =	rddreg [dreg:$0x6];
	s16 =	simm.s32 $0x9800  }
0x19b: {  	[spmem:s12] =	stream.strided.scatter [tilespmem:s16], [sflag:$0x2], $0x400, s23, s21, $0x38;
	[tilespmem:$0xF100] =	vst v63  }
0x19c: {  	s26 =	spop (v2sf)  }
0x19d: {  	_ =	swait.ge [sflag:s24], $0x400  }
0x19e: {  	[sflag:s24] =	ssyncset.done $0x0  }
0x19f: {  	s29 =	simm.s32 $0x9C00;
	s28 =	rddreg [dreg:$0x7];
	[sflag:s24] =	ssyncadd.s32 $0xFFFFFC00  }
0x1a0: {  	[spmem:s28] =	stream.strided.scatter [tilespmem:s29], [sflag:$0x2], $0x400, s23, s21, $0x38;
	[tilespmem:$0xF100] =	vst v63  }
.Ltmp11:
0x1a1: {  	_ =	swait.ge [sflag:s24], $0x400;
	(pc) =	sbr.rel @p0 .LBB2_45-.Ltmp11, $3  }
0x1a2: {  	[sflag:s24] =	ssyncset.done $0x0  }
0x1a3: {  	[sflag:s24] =	ssyncadd.s32 $0xFFFFFC00  }
0x1a4: {  	[bflag:$0x0] =	sbarrier.arrive $0xFFFF;
	_ =	sdelay $0x1  }
0x1a5: {  	s12 =	rddreg [dreg:$0x8]  }
0x1a6: {  	[tilespmem:s15], [sflag:$0x2] =	stream.strided.gather [spmem:s12], $0x1000, s23, s21, $0x38;
	[tilespmem:$0xF100] =	vst v63  }
0x1a7: {  	_ =	swait.ge [sflag:s24], $0x1000  }
0x1a8: {  	[sflag:s24] =	ssyncset.done $0x0  }
0x1a9: {  	s29 =	rddreg [dreg:$0x9];
	[sflag:s24] =	ssyncadd.s32 $0xFFFFF000  }
0x1aa: {  	[tilespmem:s13], [sflag:$0x2] =	stream.strided.gather [spmem:s29], $0x1000, s23, s21, $0x38;
	[tilespmem:$0xF100] =	vst v63  }
0x1ab: {  	_ =	swait.ge [sflag:s24], $0x1000  }
0x1ac: {  	s16 =	simm.s32 $0x0;
	[sflag:s24] =	ssyncset.done $0x0  }
0x1ad: {  	s26 =	simm.s32 $0x0;
	s12 =	simm.s32 $0x40;
	[sflag:s24] =	ssyncadd.s32 $0xFFFFF000  }
.LBB2_21:
0x1ae: {  	p1 =	sne.s32 s12, $0x1FC0;
	[tilespmem:s26+$0xE000] =	vst v4;
	s26 =	smov.u32 s12;
	s12 =	sadd.s32 $0x40, s12  }
.Ltmp12:
0x1af: {  	(pc) =	sbr.rel @p1 .LBB2_21-.Ltmp12, $2  }
0x1b0: {  	_ =	sdelay $0x2  }
0x1b1: {  	s26 =	sshra.s32 s26, $0x2  }
0x1b2: {  	[tilespmem:s26+$0xE000] =	vst v4  }
.LBB2_23:
0x1b3: {  	s12 =	sshra.s32 s16, $0x2  }
0x1b4: {  	v12 =	vld [tilespmem:s12+$0xA000];
	_ =	sdelay $0x4  }
0x1b5: {  	v12 =	vand.u32 $0x7FF, v12;
	_ =	sdelay $0x4  }
0x1b6: {  	[tilespmem:v12+s14+$0x0] =	vst.idx.add.s32.msk $0xffff, v5  }
0x1b7: {  	v12 =	vld [tilespmem:s12+$0xA010];
	_ =	sdelay $0x4  }
0x1b8: {  	p1 =	sne.s32 s16, $0x3F80;
	v12 =	vand.u32 $0x7FF, v12  }
.Ltmp13:
0x1b9: {  	_ = 	snop;
	(pc) =	sbr.rel @p1 .LBB2_23-.Ltmp13, $2  }
0x1ba: {  	_ =	sdelay $0x2  }
0x1bb: {  	s16 =	sadd.s32 $0x80, s16;
	s12 =	simm.s32 $0x0;
	[tilespmem:v12+s14+$0x0] =	vst.idx.add.s32.msk $0xffff, v5  }
0x1bc: {  	s16 =	sshra.s32 s12, $0x2  }
0x1bd: {  	v12 =	vld [tilespmem:s16+$0xE000];
	_ =	sdelay $0x4  }
0x1be: {  	(xrf0) =	vadd.scan.msk.s32 $0xffff, v12;
	_ =	sdelay $0x5  }
0x1bf: {  	v13, _, _ =	vpop (xrf0)  }
0x1c0: {  	v14 =	vxor.u32 $0x80000000, v13  }
0x1c1: {  	(xrf0) =	vmax.scan.msk.u32 $0xffff, v14;
	_ =	sdelay $0x4  }
0x1c2: {  	v12 =	vsub.s32 s12, v12  }
0x1c3: {  	s28 =	sadd.s32 $0x40, s12;
	v12 =	vadd.s32 v13, v12;
	v63, _, _ =	vpop (xrf0)  }
0x1c4: {  	s26 =	sshra.s32 s28, $0x2;
	s28 =	sadd.s32 $0x40, s28;
	[tilespmem:s16+$0xE000] =	vst v12;
	(v2sf) =	vpush v63, $0xF  }
.LBB2_25:
0x1c5: {  	p1 =	sne.s32 s28, $0x1FC0;
	v12 =	vld [tilespmem:s26+$0xE000];
	_ =	sdelay $0x4  }
0x1c6: {  	(xrf0) =	vadd.scan.msk.s32 $0xffff, v12;
	_ =	sdelay $0x5  }
0x1c7: {  	v13, _, _ =	vpop (xrf0)  }
0x1c8: {  	v14 =	vxor.u32 $0x80000000, v13  }
0x1c9: {  	(xrf0) =	vmax.scan.msk.u32 $0xffff, v14  }
0x1ca: {  	s16 =	spop (v2sf)  }
0x1cb: {  	s12 =	sadd.s32 s16, s12  }
.Ltmp14:
0x1cc: {  	s12 =	sadd.s32 $0x80000000, s12;
	(pc) =	sbr.rel @p1 .LBB2_25-.Ltmp14, $4  }
0x1cd: {  	v14 =	vsub.s32 s12, v12  }
0x1ce: {  	v13 =	vadd.s32 v13, v14  }
0x1cf: {  	[tilespmem:s26+$0xE000] =	vst v13;
	v12, _, _ =	vpop (xrf0)  }
0x1d0: {  	s26 =	sshra.s32 s28, $0x2;
	s28 =	sadd.s32 $0x40, s28;
	(v2sf) =	vpush v12, $0xF  }
0x1d1: {  	_ =	sdelay $0x5  }
0x1d2: {  	v12 =	vld [tilespmem:s26+$0xE000];
	_ =	sdelay $0x4  }
0x1d3: {  	(xrf0) =	vadd.scan.msk.s32 $0xffff, v12;
	_ =	sdelay $0x2  }
0x1d4: {  	s16 =	spop (v2sf)  }
0x1d5: {  	s12 =	sadd.s32 s16, s12  }
0x1d6: {  	s12 =	sadd.s32 $0x80000000, s12  }
0x1d7: {  	v13, _, _ =	vpop (xrf0);
	v12 =	vsub.s32 s12, v12  }
0x1d8: {  	v12 =	vadd.s32 v13, v12  }
0x1d9: {  	s28 =	simm.s32 $0x0;
	[tilespmem:s26+$0xE000] =	vst v12  }
0x1da: {  	v14 =	vld [tilespmem:s28+$0xA000];
	_ =	sdelay $0x4  }
0x1db: {  	v12 =	vand.u32 $0x7FF, v14  }
0x1dc: {  	v15 =	vshll.u32 v12, $0x4  }
0x1dd: {  	v15 =	vor.u32 v9, v15  }
0x1de: {  	(xrf1) =	vsort.ascd.msk.u32 $0xffff, v15, v12;
	_ =	sdelay $0xc  }
0x1df: {  	v12 =	vxor.u32 $0x80000000, v13  }
0x1e0: {  	(xrf0) =	vmax.scan.msk.u32 $0xffff, v12;
	v13, _, _ =	vpop (xrf1)  }
0x1e1: {  	v12 =	vshrl.u32 v13, $0x4  }
0x1e2: {  	v15 =	vxor.u32 $0x8000000, v12  }
0x1e3: {  	v16 =	vperm.xlane v15, v10  }
0x1e4: {  	v12 =	vand.u32 $0x7F, v12;
	v17 =	vand.u32 $0xFFFFF80, v15  }
0x1e5: {  	v12 =	vor.u32 v12, v17;
	vm1 =	veq.s32 v15, v16  }
0x1e6: {  	v61, _, _ =	vpop (xrf0);
	v62 =	vsel vm1, $0x80000000, v9  }
0x1e7: {  	(v2sf) =	vpush v61, $0xF;
	(xrf0) =	vmax.scan.msk.u32 $0xffff, v62;
	_ =	sdelay $0x2  }
0x1e8: {  	v63 =	vld.idx.msk [tilespmem:v12+s14+$0x0], $0xffff;
	_ =	sdelay $0x2  }
0x1e9: {  	v17, _, _ =	vpop (xrf0)  }
0x1ea: {  	v17 =	vxor.u32 $0x80000000, v17  }
0x1eb: {  	v18 =	vld [tilespmem:s28+$0xB000];
	v19 =	vperm.xlane v15, v8;
	v16 =	vsub.s32 v63, v17  }
0x1ec: {  	v16 =	vadd.s32 v0, v16  }
0x1ed: {  	vm1 =	vne.s32 v15, v19  }
0x1ee: {  	v13 =	vand.u32 $0xF, v13;
	vm1 =	vmor vm1, vm0  }
0x1ef: {  	v14 =	vperm.xlane v14, v13  }
0x1f0: {  	v18 =	vperm.xlane v18, v13  }
0x1f1: {  	[tilespmem:v16+s3+$0x0] =	vst.idx.msk $0xffff, v14  }
0x1f2: {  	s12 =	simm.s32 $0x40;
	s26 =	simm.s32 $0x80;
	s29 =	spop (v2sf);
	v13 =	vsub.s32 v11, v17;
	[tilespmem:v16+s25+$0x0] =	vst.idx.msk $0xffff, v18  }
.LBB2_27:
0x1f3: {  	p1 =	sne.s32 s26, $0x3FC0  }
0x1f4: {  	s28 =	sshra.s32 s12, $0x2;
	[tilespmem:v12+s14+$0x0] =	vst.idx.add.s32.msk vm1, v13;
	s12 =	smov.u32 s26;
	s26 =	sadd.s32 $0x40, s26  }
0x1f5: {  	v12 =	vld [tilespmem:s28+$0xA000];
	_ =	sdelay $0x4  }
0x1f6: {  	v13 =	vand.u32 $0x7FF, v12  }
0x1f7: {  	v14 =	vshll.u32 v13, $0x4  }
0x1f8: {  	v14 =	vor.u32 v9, v14  }
0x1f9: {  	(xrf1) =	vsort.ascd.msk.u32 $0xffff, v14, v13;
	_ =	sdelay $0xd  }
0x1fa: {  	v13, _, _ =	vpop (xrf1)  }
0x1fb: {  	v14 =	vshrl.u32 v13, $0x4;
	v13 =	vand.u32 $0xF, v13  }
0x1fc: {  	v15 =	vxor.u32 $0x8000000, v14;
	v16 =	vperm.xlane v12, v13  }
0x1fd: {  	v14 =	vand.u32 $0x7F, v14;
	v17 =	vperm.xlane v15, v10;
	v12 =	vand.u32 $0xFFFFF80, v15  }
0x1fe: {  	v18 =	vperm.xlane v15, v8;
	v12 =	vor.u32 v14, v12  }
0x1ff: {  	vm1 =	veq.s32 v15, v17  }
0x200: {  	vm2 =	vne.s32 v15, v18;
	v14 =	vsel vm1, $0x80000000, v9  }
0x201: {  	(xrf0) =	vmax.scan.msk.u32 $0xffff, v14;
	_ =	sdelay $0x1  }
0x202: {  	v14 =	vld.idx.msk [tilespmem:v12+s14+$0x0], $0xffff;
	_ =	sdelay $0x3  }
0x203: {  	v15, _, _ =	vpop (xrf0)  }
0x204: {  	v15 =	vxor.u32 $0x80000000, v15  }
0x205: {  	v17 =	vld [tilespmem:s28+$0xB000];
	v14 =	vsub.s32 v14, v15  }
0x206: {  	v14 =	vadd.s32 v0, v14  }
0x207: {  	vm1 =	vmor vm2, vm0  }
.Ltmp15:
0x208: {  	(pc) =	sbr.rel @p1 .LBB2_27-.Ltmp15, $4  }
0x209: {  	_ = 	snop  }
0x20a: {  	v17 =	vperm.xlane v17, v13  }
0x20b: {  	[tilespmem:v14+s3+$0x0] =	vst.idx.msk $0xffff, v16  }
0x20c: {  	v13 =	vsub.s32 v11, v15;
	[tilespmem:v14+s25+$0x0] =	vst.idx.msk $0xffff, v17  }
0x20d: {  	_ =	sdelay $0x4  }
0x20e: {  	s12 =	sshra.s32 s12, $0x2;
	[tilespmem:v12+s14+$0x0] =	vst.idx.add.s32.msk vm1, v13  }
0x20f: {  	v12 =	vld [tilespmem:s12+$0xA000];
	_ =	sdelay $0x4  }
0x210: {  	v58 =	vand.u32 $0x7FF, v12  }
0x211: {  	v14 =	vshll.u32 v58, $0x4  }
0x212: {  	v14 =	vor.u32 v9, v14  }
0x213: {  	(xrf1) =	vsort.ascd.msk.u32 $0xffff, v14, v58;
	_ =	sdelay $0xd  }
0x214: {  	v13, _, _ =	vpop (xrf1)  }
0x215: {  	v59 =	vshrl.u32 v13, $0x4  }
0x216: {  	v15 =	vxor.u32 $0x8000000, v59  }
0x217: {  	v16 =	vperm.xlane v15, v10  }
0x218: {  	v14 =	vand.u32 $0x7F, v59;
	v17 =	vand.u32 $0xFFFFF80, v15  }
0x219: {  	v14 =	vor.u32 v14, v17;
	vm1 =	veq.s32 v15, v16  }
0x21a: {  	v16 =	vsel vm1, $0x80000000, v9  }
0x21b: {  	(xrf0) =	vmax.scan.msk.u32 $0xffff, v16;
	_ =	sdelay $0x2  }
0x21c: {  	v60 =	vld.idx.msk [tilespmem:v14+s14+$0x0], $0xffff;
	_ =	sdelay $0x2  }
0x21d: {  	v61, _, _ =	vpop (xrf0)  }
0x21e: {  	v18 =	vperm.xlane v15, v8;
	v17 =	vxor.u32 $0x80000000, v61  }
0x21f: {  	v19 =	vld [tilespmem:s12+$0xB000];
	v16 =	vsub.s32 v60, v17  }
0x220: {  	vm1 =	vne.s32 v15, v18;
	v62 =	vadd.s32 v0, v16  }
0x221: {  	vm1 =	vmor vm1, vm0  }
0x222: {  	p1 =	por $0x1, $0x1;
	v13 =	vand.u32 $0xF, v13  }
.Ltmp16:
0x223: {  	v12 =	vperm.xlane v12, v13;
	(pc) =	sbr.rel @!p1 .LBB2_30-.Ltmp16, $4  }
0x224: {  	v13 =	vperm.xlane v19, v13  }
0x225: {  	[tilespmem:v62+s3+$0x0] =	vst.idx.msk $0xffff, v12  }
0x226: {  	v63 =	vsub.s32 v11, v17;
	[tilespmem:v62+s25+$0x0] =	vst.idx.msk $0xffff, v13  }
0x227: {  	s26 =	simm.s32 $0x0;
	s16 =	simm.s32 $0x0;
	s12 =	simm.s32 $0x40;
	[tilespmem:v14+s14+$0x0] =	vst.idx.add.s32.msk vm1, v63  }
.LBB2_29:
0x228: {  	p1 =	sne.s32 s12, $0x1FC0;
	[tilespmem:s16+$0xE000] =	vst v4;
	s16 =	smov.u32 s12;
	s12 =	sadd.s32 $0x40, s12  }
.Ltmp17:
0x229: {  	(pc) =	sbr.rel @p1 .LBB2_29-.Ltmp17, $2  }
0x22a: {  	_ =	sdelay $0x2  }
0x22b: {  	s16 =	sshra.s32 s16, $0x2  }
.LBB2_30:
0x22c: {  	[tilespmem:s16+$0xE000] =	vst v4  }
.LBB2_31:
0x22d: {  	s12 =	sshra.s32 s26, $0x2  }
0x22e: {  	v12 =	vld [tilespmem:s12+$0xC000];
	_ =	sdelay $0x4  }
0x22f: {  	v12 =	vshrl.u32 v12, $0xB  }
0x230: {  	v12 =	vand.u32 $0x7FF, v12;
	_ =	sdelay $0x4  }
0x231: {  	[tilespmem:v12+s14+$0x0] =	vst.idx.add.s32.msk $0xffff, v5  }
0x232: {  	v12 =	vld [tilespmem:s12+$0xC010];
	_ =	sdelay $0x4  }
0x233: {  	v12 =	vshrl.u32 v12, $0xB  }
0x234: {  	p1 =	sne.s32 s26, $0x3F80;
	v12 =	vand.u32 $0x7FF, v12  }
.Ltmp18:
0x235: {  	_ = 	snop;
	(pc) =	sbr.rel @p1 .LBB2_31-.Ltmp18, $2  }
0x236: {  	_ =	sdelay $0x2  }
0x237: {  	s26 =	sadd.s32 $0x80, s26;
	s12 =	simm.s32 $0x0;
	[tilespmem:v12+s14+$0x0] =	vst.idx.add.s32.msk $0xffff, v5  }
0x238: {  	s16 =	sshra.s32 s12, $0x2  }
0x239: {  	v12 =	vld [tilespmem:s16+$0xE000];
	_ =	sdelay $0x4  }
0x23a: {  	(xrf0) =	vadd.scan.msk.s32 $0xffff, v12;
	_ =	sdelay $0x5  }
0x23b: {  	v13, _, _ =	vpop (xrf0)  }
0x23c: {  	v14 =	vxor.u32 $0x80000000, v13  }
0x23d: {  	(xrf0) =	vmax.scan.msk.u32 $0xffff, v14;
	_ =	sdelay $0x4  }
0x23e: {  	v12 =	vsub.s32 s12, v12  }
0x23f: {  	s28 =	sadd.s32 $0x40, s12;
	v12 =	vadd.s32 v13, v12;
	v63, _, _ =	vpop (xrf0)  }
0x240: {  	s26 =	sshra.s32 s28, $0x2;
	s28 =	sadd.s32 $0x40, s28;
	[tilespmem:s16+$0xE000] =	vst v12;
	(v2sf) =	vpush v63, $0xF  }
.LBB2_33:
0x241: {  	p1 =	sne.s32 s28, $0x1FC0;
	v12 =	vld [tilespmem:s26+$0xE000];
	_ =	sdelay $0x4  }
0x242: {  	(xrf0) =	vadd.scan.msk.s32 $0xffff, v12;
	_ =	sdelay $0x5  }
0x243: {  	v13, _, _ =	vpop (xrf0)  }
0x244: {  	v14 =	vxor.u32 $0x80000000, v13  }
0x245: {  	(xrf0) =	vmax.scan.msk.u32 $0xffff, v14  }
0x246: {  	s16 =	spop (v2sf)  }
0x247: {  	s12 =	sadd.s32 s16, s12  }
.Ltmp19:
0x248: {  	s12 =	sadd.s32 $0x80000000, s12;
	(pc) =	sbr.rel @p1 .LBB2_33-.Ltmp19, $4  }
0x249: {  	v14 =	vsub.s32 s12, v12  }
0x24a: {  	v13 =	vadd.s32 v13, v14  }
0x24b: {  	[tilespmem:s26+$0xE000] =	vst v13;
	v12, _, _ =	vpop (xrf0)  }
0x24c: {  	s26 =	sshra.s32 s28, $0x2;
	s28 =	sadd.s32 $0x40, s28;
	(v2sf) =	vpush v12, $0xF  }
0x24d: {  	_ =	sdelay $0x5  }
0x24e: {  	v12 =	vld [tilespmem:s26+$0xE000];
	_ =	sdelay $0x4  }
0x24f: {  	(xrf0) =	vadd.scan.msk.s32 $0xffff, v12;
	_ =	sdelay $0x2  }
0x250: {  	s16 =	spop (v2sf)  }
0x251: {  	s12 =	sadd.s32 s16, s12  }
0x252: {  	s12 =	sadd.s32 $0x80000000, s12  }
0x253: {  	v13, _, _ =	vpop (xrf0);
	v12 =	vsub.s32 s12, v12  }
0x254: {  	v12 =	vadd.s32 v13, v12  }
0x255: {  	s28 =	simm.s32 $0x0;
	[tilespmem:s26+$0xE000] =	vst v12  }
0x256: {  	v14 =	vld [tilespmem:s28+$0xC000];
	_ =	sdelay $0x4  }
0x257: {  	v12 =	vshrl.u32 v14, $0xB  }
0x258: {  	v12 =	vand.u32 $0x7FF, v12  }
0x259: {  	v15 =	vshll.u32 v12, $0x4  }
0x25a: {  	v15 =	vor.u32 v9, v15  }
0x25b: {  	(xrf1) =	vsort.ascd.msk.u32 $0xffff, v15, v12;
	_ =	sdelay $0xc  }
0x25c: {  	v12 =	vxor.u32 $0x80000000, v13  }
0x25d: {  	(xrf0) =	vmax.scan.msk.u32 $0xffff, v12;
	v13, _, _ =	vpop (xrf1)  }
0x25e: {  	v12 =	vshrl.u32 v13, $0x4  }
0x25f: {  	v15 =	vxor.u32 $0x8000000, v12  }
0x260: {  	v16 =	vperm.xlane v15, v10  }
0x261: {  	v12 =	vand.u32 $0x7F, v12;
	v17 =	vand.u32 $0xFFFFF80, v15  }
0x262: {  	v12 =	vor.u32 v12, v17;
	vm1 =	veq.s32 v15, v16  }
0x263: {  	v61, _, _ =	vpop (xrf0);
	v62 =	vsel vm1, $0x80000000, v9  }
0x264: {  	(v2sf) =	vpush v61, $0xF;
	(xrf0) =	vmax.scan.msk.u32 $0xffff, v62;
	_ =	sdelay $0x2  }
0x265: {  	v63 =	vld.idx.msk [tilespmem:v12+s14+$0x0], $0xffff;
	_ =	sdelay $0x2  }
0x266: {  	v17, _, _ =	vpop (xrf0)  }
0x267: {  	v17 =	vxor.u32 $0x80000000, v17  }
0x268: {  	v18 =	vld [tilespmem:s28+$0xD000];
	v19 =	vperm.xlane v15, v8;
	v16 =	vsub.s32 v63, v17  }
0x269: {  	v16 =	vadd.s32 v0, v16  }
0x26a: {  	vm1 =	vne.s32 v15, v19  }
0x26b: {  	v13 =	vand.u32 $0xF, v13;
	vm1 =	vmor vm1, vm0  }
0x26c: {  	v14 =	vperm.xlane v14, v13  }
0x26d: {  	v18 =	vperm.xlane v18, v13  }
0x26e: {  	[tilespmem:v16+s15+$0x0] =	vst.idx.msk $0xffff, v14  }
0x26f: {  	s12 =	simm.s32 $0x40;
	s26 =	simm.s32 $0x80;
	s29 =	spop (v2sf);
	v13 =	vsub.s32 v11, v17;
	[tilespmem:v16+s13+$0x0] =	vst.idx.msk $0xffff, v18  }
.LBB2_35:
0x270: {  	p1 =	sne.s32 s26, $0x3FC0  }
0x271: {  	s28 =	sshra.s32 s12, $0x2;
	[tilespmem:v12+s14+$0x0] =	vst.idx.add.s32.msk vm1, v13;
	s12 =	smov.u32 s26;
	s26 =	sadd.s32 $0x40, s26  }
0x272: {  	v12 =	vld [tilespmem:s28+$0xC000];
	_ =	sdelay $0x4  }
0x273: {  	v13 =	vshrl.u32 v12, $0xB  }
0x274: {  	v13 =	vand.u32 $0x7FF, v13  }
0x275: {  	v14 =	vshll.u32 v13, $0x4  }
0x276: {  	v14 =	vor.u32 v9, v14  }
0x277: {  	(xrf1) =	vsort.ascd.msk.u32 $0xffff, v14, v13;
	_ =	sdelay $0xd  }
0x278: {  	v13, _, _ =	vpop (xrf1)  }
0x279: {  	v14 =	vshrl.u32 v13, $0x4;
	v13 =	vand.u32 $0xF, v13  }
0x27a: {  	v15 =	vxor.u32 $0x8000000, v14;
	v16 =	vperm.xlane v12, v13  }
0x27b: {  	v14 =	vand.u32 $0x7F, v14;
	v17 =	vperm.xlane v15, v10;
	v12 =	vand.u32 $0xFFFFF80, v15  }
0x27c: {  	v18 =	vperm.xlane v15, v8;
	v12 =	vor.u32 v14, v12  }
0x27d: {  	vm1 =	veq.s32 v15, v17  }
0x27e: {  	vm2 =	vne.s32 v15, v18;
	v14 =	vsel vm1, $0x80000000, v9  }
0x27f: {  	(xrf0) =	vmax.scan.msk.u32 $0xffff, v14;
	_ =	sdelay $0x1  }
0x280: {  	v14 =	vld.idx.msk [tilespmem:v12+s14+$0x0], $0xffff;
	_ =	sdelay $0x3  }
0x281: {  	v15, _, _ =	vpop (xrf0)  }
0x282: {  	v15 =	vxor.u32 $0x80000000, v15  }
0x283: {  	v17 =	vld [tilespmem:s28+$0xD000];
	v14 =	vsub.s32 v14, v15  }
0x284: {  	v14 =	vadd.s32 v0, v14  }
0x285: {  	vm1 =	vmor vm2, vm0  }
.Ltmp20:
0x286: {  	(pc) =	sbr.rel @p1 .LBB2_35-.Ltmp20, $4  }
0x287: {  	_ = 	snop  }
0x288: {  	v17 =	vperm.xlane v17, v13  }
0x289: {  	[tilespmem:v14+s15+$0x0] =	vst.idx.msk $0xffff, v16  }
0x28a: {  	v13 =	vsub.s32 v11, v15;
	[tilespmem:v14+s13+$0x0] =	vst.idx.msk $0xffff, v17  }
0x28b: {  	_ =	sdelay $0x4  }
0x28c: {  	s12 =	sshra.s32 s12, $0x2;
	[tilespmem:v12+s14+$0x0] =	vst.idx.add.s32.msk vm1, v13  }
0x28d: {  	v12 =	vld [tilespmem:s12+$0xC000];
	_ =	sdelay $0x4  }
0x28e: {  	v58 =	vshrl.u32 v12, $0xB  }
0x28f: {  	v13 =	vand.u32 $0x7FF, v58  }
0x290: {  	v14 =	vshll.u32 v13, $0x4  }
0x291: {  	v14 =	vor.u32 v9, v14  }
0x292: {  	(xrf1) =	vsort.ascd.msk.u32 $0xffff, v14, v13;
	_ =	sdelay $0xd  }
0x293: {  	v13, _, _ =	vpop (xrf1)  }
0x294: {  	v59 =	vshrl.u32 v13, $0x4  }
0x295: {  	v15 =	vxor.u32 $0x8000000, v59  }
0x296: {  	v16 =	vperm.xlane v15, v10  }
0x297: {  	v14 =	vand.u32 $0x7F, v59;
	v17 =	vand.u32 $0xFFFFF80, v15  }
0x298: {  	v14 =	vor.u32 v14, v17;
	vm1 =	veq.s32 v15, v16  }
0x299: {  	v16 =	vsel vm1, $0x80000000, v9  }
0x29a: {  	(xrf0) =	vmax.scan.msk.u32 $0xffff, v16;
	_ =	sdelay $0x2  }
0x29b: {  	v60 =	vld.idx.msk [tilespmem:v14+s14+$0x0], $0xffff;
	_ =	sdelay $0x2  }
0x29c: {  	v61, _, _ =	vpop (xrf0)  }
0x29d: {  	v18 =	vperm.xlane v15, v8;
	v17 =	vxor.u32 $0x80000000, v61  }
0x29e: {  	v19 =	vld [tilespmem:s12+$0xD000];
	v16 =	vsub.s32 v60, v17  }
0x29f: {  	vm1 =	vne.s32 v15, v18;
	v62 =	vadd.s32 v0, v16  }
0x2a0: {  	vm1 =	vmor vm1, vm0  }
0x2a1: {  	p1 =	por $0x1, $0x1;
	v13 =	vand.u32 $0xF, v13  }
.Ltmp21:
0x2a2: {  	v12 =	vperm.xlane v12, v13;
	(pc) =	sbr.rel @!p1 .LBB2_38-.Ltmp21, $4  }
0x2a3: {  	v13 =	vperm.xlane v19, v13  }
0x2a4: {  	[tilespmem:v62+s15+$0x0] =	vst.idx.msk $0xffff, v12  }
0x2a5: {  	v63 =	vsub.s32 v11, v17;
	[tilespmem:v62+s13+$0x0] =	vst.idx.msk $0xffff, v13  }
0x2a6: {  	s16 =	simm.s32 $0x0;
	s26 =	simm.s32 $0x0;
	s12 =	simm.s32 $0x40;
	[tilespmem:v14+s14+$0x0] =	vst.idx.add.s32.msk vm1, v63  }
.LBB2_37:
0x2a7: {  	p1 =	sne.s32 s12, $0x1FC0;
	[tilespmem:s26+$0xE000] =	vst v4;
	s26 =	smov.u32 s12;
	s12 =	sadd.s32 $0x40, s12  }
.Ltmp22:
0x2a8: {  	(pc) =	sbr.rel @p1 .LBB2_37-.Ltmp22, $2  }
0x2a9: {  	_ =	sdelay $0x2  }
0x2aa: {  	s26 =	sshra.s32 s26, $0x2  }
.LBB2_38:
0x2ab: {  	[tilespmem:s26+$0xE000] =	vst v4  }
.LBB2_39:
0x2ac: {  	s12 =	sshra.s32 s16, $0x2  }
0x2ad: {  	v12 =	vld [tilespmem:s12+$0xA000];
	_ =	sdelay $0x4  }
0x2ae: {  	v12 =	vshrl.u32 v12, $0x16;
	_ =	sdelay $0x4  }
0x2af: {  	[tilespmem:v12+s14+$0x0] =	vst.idx.add.s32.msk $0xffff, v5  }
0x2b0: {  	v12 =	vld [tilespmem:s12+$0xA010];
	_ =	sdelay $0x4  }
0x2b1: {  	p1 =	sne.s32 s16, $0x3F80;
	v12 =	vshrl.u32 v12, $0x16  }
.Ltmp23:
0x2b2: {  	_ = 	snop;
	(pc) =	sbr.rel @p1 .LBB2_39-.Ltmp23, $2  }
0x2b3: {  	_ =	sdelay $0x2  }
0x2b4: {  	s16 =	sadd.s32 $0x80, s16;
	s12 =	simm.s32 $0x0;
	[tilespmem:v12+s14+$0x0] =	vst.idx.add.s32.msk $0xffff, v5  }
0x2b5: {  	s16 =	sshra.s32 s12, $0x2  }
0x2b6: {  	v12 =	vld [tilespmem:s16+$0xE000];
	_ =	sdelay $0x4  }
0x2b7: {  	(xrf0) =	vadd.scan.msk.s32 $0xffff, v12;
	_ =	sdelay $0x5  }
0x2b8: {  	v13, _, _ =	vpop (xrf0)  }
0x2b9: {  	v14 =	vxor.u32 $0x80000000, v13  }
0x2ba: {  	(xrf0) =	vmax.scan.msk.u32 $0xffff, v14;
	_ =	sdelay $0x4  }
0x2bb: {  	v12 =	vsub.s32 s12, v12  }
0x2bc: {  	s28 =	sadd.s32 $0x40, s12;
	v12 =	vadd.s32 v13, v12;
	v63, _, _ =	vpop (xrf0)  }
0x2bd: {  	s26 =	sshra.s32 s28, $0x2;
	s28 =	sadd.s32 $0x40, s28;
	[tilespmem:s16+$0xE000] =	vst v12;
	(v2sf) =	vpush v63, $0xF  }
.LBB2_41:
0x2be: {  	p1 =	sne.s32 s28, $0x1FC0;
	v12 =	vld [tilespmem:s26+$0xE000];
	_ =	sdelay $0x4  }
0x2bf: {  	(xrf0) =	vadd.scan.msk.s32 $0xffff, v12;
	_ =	sdelay $0x5  }
0x2c0: {  	v13, _, _ =	vpop (xrf0)  }
0x2c1: {  	v14 =	vxor.u32 $0x80000000, v13  }
0x2c2: {  	(xrf0) =	vmax.scan.msk.u32 $0xffff, v14  }
0x2c3: {  	s16 =	spop (v2sf)  }
0x2c4: {  	s12 =	sadd.s32 s16, s12  }
.Ltmp24:
0x2c5: {  	s12 =	sadd.s32 $0x80000000, s12;
	(pc) =	sbr.rel @p1 .LBB2_41-.Ltmp24, $4  }
0x2c6: {  	v14 =	vsub.s32 s12, v12  }
0x2c7: {  	v13 =	vadd.s32 v13, v14  }
0x2c8: {  	[tilespmem:s26+$0xE000] =	vst v13;
	v12, _, _ =	vpop (xrf0)  }
0x2c9: {  	s26 =	sshra.s32 s28, $0x2;
	s28 =	sadd.s32 $0x40, s28;
	(v2sf) =	vpush v12, $0xF  }
0x2ca: {  	_ =	sdelay $0x5  }
0x2cb: {  	v12 =	vld [tilespmem:s26+$0xE000];
	_ =	sdelay $0x4  }
0x2cc: {  	(xrf0) =	vadd.scan.msk.s32 $0xffff, v12;
	_ =	sdelay $0x2  }
0x2cd: {  	s16 =	spop (v2sf)  }
0x2ce: {  	s12 =	sadd.s32 s16, s12  }
0x2cf: {  	s12 =	sadd.s32 $0x80000000, s12  }
0x2d0: {  	v13, _, _ =	vpop (xrf0);
	v12 =	vsub.s32 s12, v12  }
0x2d1: {  	v12 =	vadd.s32 v13, v12  }
0x2d2: {  	s28 =	simm.s32 $0x0;
	[tilespmem:s26+$0xE000] =	vst v12  }
0x2d3: {  	v14 =	vld [tilespmem:s28+$0xA000];
	_ =	sdelay $0x4  }
0x2d4: {  	v12 =	vshrl.u32 v14, $0x16  }
0x2d5: {  	v15 =	vshll.u32 v12, $0x4  }
0x2d6: {  	v15 =	vor.u32 v9, v15  }
0x2d7: {  	(xrf1) =	vsort.ascd.msk.u32 $0xffff, v15, v12;
	_ =	sdelay $0xc  }
0x2d8: {  	v12 =	vxor.u32 $0x80000000, v13  }
0x2d9: {  	(xrf0) =	vmax.scan.msk.u32 $0xffff, v12;
	v13, _, _ =	vpop (xrf1)  }
0x2da: {  	v12 =	vshrl.u32 v13, $0x4  }
0x2db: {  	v15 =	vxor.u32 $0x8000000, v12  }
0x2dc: {  	v16 =	vperm.xlane v15, v10  }
0x2dd: {  	v12 =	vand.u32 $0x7F, v12;
	v17 =	vand.u32 $0xFFFFF80, v15  }
0x2de: {  	v12 =	vor.u32 v12, v17;
	vm1 =	veq.s32 v15, v16  }
0x2df: {  	v61, _, _ =	vpop (xrf0);
	v62 =	vsel vm1, $0x80000000, v9  }
0x2e0: {  	(v2sf) =	vpush v61, $0xF;
	(xrf0) =	vmax.scan.msk.u32 $0xffff, v62;
	_ =	sdelay $0x2  }
0x2e1: {  	v63 =	vld.idx.msk [tilespmem:v12+s14+$0x0], $0xffff;
	_ =	sdelay $0x2  }
0x2e2: {  	v17, _, _ =	vpop (xrf0)  }
0x2e3: {  	v17 =	vxor.u32 $0x80000000, v17  }
0x2e4: {  	v18 =	vld [tilespmem:s28+$0xB000];
	v19 =	vperm.xlane v15, v8;
	v16 =	vsub.s32 v63, v17  }
0x2e5: {  	v16 =	vadd.s32 v0, v16  }
0x2e6: {  	vm1 =	vne.s32 v15, v19  }
0x2e7: {  	v13 =	vand.u32 $0xF, v13;
	vm1 =	vmor vm1, vm0  }
0x2e8: {  	v14 =	vperm.xlane v14, v13  }
0x2e9: {  	v18 =	vperm.xlane v18, v13  }
0x2ea: {  	[tilespmem:v16+s3+$0x0] =	vst.idx.msk $0xffff, v14  }
0x2eb: {  	s12 =	simm.s32 $0x40;
	s26 =	simm.s32 $0x80;
	s29 =	spop (v2sf);
	v13 =	vsub.s32 v11, v17;
	[tilespmem:v16+s25+$0x0] =	vst.idx.msk $0xffff, v18  }
.LBB2_43:
0x2ec: {  	p1 =	sne.s32 s26, $0x3FC0  }
0x2ed: {  	s28 =	sshra.s32 s12, $0x2;
	[tilespmem:v12+s14+$0x0] =	vst.idx.add.s32.msk vm1, v13;
	s12 =	smov.u32 s26;
	s26 =	sadd.s32 $0x40, s26  }
0x2ee: {  	v12 =	vld [tilespmem:s28+$0xA000];
	_ =	sdelay $0x4  }
0x2ef: {  	v13 =	vshrl.u32 v12, $0x16  }
0x2f0: {  	v14 =	vshll.u32 v13, $0x4  }
0x2f1: {  	v14 =	vor.u32 v9, v14  }
0x2f2: {  	(xrf1) =	vsort.ascd.msk.u32 $0xffff, v14, v13;
	_ =	sdelay $0xd  }
0x2f3: {  	v13, _, _ =	vpop (xrf1)  }
0x2f4: {  	v14 =	vshrl.u32 v13, $0x4;
	v13 =	vand.u32 $0xF, v13  }
0x2f5: {  	v15 =	vxor.u32 $0x8000000, v14;
	v16 =	vperm.xlane v12, v13  }
0x2f6: {  	v14 =	vand.u32 $0x7F, v14;
	v17 =	vperm.xlane v15, v10;
	v12 =	vand.u32 $0xFFFFF80, v15  }
0x2f7: {  	v18 =	vperm.xlane v15, v8;
	v12 =	vor.u32 v14, v12  }
0x2f8: {  	vm1 =	veq.s32 v15, v17  }
0x2f9: {  	vm2 =	vne.s32 v15, v18;
	v14 =	vsel vm1, $0x80000000, v9  }
0x2fa: {  	(xrf0) =	vmax.scan.msk.u32 $0xffff, v14;
	_ =	sdelay $0x1  }
0x2fb: {  	v14 =	vld.idx.msk [tilespmem:v12+s14+$0x0], $0xffff;
	_ =	sdelay $0x3  }
0x2fc: {  	v15, _, _ =	vpop (xrf0)  }
0x2fd: {  	v15 =	vxor.u32 $0x80000000, v15  }
0x2fe: {  	v17 =	vld [tilespmem:s28+$0xB000];
	v14 =	vsub.s32 v14, v15  }
0x2ff: {  	v14 =	vadd.s32 v0, v14  }
0x300: {  	vm1 =	vmor vm2, vm0  }
.Ltmp25:
0x301: {  	(pc) =	sbr.rel @p1 .LBB2_43-.Ltmp25, $4  }
0x302: {  	_ = 	snop  }
0x303: {  	v17 =	vperm.xlane v17, v13  }
0x304: {  	[tilespmem:v14+s3+$0x0] =	vst.idx.msk $0xffff, v16  }
0x305: {  	v13 =	vsub.s32 v11, v15;
	[tilespmem:v14+s25+$0x0] =	vst.idx.msk $0xffff, v17  }
.Ltmp26:
0x306: {  	_ = 	snop;
	(pc) =	sbr.rel .LBB2_44-.Ltmp26, $1  }
0x307: {  	_ =	sdelay $0x3  }
.LBB2_46:
0x308: {  	_ =	sfence.sel $0x180000  }
0x309: {  	[bflag:$0x0] =	sbarrier.arrive $0xFFFF  }
0x30a: {  	_ =	strace $0x90000047  }
0x30b: {  	s0 =	stileid.u32;
	[bflag:$0x2] =	sbarrier.arrive $0xFFFF  }
0x30c: {  	p0 =	sne.s32 s0, $0x0;
	s0 =	rddreg [dreg:$0x5]  }
0x30d: {  	s0 =	sadd.s32 @!p0 $0x100000, s0  }
0x30e: {  	[sflag:s0] =	ssyncadd.tile.s32 @!p0 $0x1;
	_ =	shalt  }
.Lfunc_end2:
_tile_overlayer_lowered:
.L_overlay_start_2:
0x30f: {  	(tag) =	ssettag $0x2  }
0x310: {  	s0 =	rddreg [dreg:$0x0];
	s2 =	stileid.u32  }
0x311: {  	s1 =	rddreg [dreg:$0x1];
	p0 =	sne.s32 s2, $0x0  }
0x312: {  	s3 =	rddreg [dreg:$0x2];
	[bflag:$0x3] =	sbarrier.arrive $0xFFFF;
	s2 =	simm.s32 @!p0 $0x1C02  }
0x313: {  	[timem:s3], [sflag:s2] =	dma.local @!p0 [hbm:s0], s1  }
0x314: {  	s0 =	simm.s32 @!p0 $0x2  }
0x315: {  	_ =	swait.ge @!p0 [sflag:s0], s1  }
0x316: {  	s1 =	ssub.s32 @!p0 $0x0, s1;
	[sflag:s0] =	ssyncset.done @!p0 $0x0  }
0x317: {  	[sflag:s0] =	ssyncadd.s32 @!p0 s1  }
0x318: {  	[bflag:$0x3] =	sbarrier.arrive $0xFFFF  }
0x319: {  	_ =	shalt  }

// kernel: kernel.7.cloned.1.call-start
scs
__scs_entry_jumppad:
0x0: {  	(pc) =	sbr.rel $0x88, $3  }
0x1: {  	(tag) =	ssettag $0x0;
	lr =	simm.s32 $0x1  }
0x2: {  	[smem:$0x3FA0] =	sst lr;
	_ =	strace $0xD0000000  }
0x3: {  	_ = 	snop  }
0x4: {  	_ = 	snop  }
0x5: {  	_ = 	snop  }
0x6: {  	_ = 	snop  }
0x7: {  	_ = 	snop  }
__scs_overlays_trampoline_lowered:
0x8: {  	[smem:$0x3FAF] =	sst s0  }
0x9: {  	[smem:$0x3FB0] =	sst s1  }
0xa: {  	[smem:$0x3FB1] =	sst s2  }
0xb: {  	[smem:$0x3FB2] =	sst s3  }
0xc: {  	[smem:$0x3FB3] =	sst s4  }
0xd: {  	[smem:$0x3FB4] =	sst s5  }
0xe: {  	[smem:$0x3FB5] =	sst s6  }
0xf: {  	[smem:$0x3FB6] =	sst s7  }
0x10: {  	[smem:$0x3FB7] =	sst s8  }
0x11: {  	[smem:$0x3FB8] =	sst s9;
	s0 =	simm.s32 @!p0 $0x0  }
0x12: {  	s1 =	sld [smem:$0x3F9E];
	s0 =	simm.s32 @p0 $0x1  }
0x13: {  	[smem:$0x3FB9] =	sst s0;
	s0 =	simm.s32 @!p1 $0x0  }
0x14: {  	s2 =	sld [smem:$0x3F9D];
	s0 =	simm.s32 @p1 $0x1  }
0x15: {  	[smem:$0x3FBA] =	sst s0;
	s0 =	simm.s32 @!p2 $0x0  }
0x16: {  	s3 =	sld [smem:$0x3FDB];
	s0 =	simm.s32 @p2 $0x1  }
0x17: {  	s4 =	simm.s32 $0x1BF5;
	[smem:$0x3FBC] =	sst s0  }
0x18: {  	s0 =	sld [smem:$0x3F9F];
	_ =	swait.ge [sflag:s4], $0x0  }
0x19: {  	s7 =	sld [smem:$0x3FA0]  }
0x1a: {  	s8 =	sadd.s32 $0xFFFFE003, lr  }
0x1b: {  	s9 =	sadd.s32 $0xFFFFFEF7, lr;
	s5 =	simm.s32 $0xFFFFFFFF;
	p2 =	slt.u32 s8, $0xFFFFF086  }
0x1c: {  	p1 =	slt.u32 s9, $0xF7A;
	s5 =	simm.s32 @!p2 $0x0  }
0x1d: {  	s5 =	simm.s32 @p1 $0x1;
	p0 =	seq.s32 s7, s2  }
0x1e: {  	s7 =	smul.u32 @!p0 $0xF7A, s2;
	p2 =	seq.s32 @!p0 s5, $0x0  }
0x1f: {  	s9 =	smul.u32 $0xF7A, s1;
	s8 =	simm.s32 @!p0 $0x1BF5;
	p2 =	por !p2, p0  }
0x20: {  	[sflag:s8] =	ssyncset.s32 @!p0 $0xFFFFF086;
	s6 =	sadd.s32 @!p0 s3, s7;
	s7 =	simm.s32 @!p0 $0x108  }
0x21: {  	s3 =	sadd.s32 s3, s9;
	s6 =	sadd.s32 @!p0 $0x88, s6;
	s7 =	simm.s32 @p2 $0x1082  }
0x22: {  	[simem:s7], [sflag:s8] =	dma.local @!p0 [hbm:s6], $0xF7A  }
0x23: {  	s9 =	sor.u32 $0xD0000000, s2;
	s6 =	simm.s32 $0x108;
	_ =	swait.ge @!p0 [sflag:s8], $0x0  }
0x24: {  	s3 =	sadd.s32 $0x88, s3;
	s6 =	simm.s32 @!p1 $0x1082;
	[sflag:s4] =	ssyncset.s32 $0xFFFFF086  }
0x25: {  	[simem:s6], [sflag:s4] =	dma.local [hbm:s3], $0xF7A  }
0x26: {  	[smem:$0x3FA0] =	sst s1;
	(tag) =	ssettag s2;
	_ =	strace s9  }
0x27: {  	s1 =	sld [smem:$0x3FB0]  }
0x28: {  	s2 =	sld [smem:$0x3FB1]  }
0x29: {  	s4 =	sld [smem:$0x3FB3]  }
0x2a: {  	p0 =	seq.s32 s5, $0x0;
	s5 =	sld [smem:$0x3FB4]  }
0x2b: {  	s6 =	sld [smem:$0x3FB5]  }
0x2c: {  	s7 =	sld [smem:$0x3FB6]  }
0x2d: {  	s3 =	simm.s32 $0x108;
	s8 =	sld [smem:$0x3FB7]  }
0x2e: {  	s3 =	simm.s32 @!p0 $0x1082;
	s9 =	sld [smem:$0x3FB8]  }
0x2f: {  	lr =	sadd.s32 s0, s3;
	s0 =	sld [smem:$0x3FAF]  }
0x30: {  	s3 =	sld [smem:$0x3FB2]  }
0x31: {  	[smem:$0x3FBB] =	sst s10  }
0x32: {  	s10 =	sld [smem:$0x3FB9];
	_ =	sdelay $0x3  }
0x33: {  	p0 =	seq.s32 s10, $0x1;
	s10 =	sld [smem:$0x3FBB];
	_ =	sdelay $0x3  }
0x34: {  	[smem:$0x3FBB] =	sst s10  }
0x35: {  	s10 =	sld [smem:$0x3FBA];
	_ =	sdelay $0x3  }
0x36: {  	p1 =	seq.s32 s10, $0x1;
	s10 =	sld [smem:$0x3FBB];
	_ =	sdelay $0x3  }
0x37: {  	[smem:$0x3FBB] =	sst s10  }
0x38: {  	s10 =	sld [smem:$0x3FBC]  }
0x39: {  	_ = 	snop;
	(pc) =	sbr.ind lr, $3  }
0x3a: {  	_ = 	snop  }
0x3b: {  	_ = 	snop  }
0x3c: {  	p2 =	seq.s32 s10, $0x1;
	s10 =	sld [smem:$0x3FBB]  }
0x3d: {  	_ =	shalt  }
0x3e: {  	_ =	shalt  }
0x3f: {  	_ =	shalt  }
0x40: {  	_ =	shalt  }
0x41: {  	_ =	shalt  }
0x42: {  	_ =	shalt  }
0x43: {  	_ =	shalt  }
0x44: {  	_ =	shalt  }
0x45: {  	_ =	shalt  }
0x46: {  	_ =	shalt  }
0x47: {  	_ =	shalt  }
0x48: {  	_ =	shalt  }
0x49: {  	_ =	shalt  }
0x4a: {  	_ =	shalt  }
0x4b: {  	_ =	shalt  }
0x4c: {  	_ =	shalt  }
0x4d: {  	_ =	shalt  }
0x4e: {  	_ =	shalt  }
0x4f: {  	_ =	shalt  }
0x50: {  	_ =	shalt  }
0x51: {  	_ =	shalt  }
0x52: {  	_ =	shalt  }
0x53: {  	_ =	shalt  }
0x54: {  	_ =	shalt  }
0x55: {  	_ =	shalt  }
0x56: {  	_ =	shalt  }
0x57: {  	_ =	shalt  }
0x58: {  	_ =	shalt  }
0x59: {  	_ =	shalt  }
0x5a: {  	_ =	shalt  }
0x5b: {  	_ =	shalt  }
0x5c: {  	_ =	shalt  }
0x5d: {  	_ =	shalt  }
0x5e: {  	_ =	shalt  }
0x5f: {  	_ =	shalt  }
0x60: {  	_ =	shalt  }
0x61: {  	_ =	shalt  }
0x62: {  	_ =	shalt  }
0x63: {  	_ =	shalt  }
0x64: {  	_ =	shalt  }
0x65: {  	_ =	shalt  }
0x66: {  	_ =	shalt  }
0x67: {  	_ =	shalt  }
0x68: {  	_ =	shalt  }
0x69: {  	_ =	shalt  }
0x6a: {  	_ =	shalt  }
0x6b: {  	_ =	shalt  }
0x6c: {  	_ =	shalt  }
0x6d: {  	_ =	shalt  }
0x6e: {  	_ =	shalt  }
0x6f: {  	_ =	shalt  }
0x70: {  	_ =	shalt  }
0x71: {  	_ =	shalt  }
0x72: {  	_ =	shalt  }
0x73: {  	_ =	shalt  }
0x74: {  	_ =	shalt  }
0x75: {  	_ =	shalt  }
0x76: {  	_ =	shalt  }
0x77: {  	_ =	shalt  }
0x78: {  	_ =	shalt  }
0x79: {  	_ =	shalt  }
0x7a: {  	_ =	shalt  }
0x7b: {  	_ =	shalt  }
0x7c: {  	_ =	shalt  }
0x7d: {  	_ =	shalt  }
0x7e: {  	_ =	shalt  }
0x7f: {  	_ =	shalt  }
0x80: {  	_ =	shalt  }
0x81: {  	_ =	shalt  }
0x82: {  	_ =	shalt  }
0x83: {  	_ =	shalt  }
0x84: {  	_ =	shalt  }
0x85: {  	_ =	shalt  }
0x86: {  	_ =	shalt  }
0x87: {  	_ =	shalt  }
.Lfunc_end0:
.L_simem_size_0:
called_computation.1_lowered:
.L_overlay_start_0:
0x88: {  	s2 =	sld [smem:$0x3FD9]  }
0x89: {  	s3 =	sld [smem:$0x3FFE];
	_ =	sdelay $0x1  }
0x8a: {  	s1 =	srdreg.scid  }
0x8b: {  	s0 =	sand.u32 $0x1, s1  }
0x8c: {  	s17 =	sshll.u32 s0, $0xA;
	s2 =	sadd.s32 s3, s2  }
0x8d: {  	s2 =	sadd.s32 s2, s17  }
0x8e: {  	[smem:$0x3FC7] =	sst s2  }
0x8f: {  	_ = 	snop  }
0x90: {  	s2 =	sld [smem:$0x3FC9]  }
0x91: {  	s18 =	sld [smem:$0x3FD0];
	(tm) =	ssettm $0x1  }
0x92: {  	s4 =	sld [smem:$0x3FFB];
	_ =	sdelay $0x3  }
0x93: {  	_ =	strace s4  }
0x94: {  	s4 =	sld [smem:$0x3FFC];
	_ =	sdelay $0x3  }
0x95: {  	_ =	strace s4  }
0x96: {  	s4 =	sld [smem:$0x3FFD];
	_ =	sdelay $0x3  }
0x97: {  	_ =	strace s4  }
0x98: {  	_ =	strace $0x8FFFFFFF  }
0x99: {  	s19 =	sld [smem:$0x3FDB];
	_ =	sdelay $0x1  }
0x9a: {  	s5 =	simm.s32 $_scs_section_size  }
0x9b: {  	s6 =	simm.s32 $_size__tile_overlayer_lowered;
	s7 =	simm.s32 $_tile_overlayer_lowered  }
0x9c: {  	s22 =	simm.s32 $0x1BFF;
	s21 =	sshll.u32 s7, $0x1;
	s4 =	sadd.s32 s5, s19  }
0x9d: {  	s8 =	simm.s32 $0x0;
	s20 =	sshll.u32 s6, $0x1;
	s6 =	sadd.s32 s21, s4  }
0x9e: {  	[timem:s8], [sflag:s22] =	dma.local [hbm:s6], s20  }
0x9f: {  	_ =	swait.ge [sflag:s22], s20  }
0xa0: {  	s5 =	ssub.s32 $0x0, s20;
	[sflag:s22] =	ssyncset.done $0x0  }
0xa1: {  	[sflag:s22] =	ssyncadd.s32 s5;
	_ =	sdelay $0x1  }
0xa2: {  	s23 =	simm.s32 $0x1B8B  }
0xa3: {  	_ =	swait.ge [sflag:s23], $0x1  }
0xa4: {  	[sflag:s23] =	ssyncset.done $0x0  }
0xa5: {  	s25 =	simm.s32 $0x1B8E;
	s24 =	sld [smem:$0x3FFE];
	[sflag:s23] =	ssyncadd.s32 $0xFFFFFFFF  }
0xa6: {  	s26 =	simm.s32 $execute0_lowered;
	[smem:$0x3FD2] =	sst s25  }
0xa7: {  	s6 =	sshll.u32 s26, $0x1;
	_ =	strace $0x80000049;
	[dreg:$0x1] =	wrdreg $0xFFFFFFFF  }
0xa8: {  	s28 =	simm.s32 $_size_execute0_lowered;
	s4 =	sadd.s32 s4, s6;
	[dreg:$0x0] =	wrdreg $0x0  }
0xa9: {  	s6 =	sshll.u32 s28, $0x1;
	[dreg:$0x2] =	wrdreg s4  }
0xaa: {  	[dreg:$0x3] =	wrdreg s6  }
0xab: {  	[dreg:$0x4] =	wrdreg $0xC0  }
0xac: {  	_ =	task [dreg:s8], $0x5FFFF  }
0xad: {  	[dreg:$0x1] =	wrdreg $0xFFFFFFFF  }
0xae: {  	[dreg:$0x0] =	wrdreg $0x60  }
0xaf: {  	[dreg:$0x2] =	wrdreg s2  }
0xb0: {  	[dreg:$0x3] =	wrdreg s24  }
0xb1: {  	[dreg:$0x4] =	wrdreg s18  }
0xb2: {  	[dreg:$0x5] =	wrdreg $0x9  }
0xb3: {  	_ =	task.clear_ibuf [dreg:s8], $0x6FFFF;
	_ =	strace $0x90000049  }
0xb4: {  	s29 =	simm.s32 $0x9;
	_ =	strace $0x8000004B  }
0xb5: {  	_ =	swait.ge [sflag:s29], $0x1  }
0xb6: {  	[sflag:s29] =	ssyncadd.s32 $0xFFFFFFFF  }
0xb7: {  	_ =	strace $0x9000004B  }
0xb8: {  	_ =	sfence  }
0xb9: {  	s30 =	sld [smem:$0x0];
	_ =	sdelay $0x2  }
0xba: {  	s31 =	sshll.u32 s1, $0xD;
	s1 =	sshrl.u32 s1, $0x2  }
0xbb: {  	s3 =	sand.u32 $0x4000, s31;
	s1 =	sadd.s32 s1, s30  }
0xbc: {  	s0 =	sor.u32 s3, s0;
	s1 =	sshll.u32 s1, $0x11  }
0xbd: {  	s0 =	sor.u32 s1, s0  }
0xbe: {  	s0 =	sadd.s32 $0x8F2B, s0  }
0xbf: {  	[sflag:s0] =	ssyncadd.remote.s32 $0x1  }
0xc0: {  	_ =	sfence.sel $0xFFFF  }
0xc1: {  	[dreg:$0x0] =	wrdreg $0xFFFFFFFF;
	(pc) =	sbr.abs _section_cstart, $3  }
0xc2: {  	[dreg:$0x1] =	wrdreg $0xFFFFFFFF  }
0xc3: {  	_ =	task.clear_ibuf [dreg:s8], $0x2FFFF;
	_ =	strace $0x9FFFFFFF  }
0xc4: {  	(tm) =	ssettm $0x7FFFFFFF  }
0xc5: {  	_ =	shalt  }
tec
execute0_lowered:
.L_overlay_start_1:
0x0: {  	(tag) =	ssettag $0x1  }
0x1: {  	s2 =	rddreg [dreg:$0x0]  }
0x2: {  	s4 =	rddreg [dreg:$0x1]  }
0x3: {  	s5 =	rddreg [dreg:$0x2];
	s1 =	srdreg.scid  }
0x4: {  	s0 =	rddreg [dreg:$0x3];
	s3 =	simm.s32 $0x0;
	s11 =	simm.s32 $0x4400  }
0x5: {  	s12 =	simm.s32 $0x300;
	s13 =	simm.s32 $0x8400;
	s14 =	simm.s32 $0x380  }
0x6: {  	s6 =	sand.u32 $0x1, s1;
	s1 =	stileid.u32;
	[smem:$0x7FF] =	sst s3  }
0x7: {  	s7 =	sshll.u32 s6, $0x4;
	s8 =	sand.u32 $0x3, s1;
	_ =	strace $0x8000004A  }
0x8: {  	s29 =	ssub.s32 $0x2, s6;
	s6 =	simm.s32 $0x1;
	s7 =	sor.u32 s1, s7  }
0x9: {  	p1 =	sne.s32 s8, $0x0;
	s30 =	sshrl.u32 s29, $0x1;
	s9 =	sshll.u32 s7, $0x6  }
0xa: {  	p0 =	seq.s32 s7, $0x0;
	s28 =	sadd.s32 s9, s4;
	s9 =	ssub.s32 s29, s30  }
0xb: {  	s8 =	simm.s32 $0x80;
	p0 =	por !p1, !p0;
	s17 =	smax.u32 s9, $0x1  }
0xc: {  	s10 =	sshrl.u32 s7, $0x2;
	p0 =	por !p0, !p0;
	p1 =	sne.s32 s17, $0x1  }
.Ltmp0:
0xd: {  	s31 =	sshll.u32 s7, $0xD;
	s6 =	simm.s32 @!p0 $0x0;
	(pc) =	sbr.rel @!p1 .LBB2_3-.Ltmp0, $4  }
0xe: {  	s7 =	simm.s32 $0x400;
	s4 =	simm.s32 $0x1;
	s6 =	ssub.s32 s10, s6  }
0xf: {  	s16 =	sadd.s32 $0x800, s28;
	s9 =	simm.s32 $0x200;
	s15 =	smul.u32 $0xC350, s6  }
0x10: {  	s17 =	sadd.s32 $0xFFFFFFFF, s17;
	p0 =	por $0x0, $0x0;
	s10 =	simm.s32 $0x280  }
0x11: {  	s6 =	sadd.s32 s5, s31;
	s5 =	simm.s32 $0x2;
	v0 =	vmov s15;
	s15 =	simm.s32 $0xC400  }
0x12: {  	[tilespmem:s3], [sflag:$0x2] =	stream.linear.gather [hbm4b:s16+s3], $0x200, $0x38;
	[tilespmem:$0x10400] =	vst v63  }
0x13: {  	_ =	swait.ge [sflag:s5], $0x200  }
0x14: {  	[sflag:s5] =	ssyncset.done $0x0  }
0x15: {  	[sflag:s5] =	ssyncadd.s32 $0xFFFFFE00  }
0x16: {  	v1 =	vld [tilespmem:$0x80]  }
0x17: {  	v2 =	vld [tilespmem:$0x100]  }
0x18: {  	v3 =	vld [tilespmem:$0x70]  }
0x19: {  	v4 =	vld [tilespmem:$0x0]  }
0x1a: {  	v5 =	vld [tilespmem:$0x10]  }
0x1b: {  	v6 =	vld [tilespmem:$0x140]  }
0x1c: {  	v7 =	vld [tilespmem:$0x20]  }
0x1d: {  	v8 =	vld [tilespmem:$0x130];
	v2 =	vadd.s32 v0, v2  }
0x1e: {  	v9 =	vld [tilespmem:$0x40];
	v1 =	vadd.s32 v0, v1;
	[tilespmem:$0x300] =	vst v2  }
0x1f: {  	v63 =	vld [tilespmem:$0xE0];
	v5 =	vadd.s32 v0, v5;
	[tilespmem:$0x280] =	vst v1  }
0x20: {  	v6 =	vadd.s32 v0, v6;
	[tilespmem:$0x210] =	vst v5;
	v5 =	vld [tilespmem:$0x90]  }
0x21: {  	v4 =	vadd.s32 v0, v4;
	v2 =	vld [tilespmem:$0x120];
	[tilespmem:$0x340] =	vst v6  }
0x22: {  	v7 =	vadd.s32 v0, v7;
	v6 =	vld [tilespmem:$0x180];
	[tilespmem:$0x200] =	vst v4  }
0x23: {  	v1 =	vld [tilespmem:$0xF0];
	v4 =	vadd.s32 v0, v8;
	[tilespmem:$0x220] =	vst v7  }
0x24: {  	v3 =	vadd.s32 v0, v3;
	[tilespmem:$0x330] =	vst v4;
	v4 =	vld [tilespmem:$0x190]  }
0x25: {  	v7 =	vld [tilespmem:$0x1D0];
	[tilespmem:$0x270] =	vst v3;
	v3 =	vadd.s32 v0, v5  }
0x26: {  	v8 =	vld [tilespmem:$0x170];
	v2 =	vadd.s32 v0, v2;
	[tilespmem:$0x290] =	vst v3  }
0x27: {  	v10 =	vld [tilespmem:$0x110];
	v5 =	vadd.s32 v0, v6;
	[tilespmem:$0x320] =	vst v2  }
0x28: {  	v1 =	vadd.s32 v0, v1;
	v2 =	vld [tilespmem:$0x1C0];
	[tilespmem:$0x380] =	vst v5  }
0x29: {  	v4 =	vadd.s32 v0, v4;
	v5 =	vld [tilespmem:$0x1A0];
	[tilespmem:$0x2F0] =	vst v1  }
0x2a: {  	v6 =	vld [tilespmem:$0x150];
	[tilespmem:$0x390] =	vst v4;
	v4 =	vadd.s32 v0, v7  }
0x2b: {  	v7 =	vadd.s32 v0, v8;
	[tilespmem:$0x3D0] =	vst v4;
	v4 =	vld [tilespmem:$0x1F0]  }
0x2c: {  	v8 =	vadd.s32 v0, v9;
	[tilespmem:$0x370] =	vst v7;
	v7 =	vld [tilespmem:$0x1B0]  }
0x2d: {  	v11 =	vld [tilespmem:$0xD0];
	[tilespmem:$0x240] =	vst v8;
	v2 =	vadd.s32 v0, v2  }
0x2e: {  	v8 =	vld [tilespmem:$0x1E0];
	v5 =	vadd.s32 v0, v5;
	[tilespmem:$0x3C0] =	vst v2  }
0x2f: {  	v3 =	vld [tilespmem:$0x160];
	v2 =	vadd.s32 v0, v6;
	[tilespmem:$0x3A0] =	vst v5  }
0x30: {  	v6 =	vld [tilespmem:$0x50];
	[tilespmem:$0x350] =	vst v2;
	v2 =	vadd.s32 v0, v4  }
0x31: {  	p1 =	sne.s32 s17, $0x1;
	[tilespmem:$0x3F0] =	vst v2;
	v2 =	vadd.s32 v0, v7;
	v7 =	vld [tilespmem:$0xC0]  }
.Ltmp1:
0x32: {  	v5 =	vadd.s32 v0, v10;
	[tilespmem:$0x3B0] =	vst v2;
	v2 =	vld [tilespmem:$0x30];
	(pc) =	sbr.rel @!p1 .LBB2_3-.Ltmp1, $4  }
0x33: {  	v1 =	vadd.s32 v0, v8;
	v4 =	vld [tilespmem:$0xB0];
	[tilespmem:$0x310] =	vst v5  }
0x34: {  	v5 =	vld [tilespmem:$0x60];
	v8 =	vadd.s32 v0, v11;
	[tilespmem:$0x3E0] =	vst v1  }
0x35: {  	v1 =	vadd.s32 v0, v63;
	[tilespmem:$0x2D0] =	vst v8  }
0x36: {  	s17 =	sadd.s32 $0xFFFFFFFF, s17;
	p0 =	por $0x1, $0x1;
	[tilespmem:$0x2E0] =	vst v1;
	v1 =	vadd.s32 v0, v3;
	v3 =	vadd.s32 v0, v6;
	v6 =	vld [tilespmem:$0xA0];
	v7 =	vadd.s32 v0, v7  }
.LBB2_2:
0x37: {  	p1 =	sne.s32 s17, $0x1;
	s17 =	sadd.s32 $0xFFFFFFFF, s17;
	v2 =	vadd.s32 v0, v2;
	[tilespmem:$0x2C0] =	vst v7  }
0x38: {  	[tilespmem:$0x230] =	vst v2;
	v2 =	vadd.s32 v0, v4  }
0x39: {  	v4 =	vadd.s32 v0, v5;
	[tilespmem:$0x2B0] =	vst v2  }
0x3a: {  	[tilespmem:$0x360] =	vst v1  }
0x3b: {  	[tilespmem:$0x260] =	vst v4;
	v1 =	vadd.s32 v0, v6  }
0x3c: {  	[tilespmem:$0x2A0] =	vst v1  }
0x3d: {  	[tilespmem:$0x250] =	vst v3  }
0x3e: {  	[tilespmem:s7], [sflag:$0x1] =	stream.indirect.gather [hbm4b:s2+s8], $0x80, s9, s8, $0xb8;
	[tilespmem:$0x10400] =	vst v63  }
0x3f: {  	_ = 	snop  }
0x40: {  	[tilespmem:s11], [sflag:$0x1] =	stream.indirect.gather [hbm4b:s2+s8], $0x80, s10, s8, $0xb8;
	[tilespmem:$0x10400] =	vst v63  }
0x41: {  	_ = 	snop  }
0x42: {  	[tilespmem:s13], [sflag:$0x1] =	stream.indirect.gather [hbm4b:s2+s8], $0x80, s12, s8, $0xb8;
	[tilespmem:$0x10400] =	vst v63  }
0x43: {  	_ = 	snop  }
0x44: {  	[tilespmem:s15], [sflag:$0x1] =	stream.indirect.gather [hbm4b:s2+s8], $0x80, s14, s8, $0xb8;
	[tilespmem:$0x10400] =	vst v63  }
0x45: {  	_ =	swait.ge [sflag:s4], $0x10000  }
0x46: {  	[sflag:s4] =	ssyncset.done $0x0  }
0x47: {  	[sflag:s4] =	ssyncadd.s32 $0xFFFF0000  }
0x48: {  	[hbm4b:s6+s3] =	stream.linear.scatter [tilespmem:s7], [sflag:$0x2], $0x10000, $0x38;
	[tilespmem:$0x10400] =	vst v63  }
0x49: {  	_ =	swait.ge [sflag:s5], $0x10000  }
0x4a: {  	[sflag:s5] =	ssyncset.done $0x0  }
0x4b: {  	[sflag:s5] =	ssyncadd.s32 $0xFFFF0000  }
0x4c: {  	[tilespmem:s3], [sflag:$0x2] =	stream.linear.gather [hbm4b:s16+s3], $0x200, $0x38;
	[tilespmem:$0x10400] =	vst v63  }
0x4d: {  	_ =	swait.ge [sflag:s5], $0x200  }
0x4e: {  	[sflag:s5] =	ssyncset.done $0x0  }
0x4f: {  	[sflag:s5] =	ssyncadd.s32 $0xFFFFFE00  }
0x50: {  	v1 =	vld [tilespmem:$0x80]  }
0x51: {  	v2 =	vld [tilespmem:$0x100]  }
0x52: {  	v3 =	vld [tilespmem:$0x70]  }
0x53: {  	v4 =	vld [tilespmem:$0x0]  }
0x54: {  	v5 =	vld [tilespmem:$0x10]  }
0x55: {  	v6 =	vld [tilespmem:$0x140]  }
0x56: {  	v7 =	vld [tilespmem:$0x20];
	v2 =	vadd.s32 v0, v2  }
0x57: {  	v1 =	vadd.s32 v0, v1;
	v3 =	vadd.s32 v0, v3;
	[tilespmem:$0x300] =	vst v2;
	v2 =	vld [tilespmem:$0x130]  }
0x58: {  	v4 =	vadd.s32 v0, v4;
	v8 =	vld [tilespmem:$0x120]  }
0x59: {  	v5 =	vadd.s32 v0, v5;
	[tilespmem:$0x280] =	vst v1;
	v1 =	vld [tilespmem:$0xF0]  }
0x5a: {  	[tilespmem:$0x210] =	vst v5;
	v5 =	vld [tilespmem:$0x90];
	v6 =	vadd.s32 v0, v6  }
0x5b: {  	v7 =	vadd.s32 v0, v7;
	[tilespmem:$0x340] =	vst v6;
	v6 =	vld [tilespmem:$0x180]  }
0x5c: {  	[tilespmem:$0x200] =	vst v4;
	v2 =	vadd.s32 v0, v2;
	v4 =	vld [tilespmem:$0x170]  }
0x5d: {  	v8 =	vadd.s32 v0, v8;
	[tilespmem:$0x330] =	vst v2;
	v2 =	vld [tilespmem:$0x190]  }
0x5e: {  	[tilespmem:$0x220] =	vst v7;
	v7 =	vadd.s32 v0, v1;
	v1 =	vld [tilespmem:$0x1D0]  }
0x5f: {  	v9 =	vld [tilespmem:$0x40];
	[tilespmem:$0x270] =	vst v3;
	v3 =	vadd.s32 v0, v5  }
0x60: {  	[tilespmem:$0x290] =	vst v3;
	v3 =	vld [tilespmem:$0x160];
	v5 =	vadd.s32 v0, v6  }
0x61: {  	[tilespmem:$0x320] =	vst v8;
	v4 =	vadd.s32 v0, v4;
	v6 =	vld [tilespmem:$0x1C0]  }
0x62: {  	[tilespmem:$0x380] =	vst v5;
	v2 =	vadd.s32 v0, v2;
	v5 =	vld [tilespmem:$0x1A0]  }
0x63: {  	v8 =	vld [tilespmem:$0x150];
	[tilespmem:$0x390] =	vst v2;
	v1 =	vadd.s32 v0, v1  }
0x64: {  	v2 =	vadd.s32 v0, v9;
	[tilespmem:$0x3D0] =	vst v1;
	v9 =	vld [tilespmem:$0x1F0]  }
0x65: {  	v1 =	vadd.s32 v0, v3;
	[tilespmem:$0x370] =	vst v4;
	v3 =	vld [tilespmem:$0x1B0]  }
0x66: {  	[tilespmem:$0x240] =	vst v2;
	v2 =	vadd.s32 v0, v6;
	v4 =	vld [tilespmem:$0x1E0]  }
0x67: {  	v6 =	vld [tilespmem:$0xE0];
	v5 =	vadd.s32 v0, v5;
	[tilespmem:$0x3C0] =	vst v2  }
0x68: {  	v10 =	vld [tilespmem:$0x110];
	v2 =	vadd.s32 v0, v8;
	[tilespmem:$0x3A0] =	vst v5  }
0x69: {  	v5 =	vld [tilespmem:$0x50];
	[tilespmem:$0x350] =	vst v2;
	v2 =	vadd.s32 v0, v9  }
0x6a: {  	v8 =	vld [tilespmem:$0xD0];
	v3 =	vadd.s32 v0, v3;
	[tilespmem:$0x3F0] =	vst v2  }
0x6b: {  	v9 =	vld [tilespmem:$0xC0];
	[tilespmem:$0x2F0] =	vst v7;
	v7 =	vadd.s32 v0, v4  }
.Ltmp2:
0x6c: {  	v2 =	vld [tilespmem:$0x30];
	v6 =	vadd.s32 v0, v6;
	[tilespmem:$0x3B0] =	vst v3;
	(pc) =	sbr.rel @p1 .LBB2_2-.Ltmp2, $4  }
0x6d: {  	v4 =	vld [tilespmem:$0xB0];
	v10 =	vadd.s32 v0, v10;
	[tilespmem:$0x3E0] =	vst v7  }
0x6e: {  	v3 =	vadd.s32 v0, v5;
	v5 =	vld [tilespmem:$0x60];
	[tilespmem:$0x310] =	vst v10  }
0x6f: {  	v8 =	vadd.s32 v0, v8;
	[tilespmem:$0x2E0] =	vst v6  }
0x70: {  	v6 =	vld [tilespmem:$0xA0];
	v7 =	vadd.s32 v0, v9;
	[tilespmem:$0x2D0] =	vst v8  }
.LBB2_3:
0x71: {  	[tilespmem:$0x2C0] =	vst @p0 v7  }
0x72: {  	[tilespmem:$0x360] =	vst @p0 v1  }
0x73: {  	v2 =	vadd.s32 @p0 v0, v2;
	[tilespmem:$0x250] =	vst @p0 v3  }
0x74: {  	[tilespmem:$0x230] =	vst @p0 v2;
	v2 =	vadd.s32 @p0 v0, v4  }
0x75: {  	[tilespmem:$0x2B0] =	vst @p0 v2;
	v2 =	vadd.s32 @p0 v0, v5  }
0x76: {  	[tilespmem:$0x260] =	vst @p0 v2;
	v1 =	vadd.s32 @p0 v0, v6  }
0x77: {  	[tilespmem:$0x2A0] =	vst @p0 v1  }
0x78: {  	[tilespmem:s7], [sflag:$0x1] =	stream.indirect.gather @p0 [hbm4b:s2+s8], $0x80, s9, s8, $0xb8;
	[tilespmem:$0x10400] =	vst v63  }
0x79: {  	_ = 	snop  }
0x7a: {  	[tilespmem:s11], [sflag:$0x1] =	stream.indirect.gather @p0 [hbm4b:s2+s8], $0x80, s10, s8, $0xb8;
	[tilespmem:$0x10400] =	vst v63  }
0x7b: {  	_ = 	snop  }
0x7c: {  	[tilespmem:s13], [sflag:$0x1] =	stream.indirect.gather @p0 [hbm4b:s2+s8], $0x80, s12, s8, $0xb8;
	[tilespmem:$0x10400] =	vst v63  }
0x7d: {  	_ = 	snop  }
0x7e: {  	[tilespmem:s15], [sflag:$0x1] =	stream.indirect.gather @p0 [hbm4b:s2+s8], $0x80, s14, s8, $0xb8;
	[tilespmem:$0x10400] =	vst v63  }
0x7f: {  	_ =	swait.ge @p0 [sflag:s4], $0x10000  }
0x80: {  	[sflag:s4] =	ssyncset.done @p0 $0x0  }
0x81: {  	[sflag:s4] =	ssyncadd.s32 @p0 $0xFFFF0000  }
0x82: {  	[hbm4b:s6+s3] =	stream.linear.scatter @p0 [tilespmem:s7], [sflag:$0x2], $0x10000, $0x38;
	[tilespmem:$0x10400] =	vst v63  }
0x83: {  	_ =	swait.ge @p0 [sflag:s5], $0x10000  }
0x84: {  	[sflag:s5] =	ssyncset.done @p0 $0x0  }
0x85: {  	[sflag:s5] =	ssyncadd.s32 @p0 $0xFFFF0000  }
0x86: {  	[tilespmem:s3], [sflag:$0x2] =	stream.linear.gather [hbm4b:s16+s3], $0x200, $0x38;
	[tilespmem:$0x10400] =	vst v63  }
0x87: {  	_ =	swait.ge [sflag:s5], $0x200  }
0x88: {  	[sflag:s5] =	ssyncset.done $0x0  }
0x89: {  	[sflag:s5] =	ssyncadd.s32 $0xFFFFFE00  }
0x8a: {  	v16 =	vld [tilespmem:$0x100]  }
0x8b: {  	v17 =	vld [tilespmem:$0x80]  }
0x8c: {  	v18 =	vld [tilespmem:$0x10]  }
0x8d: {  	v19 =	vld [tilespmem:$0x140]  }
0x8e: {  	v20 =	vld [tilespmem:$0x0]  }
0x8f: {  	v21 =	vld [tilespmem:$0x130];
	v1 =	vadd.s32 v0, v16  }
0x90: {  	v22 =	vld [tilespmem:$0x20];
	v2 =	vadd.s32 v0, v17;
	[tilespmem:$0x300] =	vst v1  }
0x91: {  	v24 =	vld [tilespmem:$0x90];
	v3 =	vadd.s32 v0, v18;
	[tilespmem:$0x280] =	vst v2  }
0x92: {  	v27 =	vld [tilespmem:$0x120];
	v25 =	vadd.s32 v0, v19;
	[tilespmem:$0x210] =	vst v3  }
0x93: {  	v28 =	vld [tilespmem:$0x180];
	v26 =	vadd.s32 v0, v20;
	[tilespmem:$0x340] =	vst v25  }
0x94: {  	v31 =	vld [tilespmem:$0x190];
	v29 =	vadd.s32 v0, v21;
	[tilespmem:$0x200] =	vst v26  }
0x95: {  	v32 =	vld [tilespmem:$0x1D0];
	v30 =	vadd.s32 v0, v22;
	[tilespmem:$0x330] =	vst v29  }
0x96: {  	v33 =	vld [tilespmem:$0x170];
	v34 =	vadd.s32 v0, v24;
	[tilespmem:$0x220] =	vst v30  }
0x97: {  	v36 =	vld [tilespmem:$0x40];
	v35 =	vadd.s32 v0, v27;
	[tilespmem:$0x290] =	vst v34  }
0x98: {  	v41 =	vld [tilespmem:$0x150];
	v37 =	vadd.s32 v0, v28;
	[tilespmem:$0x320] =	vst v35  }
0x99: {  	v45 =	vld [tilespmem:$0xF0];
	v39 =	vadd.s32 v0, v31;
	[tilespmem:$0x380] =	vst v37  }
0x9a: {  	v46 =	vld [tilespmem:$0x1B0];
	v42 =	vadd.s32 v0, v32;
	[tilespmem:$0x390] =	vst v39  }
0x9b: {  	v47 =	vld [tilespmem:$0x1E0];
	v43 =	vadd.s32 v0, v33;
	[tilespmem:$0x3D0] =	vst v42  }
0x9c: {  	v51 =	vld [tilespmem:$0xD0];
	v5 =	vadd.s32 v0, v36;
	[tilespmem:$0x370] =	vst v43  }
0x9d: {  	v53 =	vld [tilespmem:$0xC0];
	v4 =	vadd.s32 v0, v41;
	[tilespmem:$0x240] =	vst v5  }
0x9e: {  	v58 =	vld [tilespmem:$0x60];
	v50 =	vadd.s32 v0, v45;
	[tilespmem:$0x350] =	vst v4  }
0x9f: {  	v59 =	vld [tilespmem:$0xA0];
	v52 =	vadd.s32 v0, v46;
	[tilespmem:$0x2F0] =	vst v50  }
0xa0: {  	v60 =	vld [tilespmem:$0x50];
	v54 =	vadd.s32 v0, v47;
	[tilespmem:$0x3B0] =	vst v52  }
0xa1: {  	v23 =	vld [tilespmem:$0x70];
	v7 =	vadd.s32 v0, v51;
	[tilespmem:$0x3E0] =	vst v54  }
0xa2: {  	v38 =	vld [tilespmem:$0x1C0];
	v6 =	vadd.s32 v0, v53;
	[tilespmem:$0x2D0] =	vst v7  }
0xa3: {  	v40 =	vld [tilespmem:$0x1A0];
	v61 =	vadd.s32 v0, v58;
	[tilespmem:$0x2C0] =	vst v6  }
0xa4: {  	v55 =	vld [tilespmem:$0x30];
	v62 =	vadd.s32 v0, v59;
	[tilespmem:$0x260] =	vst v61  }
0xa5: {  	v57 =	vld [tilespmem:$0x160];
	v63 =	vadd.s32 v0, v60;
	[tilespmem:$0x2A0] =	vst v62  }
0xa6: {  	v44 =	vld [tilespmem:$0x1F0];
	v1 =	vadd.s32 v0, v23;
	[tilespmem:$0x250] =	vst v63  }
0xa7: {  	v48 =	vld [tilespmem:$0x110];
	v2 =	vadd.s32 v0, v38;
	[tilespmem:$0x270] =	vst v1  }
0xa8: {  	v49 =	vld [tilespmem:$0xE0];
	v3 =	vadd.s32 v0, v40;
	[tilespmem:$0x3C0] =	vst v2  }
0xa9: {  	v56 =	vld [tilespmem:$0xB0];
	v5 =	vadd.s32 v0, v55;
	[tilespmem:$0x3A0] =	vst v3  }
0xaa: {  	v4 =	vadd.s32 v0, v57;
	[tilespmem:$0x230] =	vst v5  }
0xab: {  	v1 =	vadd.s32 v0, v44;
	[tilespmem:$0x360] =	vst v4  }
0xac: {  	v2 =	vadd.s32 v0, v48;
	[tilespmem:$0x3F0] =	vst v1  }
0xad: {  	v3 =	vadd.s32 v0, v49;
	[tilespmem:$0x310] =	vst v2  }
0xae: {  	[tilespmem:$0x2E0] =	vst v3;
	v1 =	vadd.s32 v0, v56  }
0xaf: {  	[tilespmem:$0x2B0] =	vst v1  }
0xb0: {  	[tilespmem:s7], [sflag:$0x1] =	stream.indirect.gather [hbm4b:s2+s8], $0x80, s9, s8, $0xb8;
	[tilespmem:$0x10400] =	vst v63  }
0xb1: {  	_ = 	snop  }
0xb2: {  	[tilespmem:s11], [sflag:$0x1] =	stream.indirect.gather [hbm4b:s2+s8], $0x80, s10, s8, $0xb8;
	[tilespmem:$0x10400] =	vst v63  }
0xb3: {  	_ = 	snop  }
0xb4: {  	[tilespmem:s13], [sflag:$0x1] =	stream.indirect.gather [hbm4b:s2+s8], $0x80, s12, s8, $0xb8;
	[tilespmem:$0x10400] =	vst v63  }
0xb5: {  	_ = 	snop  }
0xb6: {  	[tilespmem:s15], [sflag:$0x1] =	stream.indirect.gather [hbm4b:s2+s8], $0x80, s14, s8, $0xb8;
	[tilespmem:$0x10400] =	vst v63  }
0xb7: {  	_ =	swait.ge [sflag:s4], $0x10000  }
0xb8: {  	[sflag:s4] =	ssyncset.done $0x0  }
0xb9: {  	[sflag:s4] =	ssyncadd.s32 $0xFFFF0000  }
0xba: {  	[hbm4b:s6+s3] =	stream.linear.scatter [tilespmem:s7], [sflag:$0x2], $0x10000, $0x38;
	[tilespmem:$0x10400] =	vst v63  }
0xbb: {  	_ =	swait.ge [sflag:s5], $0x10000  }
0xbc: {  	[sflag:s5] =	ssyncset.done $0x0  }
0xbd: {  	[sflag:s5] =	ssyncadd.s32 $0xFFFF0000  }
0xbe: {  	_ =	sfence.sel $0x180000  }
0xbf: {  	[bflag:$0x0] =	sbarrier.arrive $0xFFFF  }
0xc0: {  	p0 =	sne.s32 s1, $0x0;
	_ =	strace $0x9000004A  }
0xc1: {  	s0 =	sadd.s32 @!p0 $0x100000, s0;
	[bflag:$0x2] =	sbarrier.arrive $0xFFFF  }
0xc2: {  	[sflag:s0] =	ssyncadd.tile.s32 @!p0 $0x1;
	_ =	shalt  }
.Lfunc_end2:
_tile_overlayer_lowered:
.L_overlay_start_2:
0xc3: {  	(tag) =	ssettag $0x2  }
0xc4: {  	s0 =	rddreg [dreg:$0x0];
	s2 =	stileid.u32  }
0xc5: {  	s1 =	rddreg [dreg:$0x1];
	p0 =	sne.s32 s2, $0x0  }
0xc6: {  	s3 =	rddreg [dreg:$0x2];
	[bflag:$0x3] =	sbarrier.arrive $0xFFFF;
	s2 =	simm.s32 @!p0 $0x1C02  }
0xc7: {  	[timem:s3], [sflag:s2] =	dma.local @!p0 [hbm:s0], s1  }
0xc8: {  	s0 =	simm.s32 @!p0 $0x2  }
0xc9: {  	_ =	swait.ge @!p0 [sflag:s0], s1  }
0xca: {  	s1 =	ssub.s32 @!p0 $0x0, s1;
	[sflag:s0] =	ssyncset.done @!p0 $0x0  }
0xcb: {  	[sflag:s0] =	ssyncadd.s32 @!p0 s1  }
0xcc: {  	[bflag:$0x3] =	sbarrier.arrive $0xFFFF  }
0xcd: {  	_ =	shalt  }

</sc_bundles>
